<compile_context>
chip_gen: v7x
topology: tpu7x:2x2x1
jax: 0.10.2.dev20260603
libtpu: 0.0.44.dev20260713+nightly
codegen_flags: <defaults>
</compile_context>

<pallas_src>
import functools

import jax
import jax.numpy as jnp
from jax import lax
from jax.experimental import pallas as pl
from jax.experimental.pallas import tpu as pltpu
from jax.experimental.pallas import tpu_sc as plsc

N = 10000
E = 320000
D = 128
D_EDGE = 16
HIDDEN = 64
AVG_NEIGH = 32.0

NW = 32
CH = 128
CG = 8
NG = 10
CJ = CG * NG
E_PAD = NW * CJ * CH
CHP = CH // 4
CH2 = 64
CJ2 = 160
NP = 40
NSLAB = 2
E_SLAB = E_PAD // 2
SLAB_BLKS = 64
CJ2S = 80
CPB2 = 40
PACK = 4
BLK_PK = 640
W_WIDE = BLK_PK // 2
N_BLKS = E_PAD // (PACK * BLK_PK)
REAL_BLKS = E // (PACK * BLK_PK)
NSUB = 16
N_PAD = 10240
NPS = N_PAD // NSUB


def _matmul_body(a_ref, w_ref, o_ref):
    o_ref[...] = jnp.dot(a_ref[...], w_ref[...],
                         preferred_element_type=jnp.float32)


def _final_body(pa_ref, pb_ref, w_ref, o_ref):
    o_ref[...] = jnp.dot(pa_ref[0] + pa_ref[1] + pb_ref[0] + pb_ref[1],
                         w_ref[...], preferred_element_type=jnp.float32)


def _make_mlp_body(real_blks):
    def _mlp_body(ef_ref, a_ref, w1_ref, w2_ref, w3_ref, w4_ref, e4_ref,
                  o_ref):
        i = pl.program_id(0)
        ef0 = ef_ref[...]
        ef = jnp.concatenate(
            [ef0[k * BLK_PK:(k + 1) * BLK_PK, :] for k in range(PACK)],
            axis=1)
        h = jax.nn.silu(jnp.dot(ef, w1_ref[...],
                                preferred_element_type=jnp.float32))
        h = jax.nn.silu(jnp.dot(h, w2_ref[...],
                                preferred_element_type=jnp.float32))
        h = jax.nn.silu(jnp.dot(h, w3_ref[...],
                                preferred_element_type=jnp.float32))
        a0 = a_ref[...]
        a4 = jnp.concatenate(
            [a0[k * BLK_PK:(k + 1) * BLK_PK, :] for k in range(PACK)],
            axis=1)
        ab = jnp.dot(a4, e4_ref[...], preferred_element_type=jnp.float32)
        w = jnp.dot(h * ab, w4_ref[...], preferred_element_type=jnp.float32)
        o_ref[...] = w * jnp.where(i < real_blks, 1.0, 0.0)
    return _mlp_body


def _sc_body(x_hbm, wm_hbm, send_hbm, recv_hbm, zeros_hbm, out_hbm,
             idx_v, rows_v, wm_v, acc, sem_i, sg0, sg1, sw0, sw1):
    cid = lax.axis_index("c")
    sid = lax.axis_index("s")
    tile = cid * NSUB + sid
    nslice = pl.ds(sid * NPS, NPS)
    pltpu.sync_copy(zeros_hbm.at[nslice], acc.at[nslice])
    plsc.subcore_barrier()
    sgs = (sg0, sg1)
    sws = (sw0, sw1)

    def issue(j, s):
        b = j // CPB2
        rem = j - b * CPB2
        kseg = rem // 10
        c10 = rem - kseg * 10
        cw = pltpu.async_copy(
            wm_hbm.at[pl.ds(b * BLK_PK + c10 * CH2, CH2),
                      pl.ds(kseg * D, D)],
            wm_v.at[s], sws[s])
        p = (j // 2) % 2
        cg = pltpu.async_copy(x_hbm.at[idx_v.at[p, 0, j % 2]],
                              rows_v.at[s], sgs[s])
        return cw, cg

    def process(j, s):
        pltpu.make_async_copy(wm_hbm.at[pl.ds(0, CH2), pl.ds(0, D)],
                              wm_v.at[s], sws[s]).wait()
        pltpu.make_async_copy(x_hbm.at[idx_v.at[0, 0, 0]],
                              rows_v.at[s], sgs[s]).wait()

        @pl.loop(0, CH2)
        def _row(r):
            for c in range(8):
                sl = pl.ds(c * 16, 16)
                rows_v[s, r, sl] = rows_v[s, r, sl] * wm_v[s, r, sl]

        p = (j // 2) % 2
        pltpu.sync_copy(rows_v.at[s], acc.at[idx_v.at[p, 1, j % 2]],
                        add=True)

    pltpu.sync_copy(send_hbm.at[tile, 0], idx_v.at[0, 0])
    pltpu.sync_copy(recv_hbm.at[tile, 0], idx_v.at[0, 1])
    issue(tile * CJ2S + 0, 0)
    issue(tile * CJ2S + 1, 1)

    @pl.loop(0, NP)
    def _pair(jj):
        p = jj % 2
        j0 = tile * CJ2S + jj * 2

        @pl.when(jj < NP - 1)
        def _pf():
            ci1 = pltpu.async_copy(send_hbm.at[tile, jj + 1],
                                   idx_v.at[1 - p, 0], sem_i)
            ci2 = pltpu.async_copy(recv_hbm.at[tile, jj + 1],
                                   idx_v.at[1 - p, 1], sem_i)

        process(j0, 0)

        @pl.when(jj < NP - 1)
        def _n0():
            pltpu.make_async_copy(send_hbm.at[tile, 0], idx_v.at[0, 0],
                                  sem_i).wait()
            pltpu.make_async_copy(recv_hbm.at[tile, 0], idx_v.at[0, 1],
                                  sem_i).wait()
            issue(j0 + 2, 0)

        process(j0 + 1, 1)

        @pl.when(jj < NP - 1)
        def _n1():
            issue(j0 + 3, 1)

    plsc.subcore_barrier()
    pltpu.sync_copy(acc.at[nslice], out_hbm.at[cid, nslice])


def kernel(node_feats, edge_index, edge_attrs, edge_feats,
           W_up, W1, W2, W3, W4, W_lin):
    f32 = jnp.float32
    W_up_s = W_up * (1.0 / jnp.sqrt(f32(D)))
    W_lin_s = W_lin * (1.0 / (jnp.sqrt(f32(D)) * AVG_NEIGH))
    W1_s = W1 * (1.0 / jnp.sqrt(f32(D_EDGE)))
    W2_s = W2 * (1.0 / jnp.sqrt(f32(HIDDEN)))
    W3_s = W3 * (1.0 / jnp.sqrt(f32(HIDDEN)))
    W4_s = W4 * (1.0 / jnp.sqrt(f32(HIDDEN)))

    def bdiag(w, reps):
        rows, cols = w.shape
        out = jnp.zeros((rows * reps, cols * reps), f32)
        for k in range(reps):
            out = out.at[k * rows:(k + 1) * rows,
                         k * cols:(k + 1) * cols].set(w)
        return out

    W1b = bdiag(W1_s, PACK)
    W2b = bdiag(W2_s, PACK)
    W3b = bdiag(W3_s, PACK)
    W4b = bdiag(W4_s, PACK)
    E4 = bdiag(jnp.ones((1, HIDDEN), f32), PACK)

    x = pl.pallas_call(
        _matmul_body,
        out_shape=jax.ShapeDtypeStruct((N, D), f32),
    )(node_feats, W_up_s)

    full = lambda a: pl.BlockSpec(a.shape, lambda i: (0, 0))

    def mlp_slab(off_blks, real_blks):
        imap = lambda i: (jnp.minimum(i + off_blks, REAL_BLKS - 1), 0)
        return pl.pallas_call(
            _make_mlp_body(real_blks),
            grid=(SLAB_BLKS,),
            in_specs=[
                pl.BlockSpec((PACK * BLK_PK, D_EDGE), imap),
                pl.BlockSpec((PACK * BLK_PK, 1), imap),
                full(W1b), full(W2b), full(W3b), full(W4b), full(E4),
            ],
            out_specs=pl.BlockSpec((BLK_PK, D * PACK), lambda i: (i, 0)),
            out_shape=jax.ShapeDtypeStruct((E_SLAB // PACK, D * PACK), f32),
        )(edge_feats, edge_attrs, W1b, W2b, W3b, W4b, E4)

    wm_a = mlp_slab(0, SLAB_BLKS)
    wm_b = mlp_slab(SLAB_BLKS, 61)

    pad = E_PAD - E
    spread = jnp.arange(pad, dtype=jnp.int32) % N

    send = jnp.concatenate([edge_index[0], spread]).reshape(
        NSLAB, NW, NP, 2, CH2)
    recv = jnp.concatenate([edge_index[1], spread]).reshape(
        NSLAB, NW, NP, 2, CH2)
    zeros = jnp.zeros((N_PAD, D), f32)

    mesh = plsc.VectorSubcoreMesh(core_axis_name="c", subcore_axis_name="s")
    sc_call = functools.partial(
        pl.kernel,
        mesh=mesh,
        out_type=jax.ShapeDtypeStruct((2, N_PAD, D), f32),
        scratch_types=[
            pltpu.VMEM((2, 2, 2, CH2), jnp.int32),
            pltpu.VMEM((2, CH2, D), f32),
            pltpu.VMEM((2, CH2, D), f32),
            pltpu.VMEM_SHARED((N_PAD, D), f32),
            pltpu.SemaphoreType.DMA,
            pltpu.SemaphoreType.DMA,
            pltpu.SemaphoreType.DMA,
            pltpu.SemaphoreType.DMA,
            pltpu.SemaphoreType.DMA,
        ],
    )(_sc_body)
    pa = sc_call(x, wm_a, send[0], recv[0], zeros)
    pb = sc_call(x, wm_b, send[1], recv[1], zeros)

    out_pad = pl.pallas_call(
        _final_body,
        out_shape=jax.ShapeDtypeStruct((N_PAD, D), f32),
    )(pa, pb, W_lin_s)
    return out_pad[:N]

# --- scband reference (transcript-rebuilt; emitter-appended) ---
"""Pipeline reference for scband-e3nn-interaction-3358664425485 (READ-ONLY COPY).

The authoritative reference and input builder live on the scoring server;
editing this copy changes nothing except your own understanding.
"""

import jax, jax.numpy as jnp
import numpy as np

N = 10000
E = 320000
D = 128
D_EDGE = 16
HIDDEN = 64
AVG_NEIGH = 32.0


def setup_inputs(seed: int = 0) -> dict:
    key = jax.random.key(seed)
    ks = jax.random.split(key, 10)
    node_feats = jax.random.normal(ks[0], (N, D), dtype=jnp.float32)
    edge_index = jax.random.randint(ks[1], (2, E), 0, N, dtype=jnp.int32)
    edge_attrs = jax.random.normal(ks[2], (E, 1), dtype=jnp.float32)
    edge_feats = jax.random.normal(ks[3], (E, D_EDGE), dtype=jnp.float32)
    # learned parameters (e3nn o3.Linear + FullyConnectedNet weights, fan-in normalized at use site)
    W_up = jax.random.normal(ks[4], (D, D), dtype=jnp.float32)
    W1 = jax.random.normal(ks[5], (D_EDGE, HIDDEN), dtype=jnp.float32)
    W2 = jax.random.normal(ks[6], (HIDDEN, HIDDEN), dtype=jnp.float32)
    W3 = jax.random.normal(ks[7], (HIDDEN, HIDDEN), dtype=jnp.float32)
    W4 = jax.random.normal(ks[8], (HIDDEN, D), dtype=jnp.float32)
    W_lin = jax.random.normal(ks[9], (D, D), dtype=jnp.float32)
    return {"node_feats": node_feats, "edge_index": edge_index, "edge_attrs": edge_attrs,
            "edge_feats": edge_feats, "W_up": W_up, "W1": W1, "W2": W2, "W3": W3,
            "W4": W4, "W_lin": W_lin}


def reference(node_feats, edge_index, edge_attrs, edge_feats, W_up, W1, W2, W3, W4, W_lin):
    sender = edge_index[0]
    receiver = edge_index[1]
    # linear_up: o3.Linear (scalar irreps -> plain linear with 1/sqrt(fan_in) norm)
    x = node_feats @ W_up / jnp.sqrt(jnp.float32(D))
    # conv_tp_weights: FullyConnectedNet [16, 64, 64, 64, weight_numel] with SiLU
    h = jax.nn.silu(edge_feats @ W1 / jnp.sqrt(jnp.float32(D_EDGE)))
    h = jax.nn.silu(h @ W2 / jnp.sqrt(jnp.float32(HIDDEN)))
    h = jax.nn.silu(h @ W3 / jnp.sqrt(jnp.float32(HIDDEN)))
    tp_w = h @ W4 / jnp.sqrt(jnp.float32(HIDDEN))
    # conv_tp: 128x0e (x) 1x0e -> 128x0e, uvu mode with per-edge external weights
    # gather node features by sender (SparseCore gather)
    mji = x[sender] * edge_attrs * tp_w
    # scatter_sum over receiver (SparseCore scatter-add)
    message = jax.ops.segment_sum(mji, receiver, num_segments=N)
    # final o3.Linear + avg_num_neighbors normalization
    out = (message @ W_lin / jnp.sqrt(jnp.float32(D))) / AVG_NEIGH
    return out

if __name__ == "__main__":
    import jax
    _d = setup_inputs()
    print(jax.jit(kernel)(*tuple(_d.values())))

</pallas_src>

<mosaic_0001>
#map = affine_map<(d0, d1) -> (0, 0)>
#map1 = affine_map<(d0, d1) -> (0, 0, 0, 0)>
#map2 = affine_map<(d0, d1) -> (0, 0, 0)>
module attributes {stable_mosaic.version = 14 : i64} {
  func.func @_sc_body(%arg0: i32, %arg1: i32, %arg2: memref<10000x128xf32, #tpu.memory_space<hbm>>, %arg3: memref<40960x512xf32, #tpu.memory_space<hbm>>, %arg4: memref<32x40x2x64xi32, #tpu.memory_space<hbm>>, %arg5: memref<32x40x2x64xi32, #tpu.memory_space<hbm>>, %arg6: memref<10240x128xf32, #tpu.memory_space<hbm>>, %arg7: memref<2x10240x128xf32, #tpu.memory_space<hbm>>, %arg8: memref<2x2x2x64xi32, #tpu.memory_space<vmem>>, %arg9: memref<2x64x128xf32, #tpu.memory_space<vmem>>, %arg10: memref<2x64x128xf32, #tpu.memory_space<vmem>>, %arg11: memref<10240x128xf32, #tpu.memory_space<vmem_shared>>, %arg12: memref<!tpu.dma_semaphore, #tpu.memory_space<semaphore_mem>>, %arg13: memref<!tpu.dma_semaphore, #tpu.memory_space<semaphore_mem>>, %arg14: memref<!tpu.dma_semaphore, #tpu.memory_space<semaphore_mem>>, %arg15: memref<!tpu.dma_semaphore, #tpu.memory_space<semaphore_mem>>, %arg16: memref<!tpu.dma_semaphore, #tpu.memory_space<semaphore_mem>>) attributes {dimension_semantics = [#tpu.dimension_semantics<core_parallel>, #tpu.dimension_semantics<subcore_parallel>], iteration_bounds = array<i64: 2, 16>, scalar_prefetch = 0 : i64, scratch_operands = 9 : i64, tpu.core_type = #tpu.core_type<sc_vector_subcore>, window_params = [{transform_indices = #map}, {transform_indices = #map}, {transform_indices = #map1}, {transform_indices = #map1}, {transform_indices = #map}, {transform_indices = #map2}]} {
    %mul3A = arith.constant 16 : i32
    %mul3A_0 = arith.muli %arg0, %mul3A : i32
    %add3A = arith.addi %mul3A_0, %arg1 : i32
    %mul3A_1 = arith.constant 640 : i32
    %mul3A_2 = arith.muli %arg1, %mul3A_1 : i32
    "tpu.region"() ({
      %run_scoped3A_290 = tpu.sem_alloc : memref<!tpu.dma_semaphore, #tpu.memory_space<semaphore_mem>>
      %dma_start3A_291 = arith.constant 0 : i32
      %dma_start3A_292 = tpu.memref_slice %arg11[%mul3A_2, %dma_start3A_291] : memref<10240x128xf32, #tpu.memory_space<vmem_shared>> -> memref<640x128xf32, #tpu.memory_space<vmem_shared>>
      %dma_start3A_293 = arith.constant 0 : i32
      %dma_start3A_294 = tpu.memref_slice %arg6[%mul3A_2, %dma_start3A_293] : memref<10240x128xf32, #tpu.memory_space<hbm>> -> memref<640x128xf32, #tpu.memory_space<hbm>>
      tpu.enqueue_dma source(%dma_start3A_294 : memref<640x128xf32, #tpu.memory_space<hbm>>) target(%dma_start3A_292 : memref<640x128xf32, #tpu.memory_space<vmem_shared>>) target_semaphore(%run_scoped3A_290 : memref<!tpu.dma_semaphore, #tpu.memory_space<semaphore_mem>>)
      %dma_wait3A = arith.constant 0 : i32
      %dma_wait3A_295 = tpu.memref_slice %arg11[%mul3A_2, %dma_wait3A] : memref<10240x128xf32, #tpu.memory_space<vmem_shared>> -> memref<640x128xf32, #tpu.memory_space<vmem_shared>>
      %dma_wait3A_296 = arith.constant 0 : i32
      %dma_wait3A_297 = tpu.memref_slice %arg6[%mul3A_2, %dma_wait3A_296] : memref<10240x128xf32, #tpu.memory_space<hbm>> -> memref<640x128xf32, #tpu.memory_space<hbm>>
      tpu.wait_dma2 semaphore(%run_scoped3A_290 : memref<!tpu.dma_semaphore, #tpu.memory_space<semaphore_mem>>) src(%dma_wait3A_297 : memref<640x128xf32, #tpu.memory_space<hbm>>) dst(%dma_wait3A_295 : memref<640x128xf32, #tpu.memory_space<vmem_shared>>)
      tpu.yield
    }) : () -> ()
    %barrier3A = arith.constant 0 : index
    tpu.barrier barrier_id(%barrier3A)
    %run_scoped3A = arith.constant 0 : i32
    %run_scoped3A_3 = arith.constant 0 : i32
    %run_scoped3A_4 = arith.constant 0 : i32
    "tpu.region"() ({
      %run_scoped3A_290 = tpu.sem_alloc : memref<!tpu.dma_semaphore, #tpu.memory_space<semaphore_mem>>
      %dma_start3A_291 = arith.constant 0 : i32
      %dma_start3A_292 = arith.constant 0 : i32
      %dma_start3A_293 = tpu.memref_slice %arg8[%run_scoped3A_3, %run_scoped3A_4, %dma_start3A_291, %dma_start3A_292] : memref<2x2x2x64xi32, #tpu.memory_space<vmem>> -> memref<1x1x2x64xi32, #tpu.memory_space<vmem>>
      %dma_start3A_294 = tpu.memref_squeeze %dma_start3A_293 : memref<1x1x2x64xi32, #tpu.memory_space<vmem>> -> memref<2x64xi32, #tpu.memory_space<vmem>>
      %dma_start3A_295 = arith.constant 0 : i32
      %dma_start3A_296 = arith.constant 0 : i32
      %dma_start3A_297 = tpu.memref_slice %arg4[%add3A, %run_scoped3A, %dma_start3A_295, %dma_start3A_296] : memref<32x40x2x64xi32, #tpu.memory_space<hbm>> -> memref<1x1x2x64xi32, #tpu.memory_space<hbm>>
      %dma_start3A_298 = tpu.memref_squeeze %dma_start3A_297 : memref<1x1x2x64xi32, #tpu.memory_space<hbm>> -> memref<2x64xi32, #tpu.memory_space<hbm>>
      %dma_start3A_299 = arith.constant 0 : i32
      %dma_start3A_300 = arith.constant 0 : i32
      %dma_start3A_301 = tpu.memref_slice %arg8[%run_scoped3A_3, %run_scoped3A_4, %dma_start3A_299, %dma_start3A_300] : memref<2x2x2x64xi32, #tpu.memory_space<vmem>> -> memref<1x1x2x64xi32, #tpu.memory_space<vmem>>
      %dma_start3A_302 = tpu.memref_squeeze %dma_start3A_301 : memref<1x1x2x64xi32, #tpu.memory_space<vmem>> -> memref<2x64xi32, #tpu.memory_space<vmem>>
      %dma_start3A_303 = arith.constant 0 : i32
      %dma_start3A_304 = arith.constant 0 : i32
      %dma_start3A_305 = tpu.memref_slice %arg4[%add3A, %run_scoped3A, %dma_start3A_303, %dma_start3A_304] : memref<32x40x2x64xi32, #tpu.memory_space<hbm>> -> memref<1x1x2x64xi32, #tpu.memory_space<hbm>>
      %dma_start3A_306 = tpu.memref_squeeze %dma_start3A_305 : memref<1x1x2x64xi32, #tpu.memory_space<hbm>> -> memref<2x64xi32, #tpu.memory_space<hbm>>
      tpu.enqueue_dma source(%dma_start3A_306 : memref<2x64xi32, #tpu.memory_space<hbm>>) target(%dma_start3A_302 : memref<2x64xi32, #tpu.memory_space<vmem>>) target_semaphore(%run_scoped3A_290 : memref<!tpu.dma_semaphore, #tpu.memory_space<semaphore_mem>>)
      %dma_wait3A = arith.constant 0 : i32
      %dma_wait3A_307 = arith.constant 0 : i32
      %dma_wait3A_308 = tpu.memref_slice %arg8[%run_scoped3A_3, %run_scoped3A_4, %dma_wait3A, %dma_wait3A_307] : memref<2x2x2x64xi32, #tpu.memory_space<vmem>> -> memref<1x1x2x64xi32, #tpu.memory_space<vmem>>
      %dma_wait3A_309 = tpu.memref_squeeze %dma_wait3A_308 : memref<1x1x2x64xi32, #tpu.memory_space<vmem>> -> memref<2x64xi32, #tpu.memory_space<vmem>>
      %dma_wait3A_310 = arith.constant 0 : i32
      %dma_wait3A_311 = arith.constant 0 : i32
      %dma_wait3A_312 = tpu.memref_slice %arg4[%add3A, %run_scoped3A, %dma_wait3A_310, %dma_wait3A_311] : memref<32x40x2x64xi32, #tpu.memory_space<hbm>> -> memref<1x1x2x64xi32, #tpu.memory_space<hbm>>
      %dma_wait3A_313 = tpu.memref_squeeze %dma_wait3A_312 : memref<1x1x2x64xi32, #tpu.memory_space<hbm>> -> memref<2x64xi32, #tpu.memory_space<hbm>>
      %dma_wait3A_314 = arith.constant 0 : i32
      %dma_wait3A_315 = arith.constant 0 : i32
      %dma_wait3A_316 = tpu.memref_slice %arg8[%run_scoped3A_3, %run_scoped3A_4, %dma_wait3A_314, %dma_wait3A_315] : memref<2x2x2x64xi32, #tpu.memory_space<vmem>> -> memref<1x1x2x64xi32, #tpu.memory_space<vmem>>
      %dma_wait3A_317 = tpu.memref_squeeze %dma_wait3A_316 : memref<1x1x2x64xi32, #tpu.memory_space<vmem>> -> memref<2x64xi32, #tpu.memory_space<vmem>>
      %dma_wait3A_318 = arith.constant 0 : i32
      %dma_wait3A_319 = arith.constant 0 : i32
      %dma_wait3A_320 = tpu.memref_slice %arg4[%add3A, %run_scoped3A, %dma_wait3A_318, %dma_wait3A_319] : memref<32x40x2x64xi32, #tpu.memory_space<hbm>> -> memref<1x1x2x64xi32, #tpu.memory_space<hbm>>
      %dma_wait3A_321 = tpu.memref_squeeze %dma_wait3A_320 : memref<1x1x2x64xi32, #tpu.memory_space<hbm>> -> memref<2x64xi32, #tpu.memory_space<hbm>>
      tpu.wait_dma2 semaphore(%run_scoped3A_290 : memref<!tpu.dma_semaphore, #tpu.memory_space<semaphore_mem>>) src(%dma_wait3A_321 : memref<2x64xi32, #tpu.memory_space<hbm>>) dst(%dma_wait3A_317 : memref<2x64xi32, #tpu.memory_space<vmem>>)
      tpu.yield
    }) : () -> ()
    %run_scoped3A_5 = arith.constant 0 : i32
    %run_scoped3A_6 = arith.constant 0 : i32
    %run_scoped3A_7 = arith.constant 1 : i32
    "tpu.region"() ({
      %run_scoped3A_290 = tpu.sem_alloc : memref<!tpu.dma_semaphore, #tpu.memory_space<semaphore_mem>>
      %dma_start3A_291 = arith.constant 0 : i32
      %dma_start3A_292 = arith.constant 0 : i32
      %dma_start3A_293 = tpu.memref_slice %arg8[%run_scoped3A_6, %run_scoped3A_7, %dma_start3A_291, %dma_start3A_292] : memref<2x2x2x64xi32, #tpu.memory_space<vmem>> -> memref<1x1x2x64xi32, #tpu.memory_space<vmem>>
      %dma_start3A_294 = tpu.memref_squeeze %dma_start3A_293 : memref<1x1x2x64xi32, #tpu.memory_space<vmem>> -> memref<2x64xi32, #tpu.memory_space<vmem>>
      %dma_start3A_295 = arith.constant 0 : i32
      %dma_start3A_296 = arith.constant 0 : i32
      %dma_start3A_297 = tpu.memref_slice %arg5[%add3A, %run_scoped3A_5, %dma_start3A_295, %dma_start3A_296] : memref<32x40x2x64xi32, #tpu.memory_space<hbm>> -> memref<1x1x2x64xi32, #tpu.memory_space<hbm>>
      %dma_start3A_298 = tpu.memref_squeeze %dma_start3A_297 : memref<1x1x2x64xi32, #tpu.memory_space<hbm>> -> memref<2x64xi32, #tpu.memory_space<hbm>>
      %dma_start3A_299 = arith.constant 0 : i32
      %dma_start3A_300 = arith.constant 0 : i32
      %dma_start3A_301 = tpu.memref_slice %arg8[%run_scoped3A_6, %run_scoped3A_7, %dma_start3A_299, %dma_start3A_300] : memref<2x2x2x64xi32, #tpu.memory_space<vmem>> -> memref<1x1x2x64xi32, #tpu.memory_space<vmem>>
      %dma_start3A_302 = tpu.memref_squeeze %dma_start3A_301 : memref<1x1x2x64xi32, #tpu.memory_space<vmem>> -> memref<2x64xi32, #tpu.memory_space<vmem>>
      %dma_start3A_303 = arith.constant 0 : i32
      %dma_start3A_304 = arith.constant 0 : i32
      %dma_start3A_305 = tpu.memref_slice %arg5[%add3A, %run_scoped3A_5, %dma_start3A_303, %dma_start3A_304] : memref<32x40x2x64xi32, #tpu.memory_space<hbm>> -> memref<1x1x2x64xi32, #tpu.memory_space<hbm>>
      %dma_start3A_306 = tpu.memref_squeeze %dma_start3A_305 : memref<1x1x2x64xi32, #tpu.memory_space<hbm>> -> memref<2x64xi32, #tpu.memory_space<hbm>>
      tpu.enqueue_dma source(%dma_start3A_306 : memref<2x64xi32, #tpu.memory_space<hbm>>) target(%dma_start3A_302 : memref<2x64xi32, #tpu.memory_space<vmem>>) target_semaphore(%run_scoped3A_290 : memref<!tpu.dma_semaphore, #tpu.memory_space<semaphore_mem>>)
      %dma_wait3A = arith.constant 0 : i32
      %dma_wait3A_307 = arith.constant 0 : i32
      %dma_wait3A_308 = tpu.memref_slice %arg8[%run_scoped3A_6, %run_scoped3A_7, %dma_wait3A, %dma_wait3A_307] : memref<2x2x2x64xi32, #tpu.memory_space<vmem>> -> memref<1x1x2x64xi32, #tpu.memory_space<vmem>>
      %dma_wait3A_309 = tpu.memref_squeeze %dma_wait3A_308 : memref<1x1x2x64xi32, #tpu.memory_space<vmem>> -> memref<2x64xi32, #tpu.memory_space<vmem>>
      %dma_wait3A_310 = arith.constant 0 : i32
      %dma_wait3A_311 = arith.constant 0 : i32
      %dma_wait3A_312 = tpu.memref_slice %arg5[%add3A, %run_scoped3A_5, %dma_wait3A_310, %dma_wait3A_311] : memref<32x40x2x64xi32, #tpu.memory_space<hbm>> -> memref<1x1x2x64xi32, #tpu.memory_space<hbm>>
      %dma_wait3A_313 = tpu.memref_squeeze %dma_wait3A_312 : memref<1x1x2x64xi32, #tpu.memory_space<hbm>> -> memref<2x64xi32, #tpu.memory_space<hbm>>
      %dma_wait3A_314 = arith.constant 0 : i32
      %dma_wait3A_315 = arith.constant 0 : i32
      %dma_wait3A_316 = tpu.memref_slice %arg8[%run_scoped3A_6, %run_scoped3A_7, %dma_wait3A_314, %dma_wait3A_315] : memref<2x2x2x64xi32, #tpu.memory_space<vmem>> -> memref<1x1x2x64xi32, #tpu.memory_space<vmem>>
      %dma_wait3A_317 = tpu.memref_squeeze %dma_wait3A_316 : memref<1x1x2x64xi32, #tpu.memory_space<vmem>> -> memref<2x64xi32, #tpu.memory_space<vmem>>
      %dma_wait3A_318 = arith.constant 0 : i32
      %dma_wait3A_319 = arith.constant 0 : i32
      %dma_wait3A_320 = tpu.memref_slice %arg5[%add3A, %run_scoped3A_5, %dma_wait3A_318, %dma_wait3A_319] : memref<32x40x2x64xi32, #tpu.memory_space<hbm>> -> memref<1x1x2x64xi32, #tpu.memory_space<hbm>>
      %dma_wait3A_321 = tpu.memref_squeeze %dma_wait3A_320 : memref<1x1x2x64xi32, #tpu.memory_space<hbm>> -> memref<2x64xi32, #tpu.memory_space<hbm>>
      tpu.wait_dma2 semaphore(%run_scoped3A_290 : memref<!tpu.dma_semaphore, #tpu.memory_space<semaphore_mem>>) src(%dma_wait3A_321 : memref<2x64xi32, #tpu.memory_space<hbm>>) dst(%dma_wait3A_317 : memref<2x64xi32, #tpu.memory_space<vmem>>)
      tpu.yield
    }) : () -> ()
    %mul3A_8 = arith.constant 80 : i32
    %mul3A_9 = arith.muli %add3A, %mul3A_8 : i32
    %add3A_10 = arith.constant 0 : i32
    %add3A_11 = arith.addi %mul3A_9, %add3A_10 : i32
    %jit3A = arith.constant 40 : i32
    %div3A = arith.divsi %add3A_11, %jit3A : i32
    %sign3A = arith.constant 0 : i32
    %sign3A_12 = arith.cmpi sgt, %add3A_11, %sign3A : i32
    %sign3A_13 = arith.extui %sign3A_12 : i1 to i32
    %sign3A_14 = arith.constant 0 : i32
    %sign3A_15 = arith.cmpi slt, %add3A_11, %sign3A_14 : i32
    %sign3A_16 = arith.extui %sign3A_15 : i1 to i32
    %sign3A_17 = arith.subi %sign3A_13, %sign3A_16 : i32
    %sign3A_18 = arith.constant 0 : i32
    %sign3A_19 = arith.cmpi sgt, %jit3A, %sign3A_18 : i32
    %sign3A_20 = arith.extui %sign3A_19 : i1 to i32
    %sign3A_21 = arith.constant 0 : i32
    %sign3A_22 = arith.cmpi slt, %jit3A, %sign3A_21 : i32
    %sign3A_23 = arith.extui %sign3A_22 : i1 to i32
    %sign3A_24 = arith.subi %sign3A_20, %sign3A_23 : i32
    %ne3A = arith.cmpi ne, %sign3A_17, %sign3A_24 : i32
    %rem3A = arith.remsi %add3A_11, %jit3A : i32
    %ne3A_25 = arith.constant 0 : i32
    %ne3A_26 = arith.cmpi ne, %rem3A, %ne3A_25 : i32
    %and3A = arith.andi %ne3A, %ne3A_26 : i1
    %sub3A = arith.constant 1 : i32
    %sub3A_27 = arith.subi %div3A, %sub3A : i32
    %select_n3A = arith.select %and3A, %sub3A_27, %div3A : i32
    %mul3A_28 = arith.constant 40 : i32
    %mul3A_29 = arith.muli %select_n3A, %mul3A_28 : i32
    %sub3A_30 = arith.subi %add3A_11, %mul3A_29 : i32
    %jit3A_31 = arith.constant 10 : i32
    %div3A_32 = arith.divsi %sub3A_30, %jit3A_31 : i32
    %sign3A_33 = arith.constant 0 : i32
    %sign3A_34 = arith.cmpi sgt, %sub3A_30, %sign3A_33 : i32
    %sign3A_35 = arith.extui %sign3A_34 : i1 to i32
    %sign3A_36 = arith.constant 0 : i32
    %sign3A_37 = arith.cmpi slt, %sub3A_30, %sign3A_36 : i32
    %sign3A_38 = arith.extui %sign3A_37 : i1 to i32
    %sign3A_39 = arith.subi %sign3A_35, %sign3A_38 : i32
    %sign3A_40 = arith.constant 0 : i32
    %sign3A_41 = arith.cmpi sgt, %jit3A_31, %sign3A_40 : i32
    %sign3A_42 = arith.extui %sign3A_41 : i1 to i32
    %sign3A_43 = arith.constant 0 : i32
    %sign3A_44 = arith.cmpi slt, %jit3A_31, %sign3A_43 : i32
    %sign3A_45 = arith.extui %sign3A_44 : i1 to i32
    %sign3A_46 = arith.subi %sign3A_42, %sign3A_45 : i32
    %ne3A_47 = arith.cmpi ne, %sign3A_39, %sign3A_46 : i32
    %rem3A_48 = arith.remsi %sub3A_30, %jit3A_31 : i32
    %ne3A_49 = arith.constant 0 : i32
    %ne3A_50 = arith.cmpi ne, %rem3A_48, %ne3A_49 : i32
    %and3A_51 = arith.andi %ne3A_47, %ne3A_50 : i1
    %sub3A_52 = arith.constant 1 : i32
    %sub3A_53 = arith.subi %div3A_32, %sub3A_52 : i32
    %select_n3A_54 = arith.select %and3A_51, %sub3A_53, %div3A_32 : i32
    %mul3A_55 = arith.constant 10 : i32
    %mul3A_56 = arith.muli %select_n3A_54, %mul3A_55 : i32
    %sub3A_57 = arith.subi %sub3A_30, %mul3A_56 : i32
    %mul3A_58 = arith.constant 640 : i32
    %mul3A_59 = arith.muli %select_n3A, %mul3A_58 : i32
    %mul3A_60 = arith.constant 64 : i32
    %mul3A_61 = arith.muli %sub3A_57, %mul3A_60 : i32
    %add3A_62 = arith.addi %mul3A_59, %mul3A_61 : i32
    %mul3A_63 = arith.constant 128 : i32
    %mul3A_64 = arith.muli %select_n3A_54, %mul3A_63 : i32
    %dma_start3A = arith.constant 0 : i32
    %dma_start3A_65 = arith.constant 0 : i32
    %dma_start3A_66 = arith.constant 0 : i32
    %dma_start3A_67 = tpu.memref_slice %arg10[%dma_start3A, %dma_start3A_65, %dma_start3A_66] : memref<2x64x128xf32, #tpu.memory_space<vmem>> -> memref<1x64x128xf32, #tpu.memory_space<vmem>>
    %dma_start3A_68 = tpu.memref_squeeze %dma_start3A_67 : memref<1x64x128xf32, #tpu.memory_space<vmem>> -> memref<64x128xf32, #tpu.memory_space<vmem>>
    %dma_start3A_69 = tpu.memref_slice %arg3[%add3A_62, %mul3A_64] : memref<40960x512xf32, #tpu.memory_space<hbm>> -> memref<64x128xf32, #tpu.memory_space<hbm>>
    %dma_start3A_70 = arith.constant 0 : i32
    %dma_start3A_71 = arith.constant 0 : i32
    %dma_start3A_72 = tpu.memref_slice %arg10[%dma_start3A, %dma_start3A_70, %dma_start3A_71] : memref<2x64x128xf32, #tpu.memory_space<vmem>> -> memref<1x64x128xf32, #tpu.memory_space<vmem>>
    %dma_start3A_73 = tpu.memref_squeeze %dma_start3A_72 : memref<1x64x128xf32, #tpu.memory_space<vmem>> -> memref<64x128xf32, #tpu.memory_space<vmem>>
    %dma_start3A_74 = tpu.memref_slice %arg3[%add3A_62, %mul3A_64] : memref<40960x512xf32, #tpu.memory_space<hbm>> -> memref<64x128xf32, #tpu.memory_space<hbm>>
    tpu.enqueue_dma source(%dma_start3A_74 : memref<64x128xf32, #tpu.memory_space<hbm>>) target(%dma_start3A_73 : memref<64x128xf32, #tpu.memory_space<vmem>>) target_semaphore(%arg15 : memref<!tpu.dma_semaphore, #tpu.memory_space<semaphore_mem>>)
    %jit3A_75 = arith.constant 2 : i32
    %div3A_76 = arith.divsi %add3A_11, %jit3A_75 : i32
    %sign3A_77 = arith.constant 0 : i32
    %sign3A_78 = arith.cmpi sgt, %add3A_11, %sign3A_77 : i32
    %sign3A_79 = arith.extui %sign3A_78 : i1 to i32
    %sign3A_80 = arith.constant 0 : i32
    %sign3A_81 = arith.cmpi slt, %add3A_11, %sign3A_80 : i32
    %sign3A_82 = arith.extui %sign3A_81 : i1 to i32
    %sign3A_83 = arith.subi %sign3A_79, %sign3A_82 : i32
    %sign3A_84 = arith.constant 0 : i32
    %sign3A_85 = arith.cmpi sgt, %jit3A_75, %sign3A_84 : i32
    %sign3A_86 = arith.extui %sign3A_85 : i1 to i32
    %sign3A_87 = arith.constant 0 : i32
    %sign3A_88 = arith.cmpi slt, %jit3A_75, %sign3A_87 : i32
    %sign3A_89 = arith.extui %sign3A_88 : i1 to i32
    %sign3A_90 = arith.subi %sign3A_86, %sign3A_89 : i32
    %ne3A_91 = arith.cmpi ne, %sign3A_83, %sign3A_90 : i32
    %rem3A_92 = arith.remsi %add3A_11, %jit3A_75 : i32
    %ne3A_93 = arith.constant 0 : i32
    %ne3A_94 = arith.cmpi ne, %rem3A_92, %ne3A_93 : i32
    %and3A_95 = arith.andi %ne3A_91, %ne3A_94 : i1
    %sub3A_96 = arith.constant 1 : i32
    %sub3A_97 = arith.subi %div3A_76, %sub3A_96 : i32
    %select_n3A_98 = arith.select %and3A_95, %sub3A_97, %div3A_76 : i32
    %jit3A_99 = arith.constant 2 : i32
    %eq3A = arith.constant 0 : i32
    %eq3A_100 = arith.cmpi eq, %jit3A_99, %eq3A : i32
    %jit3A_101 = arith.constant 1 : i32
    %select_n3A_102 = arith.select %eq3A_100, %jit3A_101, %jit3A_99 : i32
    %rem3A_103 = arith.remsi %select_n3A_98, %select_n3A_102 : i32
    %ne3A_104 = arith.constant 0 : i32
    %ne3A_105 = arith.cmpi ne, %rem3A_103, %ne3A_104 : i32
    %lt3A = arith.constant 0 : i32
    %lt3A_106 = arith.cmpi slt, %rem3A_103, %lt3A : i32
    %lt3A_107 = arith.constant 0 : i32
    %lt3A_108 = arith.cmpi slt, %select_n3A_102, %lt3A_107 : i32
    %ne3A_109 = arith.xori %lt3A_106, %lt3A_108 : i1
    %and3A_110 = arith.andi %ne3A_109, %ne3A_105 : i1
    %add3A_111 = arith.addi %rem3A_103, %select_n3A_102 : i32
    %select_n3A_112 = arith.select %and3A_110, %add3A_111, %rem3A_103 : i32
    %jit3A_113 = arith.constant 2 : i32
    %eq3A_114 = arith.constant 0 : i32
    %eq3A_115 = arith.cmpi eq, %jit3A_113, %eq3A_114 : i32
    %jit3A_116 = arith.constant 1 : i32
    %select_n3A_117 = arith.select %eq3A_115, %jit3A_116, %jit3A_113 : i32
    %rem3A_118 = arith.remsi %add3A_11, %select_n3A_117 : i32
    %ne3A_119 = arith.constant 0 : i32
    %ne3A_120 = arith.cmpi ne, %rem3A_118, %ne3A_119 : i32
    %lt3A_121 = arith.constant 0 : i32
    %lt3A_122 = arith.cmpi slt, %rem3A_118, %lt3A_121 : i32
    %lt3A_123 = arith.constant 0 : i32
    %lt3A_124 = arith.cmpi slt, %select_n3A_117, %lt3A_123 : i32
    %ne3A_125 = arith.xori %lt3A_122, %lt3A_124 : i1
    %and3A_126 = arith.andi %ne3A_125, %ne3A_120 : i1
    %add3A_127 = arith.addi %rem3A_118, %select_n3A_117 : i32
    %select_n3A_128 = arith.select %and3A_126, %add3A_127, %rem3A_118 : i32
    %dma_start3A_129 = arith.constant 0 : i32
    %dma_start3A_130 = arith.constant 0 : i32
    %dma_start3A_131 = arith.constant 0 : i32
    %dma_start3A_132 = arith.constant 0 : i32
    %dma_start3A_133 = tpu.memref_slice %arg9[%dma_start3A_130, %dma_start3A_131, %dma_start3A_132] : memref<2x64x128xf32, #tpu.memory_space<vmem>> -> memref<1x64x128xf32, #tpu.memory_space<vmem>>
    %dma_start3A_134 = tpu.memref_squeeze %dma_start3A_133 : memref<1x64x128xf32, #tpu.memory_space<vmem>> -> memref<64x128xf32, #tpu.memory_space<vmem>>
    %dma_start3A_135 = arith.constant 0 : i32
    %dma_start3A_136 = tpu.memref_slice %arg8[%select_n3A_112, %dma_start3A_129, %select_n3A_128, %dma_start3A_135] : memref<2x2x2x64xi32, #tpu.memory_space<vmem>> -> memref<1x1x1x64xi32, #tpu.memory_space<vmem>>
    %dma_start3A_137 = tpu.memref_squeeze %dma_start3A_136 : memref<1x1x1x64xi32, #tpu.memory_space<vmem>> -> memref<64xi32, #tpu.memory_space<vmem>>
    %dma_start3A_138 = arith.constant 0 : i32
    %dma_start3A_139 = arith.constant 0 : i32
    %dma_start3A_140 = tpu.memref_slice %arg2[%dma_start3A_138, %dma_start3A_139] : memref<10000x128xf32, #tpu.memory_space<hbm>> -> memref<10000x128xf32, #tpu.memory_space<hbm>>
    tpu.enqueue_indirect_dma source(%dma_start3A_140 : memref<10000x128xf32, #tpu.memory_space<hbm>>) target(%dma_start3A_134 : memref<64x128xf32, #tpu.memory_space<vmem>>) offsets(%dma_start3A_137 : memref<64xi32, #tpu.memory_space<vmem>>) semaphore(%arg13 : memref<!tpu.dma_semaphore, #tpu.memory_space<semaphore_mem>>)
    %mul3A_141 = arith.constant 80 : i32
    %mul3A_142 = arith.muli %add3A, %mul3A_141 : i32
    %add3A_143 = arith.constant 1 : i32
    %add3A_144 = arith.addi %mul3A_142, %add3A_143 : i32
    %jit3A_145 = arith.constant 40 : i32
    %div3A_146 = arith.divsi %add3A_144, %jit3A_145 : i32
    %sign3A_147 = arith.constant 0 : i32
    %sign3A_148 = arith.cmpi sgt, %add3A_144, %sign3A_147 : i32
    %sign3A_149 = arith.extui %sign3A_148 : i1 to i32
    %sign3A_150 = arith.constant 0 : i32
    %sign3A_151 = arith.cmpi slt, %add3A_144, %sign3A_150 : i32
    %sign3A_152 = arith.extui %sign3A_151 : i1 to i32
    %sign3A_153 = arith.subi %sign3A_149, %sign3A_152 : i32
    %sign3A_154 = arith.constant 0 : i32
    %sign3A_155 = arith.cmpi sgt, %jit3A_145, %sign3A_154 : i32
    %sign3A_156 = arith.extui %sign3A_155 : i1 to i32
    %sign3A_157 = arith.constant 0 : i32
    %sign3A_158 = arith.cmpi slt, %jit3A_145, %sign3A_157 : i32
    %sign3A_159 = arith.extui %sign3A_158 : i1 to i32
    %sign3A_160 = arith.subi %sign3A_156, %sign3A_159 : i32
    %ne3A_161 = arith.cmpi ne, %sign3A_153, %sign3A_160 : i32
    %rem3A_162 = arith.remsi %add3A_144, %jit3A_145 : i32
    %ne3A_163 = arith.constant 0 : i32
    %ne3A_164 = arith.cmpi ne, %rem3A_162, %ne3A_163 : i32
    %and3A_165 = arith.andi %ne3A_161, %ne3A_164 : i1
    %sub3A_166 = arith.constant 1 : i32
    %sub3A_167 = arith.subi %div3A_146, %sub3A_166 : i32
    %select_n3A_168 = arith.select %and3A_165, %sub3A_167, %div3A_146 : i32
    %mul3A_169 = arith.constant 40 : i32
    %mul3A_170 = arith.muli %select_n3A_168, %mul3A_169 : i32
    %sub3A_171 = arith.subi %add3A_144, %mul3A_170 : i32
    %jit3A_172 = arith.constant 10 : i32
    %div3A_173 = arith.divsi %sub3A_171, %jit3A_172 : i32
    %sign3A_174 = arith.constant 0 : i32
    %sign3A_175 = arith.cmpi sgt, %sub3A_171, %sign3A_174 : i32
    %sign3A_176 = arith.extui %sign3A_175 : i1 to i32
    %sign3A_177 = arith.constant 0 : i32
    %sign3A_178 = arith.cmpi slt, %sub3A_171, %sign3A_177 : i32
    %sign3A_179 = arith.extui %sign3A_178 : i1 to i32
    %sign3A_180 = arith.subi %sign3A_176, %sign3A_179 : i32
    %sign3A_181 = arith.constant 0 : i32
    %sign3A_182 = arith.cmpi sgt, %jit3A_172, %sign3A_181 : i32
    %sign3A_183 = arith.extui %sign3A_182 : i1 to i32
    %sign3A_184 = arith.constant 0 : i32
    %sign3A_185 = arith.cmpi slt, %jit3A_172, %sign3A_184 : i32
    %sign3A_186 = arith.extui %sign3A_185 : i1 to i32
    %sign3A_187 = arith.subi %sign3A_183, %sign3A_186 : i32
    %ne3A_188 = arith.cmpi ne, %sign3A_180, %sign3A_187 : i32
    %rem3A_189 = arith.remsi %sub3A_171, %jit3A_172 : i32
    %ne3A_190 = arith.constant 0 : i32
    %ne3A_191 = arith.cmpi ne, %rem3A_189, %ne3A_190 : i32
    %and3A_192 = arith.andi %ne3A_188, %ne3A_191 : i1
    %sub3A_193 = arith.constant 1 : i32
    %sub3A_194 = arith.subi %div3A_173, %sub3A_193 : i32
    %select_n3A_195 = arith.select %and3A_192, %sub3A_194, %div3A_173 : i32
    %mul3A_196 = arith.constant 10 : i32
    %mul3A_197 = arith.muli %select_n3A_195, %mul3A_196 : i32
    %sub3A_198 = arith.subi %sub3A_171, %mul3A_197 : i32
    %mul3A_199 = arith.constant 640 : i32
    %mul3A_200 = arith.muli %select_n3A_168, %mul3A_199 : i32
    %mul3A_201 = arith.constant 64 : i32
    %mul3A_202 = arith.muli %sub3A_198, %mul3A_201 : i32
    %add3A_203 = arith.addi %mul3A_200, %mul3A_202 : i32
    %mul3A_204 = arith.constant 128 : i32
    %mul3A_205 = arith.muli %select_n3A_195, %mul3A_204 : i32
    %dma_start3A_206 = arith.constant 1 : i32
    %dma_start3A_207 = arith.constant 0 : i32
    %dma_start3A_208 = arith.constant 0 : i32
    %dma_start3A_209 = tpu.memref_slice %arg10[%dma_start3A_206, %dma_start3A_207, %dma_start3A_208] : memref<2x64x128xf32, #tpu.memory_space<vmem>> -> memref<1x64x128xf32, #tpu.memory_space<vmem>>
    %dma_start3A_210 = tpu.memref_squeeze %dma_start3A_209 : memref<1x64x128xf32, #tpu.memory_space<vmem>> -> memref<64x128xf32, #tpu.memory_space<vmem>>
    %dma_start3A_211 = tpu.memref_slice %arg3[%add3A_203, %mul3A_205] : memref<40960x512xf32, #tpu.memory_space<hbm>> -> memref<64x128xf32, #tpu.memory_space<hbm>>
    %dma_start3A_212 = arith.constant 0 : i32
    %dma_start3A_213 = arith.constant 0 : i32
    %dma_start3A_214 = tpu.memref_slice %arg10[%dma_start3A_206, %dma_start3A_212, %dma_start3A_213] : memref<2x64x128xf32, #tpu.memory_space<vmem>> -> memref<1x64x128xf32, #tpu.memory_space<vmem>>
    %dma_start3A_215 = tpu.memref_squeeze %dma_start3A_214 : memref<1x64x128xf32, #tpu.memory_space<vmem>> -> memref<64x128xf32, #tpu.memory_space<vmem>>
    %dma_start3A_216 = tpu.memref_slice %arg3[%add3A_203, %mul3A_205] : memref<40960x512xf32, #tpu.memory_space<hbm>> -> memref<64x128xf32, #tpu.memory_space<hbm>>
    tpu.enqueue_dma source(%dma_start3A_216 : memref<64x128xf32, #tpu.memory_space<hbm>>) target(%dma_start3A_215 : memref<64x128xf32, #tpu.memory_space<vmem>>) target_semaphore(%arg16 : memref<!tpu.dma_semaphore, #tpu.memory_space<semaphore_mem>>)
    %jit3A_217 = arith.constant 2 : i32
    %div3A_218 = arith.divsi %add3A_144, %jit3A_217 : i32
    %sign3A_219 = arith.constant 0 : i32
    %sign3A_220 = arith.cmpi sgt, %add3A_144, %sign3A_219 : i32
    %sign3A_221 = arith.extui %sign3A_220 : i1 to i32
    %sign3A_222 = arith.constant 0 : i32
    %sign3A_223 = arith.cmpi slt, %add3A_144, %sign3A_222 : i32
    %sign3A_224 = arith.extui %sign3A_223 : i1 to i32
    %sign3A_225 = arith.subi %sign3A_221, %sign3A_224 : i32
    %sign3A_226 = arith.constant 0 : i32
    %sign3A_227 = arith.cmpi sgt, %jit3A_217, %sign3A_226 : i32
    %sign3A_228 = arith.extui %sign3A_227 : i1 to i32
    %sign3A_229 = arith.constant 0 : i32
    %sign3A_230 = arith.cmpi slt, %jit3A_217, %sign3A_229 : i32
    %sign3A_231 = arith.extui %sign3A_230 : i1 to i32
    %sign3A_232 = arith.subi %sign3A_228, %sign3A_231 : i32
    %ne3A_233 = arith.cmpi ne, %sign3A_225, %sign3A_232 : i32
    %rem3A_234 = arith.remsi %add3A_144, %jit3A_217 : i32
    %ne3A_235 = arith.constant 0 : i32
    %ne3A_236 = arith.cmpi ne, %rem3A_234, %ne3A_235 : i32
    %and3A_237 = arith.andi %ne3A_233, %ne3A_236 : i1
    %sub3A_238 = arith.constant 1 : i32
    %sub3A_239 = arith.subi %div3A_218, %sub3A_238 : i32
    %select_n3A_240 = arith.select %and3A_237, %sub3A_239, %div3A_218 : i32
    %jit3A_241 = arith.constant 2 : i32
    %eq3A_242 = arith.constant 0 : i32
    %eq3A_243 = arith.cmpi eq, %jit3A_241, %eq3A_242 : i32
    %jit3A_244 = arith.constant 1 : i32
    %select_n3A_245 = arith.select %eq3A_243, %jit3A_244, %jit3A_241 : i32
    %rem3A_246 = arith.remsi %select_n3A_240, %select_n3A_245 : i32
    %ne3A_247 = arith.constant 0 : i32
    %ne3A_248 = arith.cmpi ne, %rem3A_246, %ne3A_247 : i32
    %lt3A_249 = arith.constant 0 : i32
    %lt3A_250 = arith.cmpi slt, %rem3A_246, %lt3A_249 : i32
    %lt3A_251 = arith.constant 0 : i32
    %lt3A_252 = arith.cmpi slt, %select_n3A_245, %lt3A_251 : i32
    %ne3A_253 = arith.xori %lt3A_250, %lt3A_252 : i1
    %and3A_254 = arith.andi %ne3A_253, %ne3A_248 : i1
    %add3A_255 = arith.addi %rem3A_246, %select_n3A_245 : i32
    %select_n3A_256 = arith.select %and3A_254, %add3A_255, %rem3A_246 : i32
    %jit3A_257 = arith.constant 2 : i32
    %eq3A_258 = arith.constant 0 : i32
    %eq3A_259 = arith.cmpi eq, %jit3A_257, %eq3A_258 : i32
    %jit3A_260 = arith.constant 1 : i32
    %select_n3A_261 = arith.select %eq3A_259, %jit3A_260, %jit3A_257 : i32
    %rem3A_262 = arith.remsi %add3A_144, %select_n3A_261 : i32
    %ne3A_263 = arith.constant 0 : i32
    %ne3A_264 = arith.cmpi ne, %rem3A_262, %ne3A_263 : i32
    %lt3A_265 = arith.constant 0 : i32
    %lt3A_266 = arith.cmpi slt, %rem3A_262, %lt3A_265 : i32
    %lt3A_267 = arith.constant 0 : i32
    %lt3A_268 = arith.cmpi slt, %select_n3A_261, %lt3A_267 : i32
    %ne3A_269 = arith.xori %lt3A_266, %lt3A_268 : i1
    %and3A_270 = arith.andi %ne3A_269, %ne3A_264 : i1
    %add3A_271 = arith.addi %rem3A_262, %select_n3A_261 : i32
    %select_n3A_272 = arith.select %and3A_270, %add3A_271, %rem3A_262 : i32
    %dma_start3A_273 = arith.constant 0 : i32
    %dma_start3A_274 = arith.constant 1 : i32
    %dma_start3A_275 = arith.constant 0 : i32
    %dma_start3A_276 = arith.constant 0 : i32
    %dma_start3A_277 = tpu.memref_slice %arg9[%dma_start3A_274, %dma_start3A_275, %dma_start3A_276] : memref<2x64x128xf32, #tpu.memory_space<vmem>> -> memref<1x64x128xf32, #tpu.memory_space<vmem>>
    %dma_start3A_278 = tpu.memref_squeeze %dma_start3A_277 : memref<1x64x128xf32, #tpu.memory_space<vmem>> -> memref<64x128xf32, #tpu.memory_space<vmem>>
    %dma_start3A_279 = arith.constant 0 : i32
    %dma_start3A_280 = tpu.memref_slice %arg8[%select_n3A_256, %dma_start3A_273, %select_n3A_272, %dma_start3A_279] : memref<2x2x2x64xi32, #tpu.memory_space<vmem>> -> memref<1x1x1x64xi32, #tpu.memory_space<vmem>>
    %dma_start3A_281 = tpu.memref_squeeze %dma_start3A_280 : memref<1x1x1x64xi32, #tpu.memory_space<vmem>> -> memref<64xi32, #tpu.memory_space<vmem>>
    %dma_start3A_282 = arith.constant 0 : i32
    %dma_start3A_283 = arith.constant 0 : i32
    %dma_start3A_284 = tpu.memref_slice %arg2[%dma_start3A_282, %dma_start3A_283] : memref<10000x128xf32, #tpu.memory_space<hbm>> -> memref<10000x128xf32, #tpu.memory_space<hbm>>
    tpu.enqueue_indirect_dma source(%dma_start3A_284 : memref<10000x128xf32, #tpu.memory_space<hbm>>) target(%dma_start3A_278 : memref<64x128xf32, #tpu.memory_space<vmem>>) offsets(%dma_start3A_281 : memref<64xi32, #tpu.memory_space<vmem>>) semaphore(%arg14 : memref<!tpu.dma_semaphore, #tpu.memory_space<semaphore_mem>>)
    %scan3A = arith.constant 0 : i32
    %scan3A_285 = arith.constant 40 : i32
    %scan3A_286 = arith.addi %scan3A, %scan3A_285 : i32
    %scan3A_287 = arith.constant 1 : i32
    scf.for %scan3A_290 = %scan3A to %scan3A_286 step %scan3A_287  : i32 {
      %mul3A_291 = arith.constant 1 : i32
      %mul3A_292 = arith.muli %scan3A_290, %mul3A_291 : i32
      %add3A_293 = arith.constant 0 : i32
      %add3A_294 = arith.addi %add3A_293, %mul3A_292 : i32
      %jit3A_295 = arith.constant 2 : i32
      %eq3A_296 = arith.constant 0 : i32
      %eq3A_297 = arith.cmpi eq, %jit3A_295, %eq3A_296 : i32
      %jit3A_298 = arith.constant 1 : i32
      %select_n3A_299 = arith.select %eq3A_297, %jit3A_298, %jit3A_295 : i32
      %rem3A_300 = arith.remsi %add3A_294, %select_n3A_299 : i32
      %ne3A_301 = arith.constant 0 : i32
      %ne3A_302 = arith.cmpi ne, %rem3A_300, %ne3A_301 : i32
      %lt3A_303 = arith.constant 0 : i32
      %lt3A_304 = arith.cmpi slt, %rem3A_300, %lt3A_303 : i32
      %lt3A_305 = arith.constant 0 : i32
      %lt3A_306 = arith.cmpi slt, %select_n3A_299, %lt3A_305 : i32
      %ne3A_307 = arith.xori %lt3A_304, %lt3A_306 : i1
      %and3A_308 = arith.andi %ne3A_307, %ne3A_302 : i1
      %add3A_309 = arith.addi %rem3A_300, %select_n3A_299 : i32
      %select_n3A_310 = arith.select %and3A_308, %add3A_309, %rem3A_300 : i32
      %mul3A_311 = arith.constant 80 : i32
      %mul3A_312 = arith.muli %add3A, %mul3A_311 : i32
      %mul3A_313 = arith.constant 2 : i32
      %mul3A_314 = arith.muli %add3A_294, %mul3A_313 : i32
      %add3A_315 = arith.addi %mul3A_312, %mul3A_314 : i32
      %lt3A_316 = arith.constant 39 : i32
      %lt3A_317 = arith.cmpi slt, %add3A_294, %lt3A_316 : i32
      %convert_element_type3A = arith.extui %lt3A_317 : i1 to i32
      %cond3A = arith.constant 0 : i32
      %cond3A_318 = arith.cmpi ne, %convert_element_type3A, %cond3A : i32
      scf.if %cond3A_318 {
        %add3A_514 = arith.constant 1 : i32
        %add3A_515 = arith.addi %add3A_294, %add3A_514 : i32
        %sub3A_516 = arith.constant 1 : i32
        %sub3A_517 = arith.subi %sub3A_516, %select_n3A_310 : i32
        %dma_start3A_518 = arith.constant 0 : i32
        %dma_start3A_519 = arith.constant 0 : i32
        %dma_start3A_520 = arith.constant 0 : i32
        %dma_start3A_521 = tpu.memref_slice %arg8[%sub3A_517, %dma_start3A_518, %dma_start3A_519, %dma_start3A_520] : memref<2x2x2x64xi32, #tpu.memory_space<vmem>> -> memref<1x1x2x64xi32, #tpu.memory_space<vmem>>
        %dma_start3A_522 = tpu.memref_squeeze %dma_start3A_521 : memref<1x1x2x64xi32, #tpu.memory_space<vmem>> -> memref<2x64xi32, #tpu.memory_space<vmem>>
        %dma_start3A_523 = arith.constant 0 : i32
        %dma_start3A_524 = arith.constant 0 : i32
        %dma_start3A_525 = tpu.memref_slice %arg4[%add3A, %add3A_515, %dma_start3A_523, %dma_start3A_524] : memref<32x40x2x64xi32, #tpu.memory_space<hbm>> -> memref<1x1x2x64xi32, #tpu.memory_space<hbm>>
        %dma_start3A_526 = tpu.memref_squeeze %dma_start3A_525 : memref<1x1x2x64xi32, #tpu.memory_space<hbm>> -> memref<2x64xi32, #tpu.memory_space<hbm>>
        %dma_start3A_527 = arith.constant 0 : i32
        %dma_start3A_528 = arith.constant 0 : i32
        %dma_start3A_529 = tpu.memref_slice %arg8[%sub3A_517, %dma_start3A_518, %dma_start3A_527, %dma_start3A_528] : memref<2x2x2x64xi32, #tpu.memory_space<vmem>> -> memref<1x1x2x64xi32, #tpu.memory_space<vmem>>
        %dma_start3A_530 = tpu.memref_squeeze %dma_start3A_529 : memref<1x1x2x64xi32, #tpu.memory_space<vmem>> -> memref<2x64xi32, #tpu.memory_space<vmem>>
        %dma_start3A_531 = arith.constant 0 : i32
        %dma_start3A_532 = arith.constant 0 : i32
        %dma_start3A_533 = tpu.memref_slice %arg4[%add3A, %add3A_515, %dma_start3A_531, %dma_start3A_532] : memref<32x40x2x64xi32, #tpu.memory_space<hbm>> -> memref<1x1x2x64xi32, #tpu.memory_space<hbm>>
        %dma_start3A_534 = tpu.memref_squeeze %dma_start3A_533 : memref<1x1x2x64xi32, #tpu.memory_space<hbm>> -> memref<2x64xi32, #tpu.memory_space<hbm>>
        tpu.enqueue_dma source(%dma_start3A_534 : memref<2x64xi32, #tpu.memory_space<hbm>>) target(%dma_start3A_530 : memref<2x64xi32, #tpu.memory_space<vmem>>) target_semaphore(%arg12 : memref<!tpu.dma_semaphore, #tpu.memory_space<semaphore_mem>>)
        %add3A_535 = arith.constant 1 : i32
        %add3A_536 = arith.addi %add3A_294, %add3A_535 : i32
        %sub3A_537 = arith.constant 1 : i32
        %sub3A_538 = arith.subi %sub3A_537, %select_n3A_310 : i32
        %dma_start3A_539 = arith.constant 1 : i32
        %dma_start3A_540 = arith.constant 0 : i32
        %dma_start3A_541 = arith.constant 0 : i32
        %dma_start3A_542 = tpu.memref_slice %arg8[%sub3A_538, %dma_start3A_539, %dma_start3A_540, %dma_start3A_541] : memref<2x2x2x64xi32, #tpu.memory_space<vmem>> -> memref<1x1x2x64xi32, #tpu.memory_space<vmem>>
        %dma_start3A_543 = tpu.memref_squeeze %dma_start3A_542 : memref<1x1x2x64xi32, #tpu.memory_space<vmem>> -> memref<2x64xi32, #tpu.memory_space<vmem>>
        %dma_start3A_544 = arith.constant 0 : i32
        %dma_start3A_545 = arith.constant 0 : i32
        %dma_start3A_546 = tpu.memref_slice %arg5[%add3A, %add3A_536, %dma_start3A_544, %dma_start3A_545] : memref<32x40x2x64xi32, #tpu.memory_space<hbm>> -> memref<1x1x2x64xi32, #tpu.memory_space<hbm>>
        %dma_start3A_547 = tpu.memref_squeeze %dma_start3A_546 : memref<1x1x2x64xi32, #tpu.memory_space<hbm>> -> memref<2x64xi32, #tpu.memory_space<hbm>>
        %dma_start3A_548 = arith.constant 0 : i32
        %dma_start3A_549 = arith.constant 0 : i32
        %dma_start3A_550 = tpu.memref_slice %arg8[%sub3A_538, %dma_start3A_539, %dma_start3A_548, %dma_start3A_549] : memref<2x2x2x64xi32, #tpu.memory_space<vmem>> -> memref<1x1x2x64xi32, #tpu.memory_space<vmem>>
        %dma_start3A_551 = tpu.memref_squeeze %dma_start3A_550 : memref<1x1x2x64xi32, #tpu.memory_space<vmem>> -> memref<2x64xi32, #tpu.memory_space<vmem>>
        %dma_start3A_552 = arith.constant 0 : i32
        %dma_start3A_553 = arith.constant 0 : i32
        %dma_start3A_554 = tpu.memref_slice %arg5[%add3A, %add3A_536, %dma_start3A_552, %dma_start3A_553] : memref<32x40x2x64xi32, #tpu.memory_space<hbm>> -> memref<1x1x2x64xi32, #tpu.memory_space<hbm>>
        %dma_start3A_555 = tpu.memref_squeeze %dma_start3A_554 : memref<1x1x2x64xi32, #tpu.memory_space<hbm>> -> memref<2x64xi32, #tpu.memory_space<hbm>>
        tpu.enqueue_dma source(%dma_start3A_555 : memref<2x64xi32, #tpu.memory_space<hbm>>) target(%dma_start3A_551 : memref<2x64xi32, #tpu.memory_space<vmem>>) target_semaphore(%arg12 : memref<!tpu.dma_semaphore, #tpu.memory_space<semaphore_mem>>)
      } else {
      }
      %dma_wait3A = arith.constant 0 : i32
      %dma_wait3A_319 = arith.constant 0 : i32
      %dma_wait3A_320 = arith.constant 0 : i32
      %dma_wait3A_321 = tpu.memref_slice %arg10[%dma_wait3A, %dma_wait3A_319, %dma_wait3A_320] : memref<2x64x128xf32, #tpu.memory_space<vmem>> -> memref<1x64x128xf32, #tpu.memory_space<vmem>>
      %dma_wait3A_322 = tpu.memref_squeeze %dma_wait3A_321 : memref<1x64x128xf32, #tpu.memory_space<vmem>> -> memref<64x128xf32, #tpu.memory_space<vmem>>
      %dma_wait3A_323 = arith.constant 0 : i32
      %dma_wait3A_324 = arith.constant 0 : i32
      %dma_wait3A_325 = tpu.memref_slice %arg3[%dma_wait3A_323, %dma_wait3A_324] : memref<40960x512xf32, #tpu.memory_space<hbm>> -> memref<64x128xf32, #tpu.memory_space<hbm>>
      %dma_wait3A_326 = arith.constant 0 : i32
      %dma_wait3A_327 = arith.constant 0 : i32
      %dma_wait3A_328 = tpu.memref_slice %arg10[%dma_wait3A, %dma_wait3A_326, %dma_wait3A_327] : memref<2x64x128xf32, #tpu.memory_space<vmem>> -> memref<1x64x128xf32, #tpu.memory_space<vmem>>
      %dma_wait3A_329 = tpu.memref_squeeze %dma_wait3A_328 : memref<1x64x128xf32, #tpu.memory_space<vmem>> -> memref<64x128xf32, #tpu.memory_space<vmem>>
      %dma_wait3A_330 = arith.constant 0 : i32
      %dma_wait3A_331 = arith.constant 0 : i32
      %dma_wait3A_332 = tpu.memref_slice %arg3[%dma_wait3A_330, %dma_wait3A_331] : memref<40960x512xf32, #tpu.memory_space<hbm>> -> memref<64x128xf32, #tpu.memory_space<hbm>>
      tpu.wait_dma2 semaphore(%arg15 : memref<!tpu.dma_semaphore, #tpu.memory_space<semaphore_mem>>) src(%dma_wait3A_332 : memref<64x128xf32, #tpu.memory_space<hbm>>) dst(%dma_wait3A_329 : memref<64x128xf32, #tpu.memory_space<vmem>>)
      %dma_wait3A_333 = arith.constant 0 : i32
      %dma_wait3A_334 = arith.constant 0 : i32
      %dma_wait3A_335 = arith.constant 0 : i32
      %dma_wait3A_336 = arith.constant 0 : i32
      %dma_wait3A_337 = arith.constant 0 : i32
      %dma_wait3A_338 = arith.constant 0 : i32
      %dma_wait3A_339 = tpu.memref_slice %arg9[%dma_wait3A_336, %dma_wait3A_337, %dma_wait3A_338] : memref<2x64x128xf32, #tpu.memory_space<vmem>> -> memref<1x64x128xf32, #tpu.memory_space<vmem>>
      %dma_wait3A_340 = tpu.memref_squeeze %dma_wait3A_339 : memref<1x64x128xf32, #tpu.memory_space<vmem>> -> memref<64x128xf32, #tpu.memory_space<vmem>>
      %dma_wait3A_341 = arith.constant 0 : i32
      %dma_wait3A_342 = tpu.memref_slice %arg8[%dma_wait3A_333, %dma_wait3A_334, %dma_wait3A_335, %dma_wait3A_341] : memref<2x2x2x64xi32, #tpu.memory_space<vmem>> -> memref<1x1x1x64xi32, #tpu.memory_space<vmem>>
      %dma_wait3A_343 = tpu.memref_squeeze %dma_wait3A_342 : memref<1x1x1x64xi32, #tpu.memory_space<vmem>> -> memref<64xi32, #tpu.memory_space<vmem>>
      %dma_wait3A_344 = arith.constant 0 : i32
      %dma_wait3A_345 = arith.constant 0 : i32
      %dma_wait3A_346 = tpu.memref_slice %arg2[%dma_wait3A_344, %dma_wait3A_345] : memref<10000x128xf32, #tpu.memory_space<hbm>> -> memref<10000x128xf32, #tpu.memory_space<hbm>>
      tpu.wait_indirect_dma semaphore(%arg13 : memref<!tpu.dma_semaphore, #tpu.memory_space<semaphore_mem>>) src(%dma_wait3A_346 : memref<10000x128xf32, #tpu.memory_space<hbm>>) dst(%dma_wait3A_340 : memref<64x128xf32, #tpu.memory_space<vmem>>)
      %scan3A_347 = arith.constant 0 : i32
      %scan3A_348 = arith.constant 64 : i32
      %scan3A_349 = arith.addi %scan3A_347, %scan3A_348 : i32
      %scan3A_350 = arith.constant 1 : i32
      scf.for %scan3A_514 = %scan3A_347 to %scan3A_349 step %scan3A_350  : i32 {
        %mul3A_515 = arith.constant 1 : i32
        %mul3A_516 = arith.muli %scan3A_514, %mul3A_515 : i32
        %add3A_517 = arith.constant 0 : i32
        %add3A_518 = arith.addi %add3A_517, %mul3A_516 : i32
        %get3A = arith.constant 0 : i32
        %get3A_519 = arith.index_cast %get3A : i32 to index
        %get3A_520 = arith.index_cast %add3A_518 : i32 to index
        %get3A_521 = arith.constant 0 : index
        %get3A_522 = tpu.vector_load %arg9[%get3A_519, %get3A_520, %get3A_521] {strides = array<i32>} : memref<2x64x128xf32, #tpu.memory_space<vmem>>, vector<1x1x16xf32>,
        %get3A_523 = vector.shape_cast %get3A_522 : vector<1x1x16xf32> to vector<16xf32>
        %get3A_524 = arith.constant 0 : i32
        %get3A_525 = arith.index_cast %get3A_524 : i32 to index
        %get3A_526 = arith.index_cast %add3A_518 : i32 to index
        %get3A_527 = arith.constant 0 : index
        %get3A_528 = tpu.vector_load %arg10[%get3A_525, %get3A_526, %get3A_527] {strides = array<i32>} : memref<2x64x128xf32, #tpu.memory_space<vmem>>, vector<1x1x16xf32>,
        %get3A_529 = vector.shape_cast %get3A_528 : vector<1x1x16xf32> to vector<16xf32>
        %mul3A_530 = arith.mulf %get3A_523, %get3A_529 : vector<16xf32>
        %swap3A = arith.constant 0 : i32
        %swap3A_531 = arith.index_cast %swap3A : i32 to index
        %swap3A_532 = arith.index_cast %add3A_518 : i32 to index
        %swap3A_533 = arith.constant 0 : index
        %swap3A_534 = tpu.vector_load %arg9[%swap3A_531, %swap3A_532, %swap3A_533] {strides = array<i32>} : memref<2x64x128xf32, #tpu.memory_space<vmem>>, vector<1x1x16xf32>,
        %swap3A_535 = vector.shape_cast %swap3A_534 : vector<1x1x16xf32> to vector<16xf32>
        %swap3A_536 = vector.shape_cast %mul3A_530 : vector<16xf32> to vector<1x1x16xf32>
        tpu.vector_store %arg9[%swap3A_531, %swap3A_532, %swap3A_533], %swap3A_536 {strides = array<i32>} : memref<2x64x128xf32, #tpu.memory_space<vmem>>, vector<1x1x16xf32>,
        %get3A_537 = arith.constant 0 : i32
        %get3A_538 = arith.index_cast %get3A_537 : i32 to index
        %get3A_539 = arith.index_cast %add3A_518 : i32 to index
        %get3A_540 = arith.constant 16 : index
        %get3A_541 = tpu.vector_load %arg9[%get3A_538, %get3A_539, %get3A_540] {strides = array<i32>} : memref<2x64x128xf32, #tpu.memory_space<vmem>>, vector<1x1x16xf32>,
        %get3A_542 = vector.shape_cast %get3A_541 : vector<1x1x16xf32> to vector<16xf32>
        %get3A_543 = arith.constant 0 : i32
        %get3A_544 = arith.index_cast %get3A_543 : i32 to index
        %get3A_545 = arith.index_cast %add3A_518 : i32 to index
        %get3A_546 = arith.constant 16 : index
        %get3A_547 = tpu.vector_load %arg10[%get3A_544, %get3A_545, %get3A_546] {strides = array<i32>} : memref<2x64x128xf32, #tpu.memory_space<vmem>>, vector<1x1x16xf32>,
        %get3A_548 = vector.shape_cast %get3A_547 : vector<1x1x16xf32> to vector<16xf32>
        %mul3A_549 = arith.mulf %get3A_542, %get3A_548 : vector<16xf32>
        %swap3A_550 = arith.constant 0 : i32
        %swap3A_551 = arith.index_cast %swap3A_550 : i32 to index
        %swap3A_552 = arith.index_cast %add3A_518 : i32 to index
        %swap3A_553 = arith.constant 16 : index
        %swap3A_554 = tpu.vector_load %arg9[%swap3A_551, %swap3A_552, %swap3A_553] {strides = array<i32>} : memref<2x64x128xf32, #tpu.memory_space<vmem>>, vector<1x1x16xf32>,
        %swap3A_555 = vector.shape_cast %swap3A_554 : vector<1x1x16xf32> to vector<16xf32>
        %swap3A_556 = vector.shape_cast %mul3A_549 : vector<16xf32> to vector<1x1x16xf32>
        tpu.vector_store %arg9[%swap3A_551, %swap3A_552, %swap3A_553], %swap3A_556 {strides = array<i32>} : memref<2x64x128xf32, #tpu.memory_space<vmem>>, vector<1x1x16xf32>,
        %get3A_557 = arith.constant 0 : i32
        %get3A_558 = arith.index_cast %get3A_557 : i32 to index
        %get3A_559 = arith.index_cast %add3A_518 : i32 to index
        %get3A_560 = arith.constant 32 : index
        %get3A_561 = tpu.vector_load %arg9[%get3A_558, %get3A_559, %get3A_560] {strides = array<i32>} : memref<2x64x128xf32, #tpu.memory_space<vmem>>, vector<1x1x16xf32>,
        %get3A_562 = vector.shape_cast %get3A_561 : vector<1x1x16xf32> to vector<16xf32>
        %get3A_563 = arith.constant 0 : i32
        %get3A_564 = arith.index_cast %get3A_563 : i32 to index
        %get3A_565 = arith.index_cast %add3A_518 : i32 to index
        %get3A_566 = arith.constant 32 : index
        %get3A_567 = tpu.vector_load %arg10[%get3A_564, %get3A_565, %get3A_566] {strides = array<i32>} : memref<2x64x128xf32, #tpu.memory_space<vmem>>, vector<1x1x16xf32>,
        %get3A_568 = vector.shape_cast %get3A_567 : vector<1x1x16xf32> to vector<16xf32>
        %mul3A_569 = arith.mulf %get3A_562, %get3A_568 : vector<16xf32>
        %swap3A_570 = arith.constant 0 : i32
        %swap3A_571 = arith.index_cast %swap3A_570 : i32 to index
        %swap3A_572 = arith.index_cast %add3A_518 : i32 to index
        %swap3A_573 = arith.constant 32 : index
        %swap3A_574 = tpu.vector_load %arg9[%swap3A_571, %swap3A_572, %swap3A_573] {strides = array<i32>} : memref<2x64x128xf32, #tpu.memory_space<vmem>>, vector<1x1x16xf32>,
        %swap3A_575 = vector.shape_cast %swap3A_574 : vector<1x1x16xf32> to vector<16xf32>
        %swap3A_576 = vector.shape_cast %mul3A_569 : vector<16xf32> to vector<1x1x16xf32>
        tpu.vector_store %arg9[%swap3A_571, %swap3A_572, %swap3A_573], %swap3A_576 {strides = array<i32>} : memref<2x64x128xf32, #tpu.memory_space<vmem>>, vector<1x1x16xf32>,
        %get3A_577 = arith.constant 0 : i32
        %get3A_578 = arith.index_cast %get3A_577 : i32 to index
        %get3A_579 = arith.index_cast %add3A_518 : i32 to index
        %get3A_580 = arith.constant 48 : index
        %get3A_581 = tpu.vector_load %arg9[%get3A_578, %get3A_579, %get3A_580] {strides = array<i32>} : memref<2x64x128xf32, #tpu.memory_space<vmem>>, vector<1x1x16xf32>,
        %get3A_582 = vector.shape_cast %get3A_581 : vector<1x1x16xf32> to vector<16xf32>
        %get3A_583 = arith.constant 0 : i32
        %get3A_584 = arith.index_cast %get3A_583 : i32 to index
        %get3A_585 = arith.index_cast %add3A_518 : i32 to index
        %get3A_586 = arith.constant 48 : index
        %get3A_587 = tpu.vector_load %arg10[%get3A_584, %get3A_585, %get3A_586] {strides = array<i32>} : memref<2x64x128xf32, #tpu.memory_space<vmem>>, vector<1x1x16xf32>,
        %get3A_588 = vector.shape_cast %get3A_587 : vector<1x1x16xf32> to vector<16xf32>
        %mul3A_589 = arith.mulf %get3A_582, %get3A_588 : vector<16xf32>
        %swap3A_590 = arith.constant 0 : i32
        %swap3A_591 = arith.index_cast %swap3A_590 : i32 to index
        %swap3A_592 = arith.index_cast %add3A_518 : i32 to index
        %swap3A_593 = arith.constant 48 : index
        %swap3A_594 = tpu.vector_load %arg9[%swap3A_591, %swap3A_592, %swap3A_593] {strides = array<i32>} : memref<2x64x128xf32, #tpu.memory_space<vmem>>, vector<1x1x16xf32>,
        %swap3A_595 = vector.shape_cast %swap3A_594 : vector<1x1x16xf32> to vector<16xf32>
        %swap3A_596 = vector.shape_cast %mul3A_589 : vector<16xf32> to vector<1x1x16xf32>
        tpu.vector_store %arg9[%swap3A_591, %swap3A_592, %swap3A_593], %swap3A_596 {strides = array<i32>} : memref<2x64x128xf32, #tpu.memory_space<vmem>>, vector<1x1x16xf32>,
        %get3A_597 = arith.constant 0 : i32
        %get3A_598 = arith.index_cast %get3A_597 : i32 to index
        %get3A_599 = arith.index_cast %add3A_518 : i32 to index
        %get3A_600 = arith.constant 64 : index
        %get3A_601 = tpu.vector_load %arg9[%get3A_598, %get3A_599, %get3A_600] {strides = array<i32>} : memref<2x64x128xf32, #tpu.memory_space<vmem>>, vector<1x1x16xf32>,
        %get3A_602 = vector.shape_cast %get3A_601 : vector<1x1x16xf32> to vector<16xf32>
        %get3A_603 = arith.constant 0 : i32
        %get3A_604 = arith.index_cast %get3A_603 : i32 to index
        %get3A_605 = arith.index_cast %add3A_518 : i32 to index
        %get3A_606 = arith.constant 64 : index
        %get3A_607 = tpu.vector_load %arg10[%get3A_604, %get3A_605, %get3A_606] {strides = array<i32>} : memref<2x64x128xf32, #tpu.memory_space<vmem>>, vector<1x1x16xf32>,
        %get3A_608 = vector.shape_cast %get3A_607 : vector<1x1x16xf32> to vector<16xf32>
        %mul3A_609 = arith.mulf %get3A_602, %get3A_608 : vector<16xf32>
        %swap3A_610 = arith.constant 0 : i32
        %swap3A_611 = arith.index_cast %swap3A_610 : i32 to index
        %swap3A_612 = arith.index_cast %add3A_518 : i32 to index
        %swap3A_613 = arith.constant 64 : index
        %swap3A_614 = tpu.vector_load %arg9[%swap3A_611, %swap3A_612, %swap3A_613] {strides = array<i32>} : memref<2x64x128xf32, #tpu.memory_space<vmem>>, vector<1x1x16xf32>,
        %swap3A_615 = vector.shape_cast %swap3A_614 : vector<1x1x16xf32> to vector<16xf32>
        %swap3A_616 = vector.shape_cast %mul3A_609 : vector<16xf32> to vector<1x1x16xf32>
        tpu.vector_store %arg9[%swap3A_611, %swap3A_612, %swap3A_613], %swap3A_616 {strides = array<i32>} : memref<2x64x128xf32, #tpu.memory_space<vmem>>, vector<1x1x16xf32>,
        %get3A_617 = arith.constant 0 : i32
        %get3A_618 = arith.index_cast %get3A_617 : i32 to index
        %get3A_619 = arith.index_cast %add3A_518 : i32 to index
        %get3A_620 = arith.constant 80 : index
        %get3A_621 = tpu.vector_load %arg9[%get3A_618, %get3A_619, %get3A_620] {strides = array<i32>} : memref<2x64x128xf32, #tpu.memory_space<vmem>>, vector<1x1x16xf32>,
        %get3A_622 = vector.shape_cast %get3A_621 : vector<1x1x16xf32> to vector<16xf32>
        %get3A_623 = arith.constant 0 : i32
        %get3A_624 = arith.index_cast %get3A_623 : i32 to index
        %get3A_625 = arith.index_cast %add3A_518 : i32 to index
        %get3A_626 = arith.constant 80 : index
        %get3A_627 = tpu.vector_load %arg10[%get3A_624, %get3A_625, %get3A_626] {strides = array<i32>} : memref<2x64x128xf32, #tpu.memory_space<vmem>>, vector<1x1x16xf32>,
        %get3A_628 = vector.shape_cast %get3A_627 : vector<1x1x16xf32> to vector<16xf32>
        %mul3A_629 = arith.mulf %get3A_622, %get3A_628 : vector<16xf32>
        %swap3A_630 = arith.constant 0 : i32
        %swap3A_631 = arith.index_cast %swap3A_630 : i32 to index
        %swap3A_632 = arith.index_cast %add3A_518 : i32 to index
        %swap3A_633 = arith.constant 80 : index
        %swap3A_634 = tpu.vector_load %arg9[%swap3A_631, %swap3A_632, %swap3A_633] {strides = array<i32>} : memref<2x64x128xf32, #tpu.memory_space<vmem>>, vector<1x1x16xf32>,
        %swap3A_635 = vector.shape_cast %swap3A_634 : vector<1x1x16xf32> to vector<16xf32>
        %swap3A_636 = vector.shape_cast %mul3A_629 : vector<16xf32> to vector<1x1x16xf32>
        tpu.vector_store %arg9[%swap3A_631, %swap3A_632, %swap3A_633], %swap3A_636 {strides = array<i32>} : memref<2x64x128xf32, #tpu.memory_space<vmem>>, vector<1x1x16xf32>,
        %get3A_637 = arith.constant 0 : i32
        %get3A_638 = arith.index_cast %get3A_637 : i32 to index
        %get3A_639 = arith.index_cast %add3A_518 : i32 to index
        %get3A_640 = arith.constant 96 : index
        %get3A_641 = tpu.vector_load %arg9[%get3A_638, %get3A_639, %get3A_640] {strides = array<i32>} : memref<2x64x128xf32, #tpu.memory_space<vmem>>, vector<1x1x16xf32>,
        %get3A_642 = vector.shape_cast %get3A_641 : vector<1x1x16xf32> to vector<16xf32>
        %get3A_643 = arith.constant 0 : i32
        %get3A_644 = arith.index_cast %get3A_643 : i32 to index
        %get3A_645 = arith.index_cast %add3A_518 : i32 to index
        %get3A_646 = arith.constant 96 : index
        %get3A_647 = tpu.vector_load %arg10[%get3A_644, %get3A_645, %get3A_646] {strides = array<i32>} : memref<2x64x128xf32, #tpu.memory_space<vmem>>, vector<1x1x16xf32>,
        %get3A_648 = vector.shape_cast %get3A_647 : vector<1x1x16xf32> to vector<16xf32>
        %mul3A_649 = arith.mulf %get3A_642, %get3A_648 : vector<16xf32>
        %swap3A_650 = arith.constant 0 : i32
        %swap3A_651 = arith.index_cast %swap3A_650 : i32 to index
        %swap3A_652 = arith.index_cast %add3A_518 : i32 to index
        %swap3A_653 = arith.constant 96 : index
        %swap3A_654 = tpu.vector_load %arg9[%swap3A_651, %swap3A_652, %swap3A_653] {strides = array<i32>} : memref<2x64x128xf32, #tpu.memory_space<vmem>>, vector<1x1x16xf32>,
        %swap3A_655 = vector.shape_cast %swap3A_654 : vector<1x1x16xf32> to vector<16xf32>
        %swap3A_656 = vector.shape_cast %mul3A_649 : vector<16xf32> to vector<1x1x16xf32>
        tpu.vector_store %arg9[%swap3A_651, %swap3A_652, %swap3A_653], %swap3A_656 {strides = array<i32>} : memref<2x64x128xf32, #tpu.memory_space<vmem>>, vector<1x1x16xf32>,
        %get3A_657 = arith.constant 0 : i32
        %get3A_658 = arith.index_cast %get3A_657 : i32 to index
        %get3A_659 = arith.index_cast %add3A_518 : i32 to index
        %get3A_660 = arith.constant 112 : index
        %get3A_661 = tpu.vector_load %arg9[%get3A_658, %get3A_659, %get3A_660] {strides = array<i32>} : memref<2x64x128xf32, #tpu.memory_space<vmem>>, vector<1x1x16xf32>,
        %get3A_662 = vector.shape_cast %get3A_661 : vector<1x1x16xf32> to vector<16xf32>
        %get3A_663 = arith.constant 0 : i32
        %get3A_664 = arith.index_cast %get3A_663 : i32 to index
        %get3A_665 = arith.index_cast %add3A_518 : i32 to index
        %get3A_666 = arith.constant 112 : index
        %get3A_667 = tpu.vector_load %arg10[%get3A_664, %get3A_665, %get3A_666] {strides = array<i32>} : memref<2x64x128xf32, #tpu.memory_space<vmem>>, vector<1x1x16xf32>,
        %get3A_668 = vector.shape_cast %get3A_667 : vector<1x1x16xf32> to vector<16xf32>
        %mul3A_669 = arith.mulf %get3A_662, %get3A_668 : vector<16xf32>
        %swap3A_670 = arith.constant 0 : i32
        %swap3A_671 = arith.index_cast %swap3A_670 : i32 to index
        %swap3A_672 = arith.index_cast %add3A_518 : i32 to index
        %swap3A_673 = arith.constant 112 : index
        %swap3A_674 = tpu.vector_load %arg9[%swap3A_671, %swap3A_672, %swap3A_673] {strides = array<i32>} : memref<2x64x128xf32, #tpu.memory_space<vmem>>, vector<1x1x16xf32>,
        %swap3A_675 = vector.shape_cast %swap3A_674 : vector<1x1x16xf32> to vector<16xf32>
        %swap3A_676 = vector.shape_cast %mul3A_669 : vector<16xf32> to vector<1x1x16xf32>
        tpu.vector_store %arg9[%swap3A_671, %swap3A_672, %swap3A_673], %swap3A_676 {strides = array<i32>} : memref<2x64x128xf32, #tpu.memory_space<vmem>>, vector<1x1x16xf32>,
      }
      %scan3A_351 = arith.constant 64 : i32
      %jit3A_352 = arith.constant 2 : i32
      %div3A_353 = arith.divsi %add3A_315, %jit3A_352 : i32
      %sign3A_354 = arith.constant 0 : i32
      %sign3A_355 = arith.cmpi sgt, %add3A_315, %sign3A_354 : i32
      %sign3A_356 = arith.extui %sign3A_355 : i1 to i32
      %sign3A_357 = arith.constant 0 : i32
      %sign3A_358 = arith.cmpi slt, %add3A_315, %sign3A_357 : i32
      %sign3A_359 = arith.extui %sign3A_358 : i1 to i32
      %sign3A_360 = arith.subi %sign3A_356, %sign3A_359 : i32
      %sign3A_361 = arith.constant 0 : i32
      %sign3A_362 = arith.cmpi sgt, %jit3A_352, %sign3A_361 : i32
      %sign3A_363 = arith.extui %sign3A_362 : i1 to i32
      %sign3A_364 = arith.constant 0 : i32
      %sign3A_365 = arith.cmpi slt, %jit3A_352, %sign3A_364 : i32
      %sign3A_366 = arith.extui %sign3A_365 : i1 to i32
      %sign3A_367 = arith.subi %sign3A_363, %sign3A_366 : i32
      %ne3A_368 = arith.cmpi ne, %sign3A_360, %sign3A_367 : i32
      %rem3A_369 = arith.remsi %add3A_315, %jit3A_352 : i32
      %ne3A_370 = arith.constant 0 : i32
      %ne3A_371 = arith.cmpi ne, %rem3A_369, %ne3A_370 : i32
      %and3A_372 = arith.andi %ne3A_368, %ne3A_371 : i1
      %sub3A_373 = arith.constant 1 : i32
      %sub3A_374 = arith.subi %div3A_353, %sub3A_373 : i32
      %select_n3A_375 = arith.select %and3A_372, %sub3A_374, %div3A_353 : i32
      %jit3A_376 = arith.constant 2 : i32
      %eq3A_377 = arith.constant 0 : i32
      %eq3A_378 = arith.cmpi eq, %jit3A_376, %eq3A_377 : i32
      %jit3A_379 = arith.constant 1 : i32
      %select_n3A_380 = arith.select %eq3A_378, %jit3A_379, %jit3A_376 : i32
      %rem3A_381 = arith.remsi %select_n3A_375, %select_n3A_380 : i32
      %ne3A_382 = arith.constant 0 : i32
      %ne3A_383 = arith.cmpi ne, %rem3A_381, %ne3A_382 : i32
      %lt3A_384 = arith.constant 0 : i32
      %lt3A_385 = arith.cmpi slt, %rem3A_381, %lt3A_384 : i32
      %lt3A_386 = arith.constant 0 : i32
      %lt3A_387 = arith.cmpi slt, %select_n3A_380, %lt3A_386 : i32
      %ne3A_388 = arith.xori %lt3A_385, %lt3A_387 : i1
      %and3A_389 = arith.andi %ne3A_388, %ne3A_383 : i1
      %add3A_390 = arith.addi %rem3A_381, %select_n3A_380 : i32
      %select_n3A_391 = arith.select %and3A_389, %add3A_390, %rem3A_381 : i32
      %jit3A_392 = arith.constant 2 : i32
      %eq3A_393 = arith.constant 0 : i32
      %eq3A_394 = arith.cmpi eq, %jit3A_392, %eq3A_393 : i32
      %jit3A_395 = arith.constant 1 : i32
      %select_n3A_396 = arith.select %eq3A_394, %jit3A_395, %jit3A_392 : i32
      %rem3A_397 = arith.remsi %add3A_315, %select_n3A_396 : i32
      %ne3A_398 = arith.constant 0 : i32
      %ne3A_399 = arith.cmpi ne, %rem3A_397, %ne3A_398 : i32
      %lt3A_400 = arith.constant 0 : i32
      %lt3A_401 = arith.cmpi slt, %rem3A_397, %lt3A_400 : i32
      %lt3A_402 = arith.constant 0 : i32
      %lt3A_403 = arith.cmpi slt, %select_n3A_396, %lt3A_402 : i32
      %ne3A_404 = arith.xori %lt3A_401, %lt3A_403 : i1
      %and3A_405 = arith.andi %ne3A_404, %ne3A_399 : i1
      %add3A_406 = arith.addi %rem3A_397, %select_n3A_396 : i32
      %select_n3A_407 = arith.select %and3A_405, %add3A_406, %rem3A_397 : i32
      %run_scoped3A_408 = arith.constant 0 : i32
      %run_scoped3A_409 = arith.constant 1 : i32
      "tpu.region"() ({
        %run_scoped3A_514 = tpu.sem_alloc : memref<!tpu.dma_semaphore, #tpu.memory_space<semaphore_mem>>
        %dma_start3A_515 = arith.constant 0 : i32
        %dma_start3A_516 = arith.constant 0 : i32
        %dma_start3A_517 = tpu.memref_slice %arg9[%run_scoped3A_408, %dma_start3A_515, %dma_start3A_516] : memref<2x64x128xf32, #tpu.memory_space<vmem>> -> memref<1x64x128xf32, #tpu.memory_space<vmem>>
        %dma_start3A_518 = tpu.memref_squeeze %dma_start3A_517 : memref<1x64x128xf32, #tpu.memory_space<vmem>> -> memref<64x128xf32, #tpu.memory_space<vmem>>
        %dma_start3A_519 = arith.constant 0 : i32
        %dma_start3A_520 = tpu.memref_slice %arg8[%select_n3A_391, %run_scoped3A_409, %select_n3A_407, %dma_start3A_519] : memref<2x2x2x64xi32, #tpu.memory_space<vmem>> -> memref<1x1x1x64xi32, #tpu.memory_space<vmem>>
        %dma_start3A_521 = tpu.memref_squeeze %dma_start3A_520 : memref<1x1x1x64xi32, #tpu.memory_space<vmem>> -> memref<64xi32, #tpu.memory_space<vmem>>
        %dma_start3A_522 = arith.constant 0 : i32
        %dma_start3A_523 = arith.constant 0 : i32
        %dma_start3A_524 = tpu.memref_slice %arg11[%dma_start3A_522, %dma_start3A_523] : memref<10240x128xf32, #tpu.memory_space<vmem_shared>> -> memref<10240x128xf32, #tpu.memory_space<vmem_shared>>
        tpu.enqueue_indirect_dma source(%dma_start3A_518 : memref<64x128xf32, #tpu.memory_space<vmem>>) target(%dma_start3A_524 : memref<10240x128xf32, #tpu.memory_space<vmem_shared>>) offsets(%dma_start3A_521 : memref<64xi32, #tpu.memory_space<vmem>>) semaphore(%run_scoped3A_514 : memref<!tpu.dma_semaphore, #tpu.memory_space<semaphore_mem>>) {add = true}
        %dma_wait3A_525 = arith.constant 0 : i32
        %dma_wait3A_526 = arith.constant 0 : i32
        %dma_wait3A_527 = tpu.memref_slice %arg9[%run_scoped3A_408, %dma_wait3A_525, %dma_wait3A_526] : memref<2x64x128xf32, #tpu.memory_space<vmem>> -> memref<1x64x128xf32, #tpu.memory_space<vmem>>
        %dma_wait3A_528 = tpu.memref_squeeze %dma_wait3A_527 : memref<1x64x128xf32, #tpu.memory_space<vmem>> -> memref<64x128xf32, #tpu.memory_space<vmem>>
        %dma_wait3A_529 = arith.constant 0 : i32
        %dma_wait3A_530 = tpu.memref_slice %arg8[%select_n3A_391, %run_scoped3A_409, %select_n3A_407, %dma_wait3A_529] : memref<2x2x2x64xi32, #tpu.memory_space<vmem>> -> memref<1x1x1x64xi32, #tpu.memory_space<vmem>>
        %dma_wait3A_531 = tpu.memref_squeeze %dma_wait3A_530 : memref<1x1x1x64xi32, #tpu.memory_space<vmem>> -> memref<64xi32, #tpu.memory_space<vmem>>
        %dma_wait3A_532 = arith.constant 0 : i32
        %dma_wait3A_533 = arith.constant 0 : i32
        %dma_wait3A_534 = tpu.memref_slice %arg11[%dma_wait3A_532, %dma_wait3A_533] : memref<10240x128xf32, #tpu.memory_space<vmem_shared>> -> memref<10240x128xf32, #tpu.memory_space<vmem_shared>>
        tpu.wait_indirect_dma semaphore(%run_scoped3A_514 : memref<!tpu.dma_semaphore, #tpu.memory_space<semaphore_mem>>) src(%dma_wait3A_528 : memref<64x128xf32, #tpu.memory_space<vmem>>) dst(%dma_wait3A_534 : memref<10240x128xf32, #tpu.memory_space<vmem_shared>>)
        tpu.yield
      }) : () -> ()
      %lt3A_410 = arith.constant 39 : i32
      %lt3A_411 = arith.cmpi slt, %add3A_294, %lt3A_410 : i32
      %convert_element_type3A_412 = arith.extui %lt3A_411 : i1 to i32
      %cond3A_413 = arith.constant 0 : i32
      %cond3A_414 = arith.cmpi ne, %convert_element_type3A_412, %cond3A_413 : i32
      scf.if %cond3A_414 {
        %dma_wait3A_514 = arith.constant 0 : i32
        %dma_wait3A_515 = arith.constant 0 : i32
        %dma_wait3A_516 = arith.constant 0 : i32
        %dma_wait3A_517 = arith.constant 0 : i32
        %dma_wait3A_518 = arith.constant 0 : i32
        %dma_wait3A_519 = tpu.memref_slice %arg8[%dma_wait3A_515, %dma_wait3A_516, %dma_wait3A_517, %dma_wait3A_518] : memref<2x2x2x64xi32, #tpu.memory_space<vmem>> -> memref<1x1x2x64xi32, #tpu.memory_space<vmem>>
        %dma_wait3A_520 = tpu.memref_squeeze %dma_wait3A_519 : memref<1x1x2x64xi32, #tpu.memory_space<vmem>> -> memref<2x64xi32, #tpu.memory_space<vmem>>
        %dma_wait3A_521 = arith.constant 0 : i32
        %dma_wait3A_522 = arith.constant 0 : i32
        %dma_wait3A_523 = tpu.memref_slice %arg4[%add3A, %dma_wait3A_514, %dma_wait3A_521, %dma_wait3A_522] : memref<32x40x2x64xi32, #tpu.memory_space<hbm>> -> memref<1x1x2x64xi32, #tpu.memory_space<hbm>>
        %dma_wait3A_524 = tpu.memref_squeeze %dma_wait3A_523 : memref<1x1x2x64xi32, #tpu.memory_space<hbm>> -> memref<2x64xi32, #tpu.memory_space<hbm>>
        %dma_wait3A_525 = arith.constant 0 : i32
        %dma_wait3A_526 = arith.constant 0 : i32
        %dma_wait3A_527 = tpu.memref_slice %arg8[%dma_wait3A_515, %dma_wait3A_516, %dma_wait3A_525, %dma_wait3A_526] : memref<2x2x2x64xi32, #tpu.memory_space<vmem>> -> memref<1x1x2x64xi32, #tpu.memory_space<vmem>>
        %dma_wait3A_528 = tpu.memref_squeeze %dma_wait3A_527 : memref<1x1x2x64xi32, #tpu.memory_space<vmem>> -> memref<2x64xi32, #tpu.memory_space<vmem>>
        %dma_wait3A_529 = arith.constant 0 : i32
        %dma_wait3A_530 = arith.constant 0 : i32
        %dma_wait3A_531 = tpu.memref_slice %arg4[%add3A, %dma_wait3A_514, %dma_wait3A_529, %dma_wait3A_530] : memref<32x40x2x64xi32, #tpu.memory_space<hbm>> -> memref<1x1x2x64xi32, #tpu.memory_space<hbm>>
        %dma_wait3A_532 = tpu.memref_squeeze %dma_wait3A_531 : memref<1x1x2x64xi32, #tpu.memory_space<hbm>> -> memref<2x64xi32, #tpu.memory_space<hbm>>
        tpu.wait_dma2 semaphore(%arg12 : memref<!tpu.dma_semaphore, #tpu.memory_space<semaphore_mem>>) src(%dma_wait3A_532 : memref<2x64xi32, #tpu.memory_space<hbm>>) dst(%dma_wait3A_528 : memref<2x64xi32, #tpu.memory_space<vmem>>)
        %dma_wait3A_533 = arith.constant 0 : i32
        %dma_wait3A_534 = arith.constant 0 : i32
        %dma_wait3A_535 = arith.constant 1 : i32
        %dma_wait3A_536 = arith.constant 0 : i32
        %dma_wait3A_537 = arith.constant 0 : i32
        %dma_wait3A_538 = tpu.memref_slice %arg8[%dma_wait3A_534, %dma_wait3A_535, %dma_wait3A_536, %dma_wait3A_537] : memref<2x2x2x64xi32, #tpu.memory_space<vmem>> -> memref<1x1x2x64xi32, #tpu.memory_space<vmem>>
        %dma_wait3A_539 = tpu.memref_squeeze %dma_wait3A_538 : memref<1x1x2x64xi32, #tpu.memory_space<vmem>> -> memref<2x64xi32, #tpu.memory_space<vmem>>
        %dma_wait3A_540 = arith.constant 0 : i32
        %dma_wait3A_541 = arith.constant 0 : i32
        %dma_wait3A_542 = tpu.memref_slice %arg5[%add3A, %dma_wait3A_533, %dma_wait3A_540, %dma_wait3A_541] : memref<32x40x2x64xi32, #tpu.memory_space<hbm>> -> memref<1x1x2x64xi32, #tpu.memory_space<hbm>>
        %dma_wait3A_543 = tpu.memref_squeeze %dma_wait3A_542 : memref<1x1x2x64xi32, #tpu.memory_space<hbm>> -> memref<2x64xi32, #tpu.memory_space<hbm>>
        %dma_wait3A_544 = arith.constant 0 : i32
        %dma_wait3A_545 = arith.constant 0 : i32
        %dma_wait3A_546 = tpu.memref_slice %arg8[%dma_wait3A_534, %dma_wait3A_535, %dma_wait3A_544, %dma_wait3A_545] : memref<2x2x2x64xi32, #tpu.memory_space<vmem>> -> memref<1x1x2x64xi32, #tpu.memory_space<vmem>>
        %dma_wait3A_547 = tpu.memref_squeeze %dma_wait3A_546 : memref<1x1x2x64xi32, #tpu.memory_space<vmem>> -> memref<2x64xi32, #tpu.memory_space<vmem>>
        %dma_wait3A_548 = arith.constant 0 : i32
        %dma_wait3A_549 = arith.constant 0 : i32
        %dma_wait3A_550 = tpu.memref_slice %arg5[%add3A, %dma_wait3A_533, %dma_wait3A_548, %dma_wait3A_549] : memref<32x40x2x64xi32, #tpu.memory_space<hbm>> -> memref<1x1x2x64xi32, #tpu.memory_space<hbm>>
        %dma_wait3A_551 = tpu.memref_squeeze %dma_wait3A_550 : memref<1x1x2x64xi32, #tpu.memory_space<hbm>> -> memref<2x64xi32, #tpu.memory_space<hbm>>
        tpu.wait_dma2 semaphore(%arg12 : memref<!tpu.dma_semaphore, #tpu.memory_space<semaphore_mem>>) src(%dma_wait3A_551 : memref<2x64xi32, #tpu.memory_space<hbm>>) dst(%dma_wait3A_547 : memref<2x64xi32, #tpu.memory_space<vmem>>)
        %add3A_552 = arith.constant 2 : i32
        %add3A_553 = arith.addi %add3A_315, %add3A_552 : i32
        %jit3A_554 = arith.constant 40 : i32
        %div3A_555 = arith.divsi %add3A_553, %jit3A_554 : i32
        %sign3A_556 = arith.constant 0 : i32
        %sign3A_557 = arith.cmpi sgt, %add3A_553, %sign3A_556 : i32
        %sign3A_558 = arith.extui %sign3A_557 : i1 to i32
        %sign3A_559 = arith.constant 0 : i32
        %sign3A_560 = arith.cmpi slt, %add3A_553, %sign3A_559 : i32
        %sign3A_561 = arith.extui %sign3A_560 : i1 to i32
        %sign3A_562 = arith.subi %sign3A_558, %sign3A_561 : i32
        %sign3A_563 = arith.constant 0 : i32
        %sign3A_564 = arith.cmpi sgt, %jit3A_554, %sign3A_563 : i32
        %sign3A_565 = arith.extui %sign3A_564 : i1 to i32
        %sign3A_566 = arith.constant 0 : i32
        %sign3A_567 = arith.cmpi slt, %jit3A_554, %sign3A_566 : i32
        %sign3A_568 = arith.extui %sign3A_567 : i1 to i32
        %sign3A_569 = arith.subi %sign3A_565, %sign3A_568 : i32
        %ne3A_570 = arith.cmpi ne, %sign3A_562, %sign3A_569 : i32
        %rem3A_571 = arith.remsi %add3A_553, %jit3A_554 : i32
        %ne3A_572 = arith.constant 0 : i32
        %ne3A_573 = arith.cmpi ne, %rem3A_571, %ne3A_572 : i32
        %and3A_574 = arith.andi %ne3A_570, %ne3A_573 : i1
        %sub3A_575 = arith.constant 1 : i32
        %sub3A_576 = arith.subi %div3A_555, %sub3A_575 : i32
        %select_n3A_577 = arith.select %and3A_574, %sub3A_576, %div3A_555 : i32
        %mul3A_578 = arith.constant 40 : i32
        %mul3A_579 = arith.muli %select_n3A_577, %mul3A_578 : i32
        %sub3A_580 = arith.subi %add3A_553, %mul3A_579 : i32
        %jit3A_581 = arith.constant 10 : i32
        %div3A_582 = arith.divsi %sub3A_580, %jit3A_581 : i32
        %sign3A_583 = arith.constant 0 : i32
        %sign3A_584 = arith.cmpi sgt, %sub3A_580, %sign3A_583 : i32
        %sign3A_585 = arith.extui %sign3A_584 : i1 to i32
        %sign3A_586 = arith.constant 0 : i32
        %sign3A_587 = arith.cmpi slt, %sub3A_580, %sign3A_586 : i32
        %sign3A_588 = arith.extui %sign3A_587 : i1 to i32
        %sign3A_589 = arith.subi %sign3A_585, %sign3A_588 : i32
        %sign3A_590 = arith.constant 0 : i32
        %sign3A_591 = arith.cmpi sgt, %jit3A_581, %sign3A_590 : i32
        %sign3A_592 = arith.extui %sign3A_591 : i1 to i32
        %sign3A_593 = arith.constant 0 : i32
        %sign3A_594 = arith.cmpi slt, %jit3A_581, %sign3A_593 : i32
        %sign3A_595 = arith.extui %sign3A_594 : i1 to i32
        %sign3A_596 = arith.subi %sign3A_592, %sign3A_595 : i32
        %ne3A_597 = arith.cmpi ne, %sign3A_589, %sign3A_596 : i32
        %rem3A_598 = arith.remsi %sub3A_580, %jit3A_581 : i32
        %ne3A_599 = arith.constant 0 : i32
        %ne3A_600 = arith.cmpi ne, %rem3A_598, %ne3A_599 : i32
        %and3A_601 = arith.andi %ne3A_597, %ne3A_600 : i1
        %sub3A_602 = arith.constant 1 : i32
        %sub3A_603 = arith.subi %div3A_582, %sub3A_602 : i32
        %select_n3A_604 = arith.select %and3A_601, %sub3A_603, %div3A_582 : i32
        %mul3A_605 = arith.constant 10 : i32
        %mul3A_606 = arith.muli %select_n3A_604, %mul3A_605 : i32
        %sub3A_607 = arith.subi %sub3A_580, %mul3A_606 : i32
        %mul3A_608 = arith.constant 640 : i32
        %mul3A_609 = arith.muli %select_n3A_577, %mul3A_608 : i32
        %mul3A_610 = arith.constant 64 : i32
        %mul3A_611 = arith.muli %sub3A_607, %mul3A_610 : i32
        %add3A_612 = arith.addi %mul3A_609, %mul3A_611 : i32
        %mul3A_613 = arith.constant 128 : i32
        %mul3A_614 = arith.muli %select_n3A_604, %mul3A_613 : i32
        %dma_start3A_615 = arith.constant 0 : i32
        %dma_start3A_616 = arith.constant 0 : i32
        %dma_start3A_617 = arith.constant 0 : i32
        %dma_start3A_618 = tpu.memref_slice %arg10[%dma_start3A_615, %dma_start3A_616, %dma_start3A_617] : memref<2x64x128xf32, #tpu.memory_space<vmem>> -> memref<1x64x128xf32, #tpu.memory_space<vmem>>
        %dma_start3A_619 = tpu.memref_squeeze %dma_start3A_618 : memref<1x64x128xf32, #tpu.memory_space<vmem>> -> memref<64x128xf32, #tpu.memory_space<vmem>>
        %dma_start3A_620 = tpu.memref_slice %arg3[%add3A_612, %mul3A_614] : memref<40960x512xf32, #tpu.memory_space<hbm>> -> memref<64x128xf32, #tpu.memory_space<hbm>>
        %dma_start3A_621 = arith.constant 0 : i32
        %dma_start3A_622 = arith.constant 0 : i32
        %dma_start3A_623 = tpu.memref_slice %arg10[%dma_start3A_615, %dma_start3A_621, %dma_start3A_622] : memref<2x64x128xf32, #tpu.memory_space<vmem>> -> memref<1x64x128xf32, #tpu.memory_space<vmem>>
        %dma_start3A_624 = tpu.memref_squeeze %dma_start3A_623 : memref<1x64x128xf32, #tpu.memory_space<vmem>> -> memref<64x128xf32, #tpu.memory_space<vmem>>
        %dma_start3A_625 = tpu.memref_slice %arg3[%add3A_612, %mul3A_614] : memref<40960x512xf32, #tpu.memory_space<hbm>> -> memref<64x128xf32, #tpu.memory_space<hbm>>
        tpu.enqueue_dma source(%dma_start3A_625 : memref<64x128xf32, #tpu.memory_space<hbm>>) target(%dma_start3A_624 : memref<64x128xf32, #tpu.memory_space<vmem>>) target_semaphore(%arg15 : memref<!tpu.dma_semaphore, #tpu.memory_space<semaphore_mem>>)
        %jit3A_626 = arith.constant 2 : i32
        %div3A_627 = arith.divsi %add3A_553, %jit3A_626 : i32
        %sign3A_628 = arith.constant 0 : i32
        %sign3A_629 = arith.cmpi sgt, %add3A_553, %sign3A_628 : i32
        %sign3A_630 = arith.extui %sign3A_629 : i1 to i32
        %sign3A_631 = arith.constant 0 : i32
        %sign3A_632 = arith.cmpi slt, %add3A_553, %sign3A_631 : i32
        %sign3A_633 = arith.extui %sign3A_632 : i1 to i32
        %sign3A_634 = arith.subi %sign3A_630, %sign3A_633 : i32
        %sign3A_635 = arith.constant 0 : i32
        %sign3A_636 = arith.cmpi sgt, %jit3A_626, %sign3A_635 : i32
        %sign3A_637 = arith.extui %sign3A_636 : i1 to i32
        %sign3A_638 = arith.constant 0 : i32
        %sign3A_639 = arith.cmpi slt, %jit3A_626, %sign3A_638 : i32
        %sign3A_640 = arith.extui %sign3A_639 : i1 to i32
        %sign3A_641 = arith.subi %sign3A_637, %sign3A_640 : i32
        %ne3A_642 = arith.cmpi ne, %sign3A_634, %sign3A_641 : i32
        %rem3A_643 = arith.remsi %add3A_553, %jit3A_626 : i32
        %ne3A_644 = arith.constant 0 : i32
        %ne3A_645 = arith.cmpi ne, %rem3A_643, %ne3A_644 : i32
        %and3A_646 = arith.andi %ne3A_642, %ne3A_645 : i1
        %sub3A_647 = arith.constant 1 : i32
        %sub3A_648 = arith.subi %div3A_627, %sub3A_647 : i32
        %select_n3A_649 = arith.select %and3A_646, %sub3A_648, %div3A_627 : i32
        %jit3A_650 = arith.constant 2 : i32
        %eq3A_651 = arith.constant 0 : i32
        %eq3A_652 = arith.cmpi eq, %jit3A_650, %eq3A_651 : i32
        %jit3A_653 = arith.constant 1 : i32
        %select_n3A_654 = arith.select %eq3A_652, %jit3A_653, %jit3A_650 : i32
        %rem3A_655 = arith.remsi %select_n3A_649, %select_n3A_654 : i32
        %ne3A_656 = arith.constant 0 : i32
        %ne3A_657 = arith.cmpi ne, %rem3A_655, %ne3A_656 : i32
        %lt3A_658 = arith.constant 0 : i32
        %lt3A_659 = arith.cmpi slt, %rem3A_655, %lt3A_658 : i32
        %lt3A_660 = arith.constant 0 : i32
        %lt3A_661 = arith.cmpi slt, %select_n3A_654, %lt3A_660 : i32
        %ne3A_662 = arith.xori %lt3A_659, %lt3A_661 : i1
        %and3A_663 = arith.andi %ne3A_662, %ne3A_657 : i1
        %add3A_664 = arith.addi %rem3A_655, %select_n3A_654 : i32
        %select_n3A_665 = arith.select %and3A_663, %add3A_664, %rem3A_655 : i32
        %jit3A_666 = arith.constant 2 : i32
        %eq3A_667 = arith.constant 0 : i32
        %eq3A_668 = arith.cmpi eq, %jit3A_666, %eq3A_667 : i32
        %jit3A_669 = arith.constant 1 : i32
        %select_n3A_670 = arith.select %eq3A_668, %jit3A_669, %jit3A_666 : i32
        %rem3A_671 = arith.remsi %add3A_553, %select_n3A_670 : i32
        %ne3A_672 = arith.constant 0 : i32
        %ne3A_673 = arith.cmpi ne, %rem3A_671, %ne3A_672 : i32
        %lt3A_674 = arith.constant 0 : i32
        %lt3A_675 = arith.cmpi slt, %rem3A_671, %lt3A_674 : i32
        %lt3A_676 = arith.constant 0 : i32
        %lt3A_677 = arith.cmpi slt, %select_n3A_670, %lt3A_676 : i32
        %ne3A_678 = arith.xori %lt3A_675, %lt3A_677 : i1
        %and3A_679 = arith.andi %ne3A_678, %ne3A_673 : i1
        %add3A_680 = arith.addi %rem3A_671, %select_n3A_670 : i32
        %select_n3A_681 = arith.select %and3A_679, %add3A_680, %rem3A_671 : i32
        %dma_start3A_682 = arith.constant 0 : i32
        %dma_start3A_683 = arith.constant 0 : i32
        %dma_start3A_684 = arith.constant 0 : i32
        %dma_start3A_685 = arith.constant 0 : i32
        %dma_start3A_686 = tpu.memref_slice %arg9[%dma_start3A_683, %dma_start3A_684, %dma_start3A_685] : memref<2x64x128xf32, #tpu.memory_space<vmem>> -> memref<1x64x128xf32, #tpu.memory_space<vmem>>
        %dma_start3A_687 = tpu.memref_squeeze %dma_start3A_686 : memref<1x64x128xf32, #tpu.memory_space<vmem>> -> memref<64x128xf32, #tpu.memory_space<vmem>>
        %dma_start3A_688 = arith.constant 0 : i32
        %dma_start3A_689 = tpu.memref_slice %arg8[%select_n3A_665, %dma_start3A_682, %select_n3A_681, %dma_start3A_688] : memref<2x2x2x64xi32, #tpu.memory_space<vmem>> -> memref<1x1x1x64xi32, #tpu.memory_space<vmem>>
        %dma_start3A_690 = tpu.memref_squeeze %dma_start3A_689 : memref<1x1x1x64xi32, #tpu.memory_space<vmem>> -> memref<64xi32, #tpu.memory_space<vmem>>
        %dma_start3A_691 = arith.constant 0 : i32
        %dma_start3A_692 = arith.constant 0 : i32
        %dma_start3A_693 = tpu.memref_slice %arg2[%dma_start3A_691, %dma_start3A_692] : memref<10000x128xf32, #tpu.memory_space<hbm>> -> memref<10000x128xf32, #tpu.memory_space<hbm>>
        tpu.enqueue_indirect_dma source(%dma_start3A_693 : memref<10000x128xf32, #tpu.memory_space<hbm>>) target(%dma_start3A_687 : memref<64x128xf32, #tpu.memory_space<vmem>>) offsets(%dma_start3A_690 : memref<64xi32, #tpu.memory_space<vmem>>) semaphore(%arg13 : memref<!tpu.dma_semaphore, #tpu.memory_space<semaphore_mem>>)
      } else {
      }
      %add3A_415 = arith.constant 1 : i32
      %add3A_416 = arith.addi %add3A_315, %add3A_415 : i32
      %dma_wait3A_417 = arith.constant 1 : i32
      %dma_wait3A_418 = arith.constant 0 : i32
      %dma_wait3A_419 = arith.constant 0 : i32
      %dma_wait3A_420 = tpu.memref_slice %arg10[%dma_wait3A_417, %dma_wait3A_418, %dma_wait3A_419] : memref<2x64x128xf32, #tpu.memory_space<vmem>> -> memref<1x64x128xf32, #tpu.memory_space<vmem>>
      %dma_wait3A_421 = tpu.memref_squeeze %dma_wait3A_420 : memref<1x64x128xf32, #tpu.memory_space<vmem>> -> memref<64x128xf32, #tpu.memory_space<vmem>>
      %dma_wait3A_422 = arith.constant 0 : i32
      %dma_wait3A_423 = arith.constant 0 : i32
      %dma_wait3A_424 = tpu.memref_slice %arg3[%dma_wait3A_422, %dma_wait3A_423] : memref<40960x512xf32, #tpu.memory_space<hbm>> -> memref<64x128xf32, #tpu.memory_space<hbm>>
      %dma_wait3A_425 = arith.constant 0 : i32
      %dma_wait3A_426 = arith.constant 0 : i32
      %dma_wait3A_427 = tpu.memref_slice %arg10[%dma_wait3A_417, %dma_wait3A_425, %dma_wait3A_426] : memref<2x64x128xf32, #tpu.memory_space<vmem>> -> memref<1x64x128xf32, #tpu.memory_space<vmem>>
      %dma_wait3A_428 = tpu.memref_squeeze %dma_wait3A_427 : memref<1x64x128xf32, #tpu.memory_space<vmem>> -> memref<64x128xf32, #tpu.memory_space<vmem>>
      %dma_wait3A_429 = arith.constant 0 : i32
      %dma_wait3A_430 = arith.constant 0 : i32
      %dma_wait3A_431 = tpu.memref_slice %arg3[%dma_wait3A_429, %dma_wait3A_430] : memref<40960x512xf32, #tpu.memory_space<hbm>> -> memref<64x128xf32, #tpu.memory_space<hbm>>
      tpu.wait_dma2 semaphore(%arg16 : memref<!tpu.dma_semaphore, #tpu.memory_space<semaphore_mem>>) src(%dma_wait3A_431 : memref<64x128xf32, #tpu.memory_space<hbm>>) dst(%dma_wait3A_428 : memref<64x128xf32, #tpu.memory_space<vmem>>)
      %dma_wait3A_432 = arith.constant 0 : i32
      %dma_wait3A_433 = arith.constant 0 : i32
      %dma_wait3A_434 = arith.constant 0 : i32
      %dma_wait3A_435 = arith.constant 1 : i32
      %dma_wait3A_436 = arith.constant 0 : i32
      %dma_wait3A_437 = arith.constant 0 : i32
      %dma_wait3A_438 = tpu.memref_slice %arg9[%dma_wait3A_435, %dma_wait3A_436, %dma_wait3A_437] : memref<2x64x128xf32, #tpu.memory_space<vmem>> -> memref<1x64x128xf32, #tpu.memory_space<vmem>>
      %dma_wait3A_439 = tpu.memref_squeeze %dma_wait3A_438 : memref<1x64x128xf32, #tpu.memory_space<vmem>> -> memref<64x128xf32, #tpu.memory_space<vmem>>
      %dma_wait3A_440 = arith.constant 0 : i32
      %dma_wait3A_441 = tpu.memref_slice %arg8[%dma_wait3A_432, %dma_wait3A_433, %dma_wait3A_434, %dma_wait3A_440] : memref<2x2x2x64xi32, #tpu.memory_space<vmem>> -> memref<1x1x1x64xi32, #tpu.memory_space<vmem>>
      %dma_wait3A_442 = tpu.memref_squeeze %dma_wait3A_441 : memref<1x1x1x64xi32, #tpu.memory_space<vmem>> -> memref<64xi32, #tpu.memory_space<vmem>>
      %dma_wait3A_443 = arith.constant 0 : i32
      %dma_wait3A_444 = arith.constant 0 : i32
      %dma_wait3A_445 = tpu.memref_slice %arg2[%dma_wait3A_443, %dma_wait3A_444] : memref<10000x128xf32, #tpu.memory_space<hbm>> -> memref<10000x128xf32, #tpu.memory_space<hbm>>
      tpu.wait_indirect_dma semaphore(%arg14 : memref<!tpu.dma_semaphore, #tpu.memory_space<semaphore_mem>>) src(%dma_wait3A_445 : memref<10000x128xf32, #tpu.memory_space<hbm>>) dst(%dma_wait3A_439 : memref<64x128xf32, #tpu.memory_space<vmem>>)
      %scan3A_446 = arith.constant 0 : i32
      %scan3A_447 = arith.constant 64 : i32
      %scan3A_448 = arith.addi %scan3A_446, %scan3A_447 : i32
      %scan3A_449 = arith.constant 1 : i32
      scf.for %scan3A_514 = %scan3A_446 to %scan3A_448 step %scan3A_449  : i32 {
        %mul3A_515 = arith.constant 1 : i32
        %mul3A_516 = arith.muli %scan3A_514, %mul3A_515 : i32
        %add3A_517 = arith.constant 0 : i32
        %add3A_518 = arith.addi %add3A_517, %mul3A_516 : i32
        %get3A = arith.constant 1 : i32
        %get3A_519 = arith.index_cast %get3A : i32 to index
        %get3A_520 = arith.index_cast %add3A_518 : i32 to index
        %get3A_521 = arith.constant 0 : index
        %get3A_522 = tpu.vector_load %arg9[%get3A_519, %get3A_520, %get3A_521] {strides = array<i32>} : memref<2x64x128xf32, #tpu.memory_space<vmem>>, vector<1x1x16xf32>,
        %get3A_523 = vector.shape_cast %get3A_522 : vector<1x1x16xf32> to vector<16xf32>
        %get3A_524 = arith.constant 1 : i32
        %get3A_525 = arith.index_cast %get3A_524 : i32 to index
        %get3A_526 = arith.index_cast %add3A_518 : i32 to index
        %get3A_527 = arith.constant 0 : index
        %get3A_528 = tpu.vector_load %arg10[%get3A_525, %get3A_526, %get3A_527] {strides = array<i32>} : memref<2x64x128xf32, #tpu.memory_space<vmem>>, vector<1x1x16xf32>,
        %get3A_529 = vector.shape_cast %get3A_528 : vector<1x1x16xf32> to vector<16xf32>
        %mul3A_530 = arith.mulf %get3A_523, %get3A_529 : vector<16xf32>
        %swap3A = arith.constant 1 : i32
        %swap3A_531 = arith.index_cast %swap3A : i32 to index
        %swap3A_532 = arith.index_cast %add3A_518 : i32 to index
        %swap3A_533 = arith.constant 0 : index
        %swap3A_534 = tpu.vector_load %arg9[%swap3A_531, %swap3A_532, %swap3A_533] {strides = array<i32>} : memref<2x64x128xf32, #tpu.memory_space<vmem>>, vector<1x1x16xf32>,
        %swap3A_535 = vector.shape_cast %swap3A_534 : vector<1x1x16xf32> to vector<16xf32>
        %swap3A_536 = vector.shape_cast %mul3A_530 : vector<16xf32> to vector<1x1x16xf32>
        tpu.vector_store %arg9[%swap3A_531, %swap3A_532, %swap3A_533], %swap3A_536 {strides = array<i32>} : memref<2x64x128xf32, #tpu.memory_space<vmem>>, vector<1x1x16xf32>,
        %get3A_537 = arith.constant 1 : i32
        %get3A_538 = arith.index_cast %get3A_537 : i32 to index
        %get3A_539 = arith.index_cast %add3A_518 : i32 to index
        %get3A_540 = arith.constant 16 : index
        %get3A_541 = tpu.vector_load %arg9[%get3A_538, %get3A_539, %get3A_540] {strides = array<i32>} : memref<2x64x128xf32, #tpu.memory_space<vmem>>, vector<1x1x16xf32>,
        %get3A_542 = vector.shape_cast %get3A_541 : vector<1x1x16xf32> to vector<16xf32>
        %get3A_543 = arith.constant 1 : i32
        %get3A_544 = arith.index_cast %get3A_543 : i32 to index
        %get3A_545 = arith.index_cast %add3A_518 : i32 to index
        %get3A_546 = arith.constant 16 : index
        %get3A_547 = tpu.vector_load %arg10[%get3A_544, %get3A_545, %get3A_546] {strides = array<i32>} : memref<2x64x128xf32, #tpu.memory_space<vmem>>, vector<1x1x16xf32>,
        %get3A_548 = vector.shape_cast %get3A_547 : vector<1x1x16xf32> to vector<16xf32>
        %mul3A_549 = arith.mulf %get3A_542, %get3A_548 : vector<16xf32>
        %swap3A_550 = arith.constant 1 : i32
        %swap3A_551 = arith.index_cast %swap3A_550 : i32 to index
        %swap3A_552 = arith.index_cast %add3A_518 : i32 to index
        %swap3A_553 = arith.constant 16 : index
        %swap3A_554 = tpu.vector_load %arg9[%swap3A_551, %swap3A_552, %swap3A_553] {strides = array<i32>} : memref<2x64x128xf32, #tpu.memory_space<vmem>>, vector<1x1x16xf32>,
        %swap3A_555 = vector.shape_cast %swap3A_554 : vector<1x1x16xf32> to vector<16xf32>
        %swap3A_556 = vector.shape_cast %mul3A_549 : vector<16xf32> to vector<1x1x16xf32>
        tpu.vector_store %arg9[%swap3A_551, %swap3A_552, %swap3A_553], %swap3A_556 {strides = array<i32>} : memref<2x64x128xf32, #tpu.memory_space<vmem>>, vector<1x1x16xf32>,
        %get3A_557 = arith.constant 1 : i32
        %get3A_558 = arith.index_cast %get3A_557 : i32 to index
        %get3A_559 = arith.index_cast %add3A_518 : i32 to index
        %get3A_560 = arith.constant 32 : index
        %get3A_561 = tpu.vector_load %arg9[%get3A_558, %get3A_559, %get3A_560] {strides = array<i32>} : memref<2x64x128xf32, #tpu.memory_space<vmem>>, vector<1x1x16xf32>,
        %get3A_562 = vector.shape_cast %get3A_561 : vector<1x1x16xf32> to vector<16xf32>
        %get3A_563 = arith.constant 1 : i32
        %get3A_564 = arith.index_cast %get3A_563 : i32 to index
        %get3A_565 = arith.index_cast %add3A_518 : i32 to index
        %get3A_566 = arith.constant 32 : index
        %get3A_567 = tpu.vector_load %arg10[%get3A_564, %get3A_565, %get3A_566] {strides = array<i32>} : memref<2x64x128xf32, #tpu.memory_space<vmem>>, vector<1x1x16xf32>,
        %get3A_568 = vector.shape_cast %get3A_567 : vector<1x1x16xf32> to vector<16xf32>
        %mul3A_569 = arith.mulf %get3A_562, %get3A_568 : vector<16xf32>
        %swap3A_570 = arith.constant 1 : i32
        %swap3A_571 = arith.index_cast %swap3A_570 : i32 to index
        %swap3A_572 = arith.index_cast %add3A_518 : i32 to index
        %swap3A_573 = arith.constant 32 : index
        %swap3A_574 = tpu.vector_load %arg9[%swap3A_571, %swap3A_572, %swap3A_573] {strides = array<i32>} : memref<2x64x128xf32, #tpu.memory_space<vmem>>, vector<1x1x16xf32>,
        %swap3A_575 = vector.shape_cast %swap3A_574 : vector<1x1x16xf32> to vector<16xf32>
        %swap3A_576 = vector.shape_cast %mul3A_569 : vector<16xf32> to vector<1x1x16xf32>
        tpu.vector_store %arg9[%swap3A_571, %swap3A_572, %swap3A_573], %swap3A_576 {strides = array<i32>} : memref<2x64x128xf32, #tpu.memory_space<vmem>>, vector<1x1x16xf32>,
        %get3A_577 = arith.constant 1 : i32
        %get3A_578 = arith.index_cast %get3A_577 : i32 to index
        %get3A_579 = arith.index_cast %add3A_518 : i32 to index
        %get3A_580 = arith.constant 48 : index
        %get3A_581 = tpu.vector_load %arg9[%get3A_578, %get3A_579, %get3A_580] {strides = array<i32>} : memref<2x64x128xf32, #tpu.memory_space<vmem>>, vector<1x1x16xf32>,
        %get3A_582 = vector.shape_cast %get3A_581 : vector<1x1x16xf32> to vector<16xf32>
        %get3A_583 = arith.constant 1 : i32
        %get3A_584 = arith.index_cast %get3A_583 : i32 to index
        %get3A_585 = arith.index_cast %add3A_518 : i32 to index
        %get3A_586 = arith.constant 48 : index
        %get3A_587 = tpu.vector_load %arg10[%get3A_584, %get3A_585, %get3A_586] {strides = array<i32>} : memref<2x64x128xf32, #tpu.memory_space<vmem>>, vector<1x1x16xf32>,
        %get3A_588 = vector.shape_cast %get3A_587 : vector<1x1x16xf32> to vector<16xf32>
        %mul3A_589 = arith.mulf %get3A_582, %get3A_588 : vector<16xf32>
        %swap3A_590 = arith.constant 1 : i32
        %swap3A_591 = arith.index_cast %swap3A_590 : i32 to index
        %swap3A_592 = arith.index_cast %add3A_518 : i32 to index
        %swap3A_593 = arith.constant 48 : index
        %swap3A_594 = tpu.vector_load %arg9[%swap3A_591, %swap3A_592, %swap3A_593] {strides = array<i32>} : memref<2x64x128xf32, #tpu.memory_space<vmem>>, vector<1x1x16xf32>,
        %swap3A_595 = vector.shape_cast %swap3A_594 : vector<1x1x16xf32> to vector<16xf32>
        %swap3A_596 = vector.shape_cast %mul3A_589 : vector<16xf32> to vector<1x1x16xf32>
        tpu.vector_store %arg9[%swap3A_591, %swap3A_592, %swap3A_593], %swap3A_596 {strides = array<i32>} : memref<2x64x128xf32, #tpu.memory_space<vmem>>, vector<1x1x16xf32>,
        %get3A_597 = arith.constant 1 : i32
        %get3A_598 = arith.index_cast %get3A_597 : i32 to index
        %get3A_599 = arith.index_cast %add3A_518 : i32 to index
        %get3A_600 = arith.constant 64 : index
        %get3A_601 = tpu.vector_load %arg9[%get3A_598, %get3A_599, %get3A_600] {strides = array<i32>} : memref<2x64x128xf32, #tpu.memory_space<vmem>>, vector<1x1x16xf32>,
        %get3A_602 = vector.shape_cast %get3A_601 : vector<1x1x16xf32> to vector<16xf32>
        %get3A_603 = arith.constant 1 : i32
        %get3A_604 = arith.index_cast %get3A_603 : i32 to index
        %get3A_605 = arith.index_cast %add3A_518 : i32 to index
        %get3A_606 = arith.constant 64 : index
        %get3A_607 = tpu.vector_load %arg10[%get3A_604, %get3A_605, %get3A_606] {strides = array<i32>} : memref<2x64x128xf32, #tpu.memory_space<vmem>>, vector<1x1x16xf32>,
        %get3A_608 = vector.shape_cast %get3A_607 : vector<1x1x16xf32> to vector<16xf32>
        %mul3A_609 = arith.mulf %get3A_602, %get3A_608 : vector<16xf32>
        %swap3A_610 = arith.constant 1 : i32
        %swap3A_611 = arith.index_cast %swap3A_610 : i32 to index
        %swap3A_612 = arith.index_cast %add3A_518 : i32 to index
        %swap3A_613 = arith.constant 64 : index
        %swap3A_614 = tpu.vector_load %arg9[%swap3A_611, %swap3A_612, %swap3A_613] {strides = array<i32>} : memref<2x64x128xf32, #tpu.memory_space<vmem>>, vector<1x1x16xf32>,
        %swap3A_615 = vector.shape_cast %swap3A_614 : vector<1x1x16xf32> to vector<16xf32>
        %swap3A_616 = vector.shape_cast %mul3A_609 : vector<16xf32> to vector<1x1x16xf32>
        tpu.vector_store %arg9[%swap3A_611, %swap3A_612, %swap3A_613], %swap3A_616 {strides = array<i32>} : memref<2x64x128xf32, #tpu.memory_space<vmem>>, vector<1x1x16xf32>,
        %get3A_617 = arith.constant 1 : i32
        %get3A_618 = arith.index_cast %get3A_617 : i32 to index
        %get3A_619 = arith.index_cast %add3A_518 : i32 to index
        %get3A_620 = arith.constant 80 : index
        %get3A_621 = tpu.vector_load %arg9[%get3A_618, %get3A_619, %get3A_620] {strides = array<i32>} : memref<2x64x128xf32, #tpu.memory_space<vmem>>, vector<1x1x16xf32>,
        %get3A_622 = vector.shape_cast %get3A_621 : vector<1x1x16xf32> to vector<16xf32>
        %get3A_623 = arith.constant 1 : i32
        %get3A_624 = arith.index_cast %get3A_623 : i32 to index
        %get3A_625 = arith.index_cast %add3A_518 : i32 to index
        %get3A_626 = arith.constant 80 : index
        %get3A_627 = tpu.vector_load %arg10[%get3A_624, %get3A_625, %get3A_626] {strides = array<i32>} : memref<2x64x128xf32, #tpu.memory_space<vmem>>, vector<1x1x16xf32>,
        %get3A_628 = vector.shape_cast %get3A_627 : vector<1x1x16xf32> to vector<16xf32>
        %mul3A_629 = arith.mulf %get3A_622, %get3A_628 : vector<16xf32>
        %swap3A_630 = arith.constant 1 : i32
        %swap3A_631 = arith.index_cast %swap3A_630 : i32 to index
        %swap3A_632 = arith.index_cast %add3A_518 : i32 to index
        %swap3A_633 = arith.constant 80 : index
        %swap3A_634 = tpu.vector_load %arg9[%swap3A_631, %swap3A_632, %swap3A_633] {strides = array<i32>} : memref<2x64x128xf32, #tpu.memory_space<vmem>>, vector<1x1x16xf32>,
        %swap3A_635 = vector.shape_cast %swap3A_634 : vector<1x1x16xf32> to vector<16xf32>
        %swap3A_636 = vector.shape_cast %mul3A_629 : vector<16xf32> to vector<1x1x16xf32>
        tpu.vector_store %arg9[%swap3A_631, %swap3A_632, %swap3A_633], %swap3A_636 {strides = array<i32>} : memref<2x64x128xf32, #tpu.memory_space<vmem>>, vector<1x1x16xf32>,
        %get3A_637 = arith.constant 1 : i32
        %get3A_638 = arith.index_cast %get3A_637 : i32 to index
        %get3A_639 = arith.index_cast %add3A_518 : i32 to index
        %get3A_640 = arith.constant 96 : index
        %get3A_641 = tpu.vector_load %arg9[%get3A_638, %get3A_639, %get3A_640] {strides = array<i32>} : memref<2x64x128xf32, #tpu.memory_space<vmem>>, vector<1x1x16xf32>,
        %get3A_642 = vector.shape_cast %get3A_641 : vector<1x1x16xf32> to vector<16xf32>
        %get3A_643 = arith.constant 1 : i32
        %get3A_644 = arith.index_cast %get3A_643 : i32 to index
        %get3A_645 = arith.index_cast %add3A_518 : i32 to index
        %get3A_646 = arith.constant 96 : index
        %get3A_647 = tpu.vector_load %arg10[%get3A_644, %get3A_645, %get3A_646] {strides = array<i32>} : memref<2x64x128xf32, #tpu.memory_space<vmem>>, vector<1x1x16xf32>,
        %get3A_648 = vector.shape_cast %get3A_647 : vector<1x1x16xf32> to vector<16xf32>
        %mul3A_649 = arith.mulf %get3A_642, %get3A_648 : vector<16xf32>
        %swap3A_650 = arith.constant 1 : i32
        %swap3A_651 = arith.index_cast %swap3A_650 : i32 to index
        %swap3A_652 = arith.index_cast %add3A_518 : i32 to index
        %swap3A_653 = arith.constant 96 : index
        %swap3A_654 = tpu.vector_load %arg9[%swap3A_651, %swap3A_652, %swap3A_653] {strides = array<i32>} : memref<2x64x128xf32, #tpu.memory_space<vmem>>, vector<1x1x16xf32>,
        %swap3A_655 = vector.shape_cast %swap3A_654 : vector<1x1x16xf32> to vector<16xf32>
        %swap3A_656 = vector.shape_cast %mul3A_649 : vector<16xf32> to vector<1x1x16xf32>
        tpu.vector_store %arg9[%swap3A_651, %swap3A_652, %swap3A_653], %swap3A_656 {strides = array<i32>} : memref<2x64x128xf32, #tpu.memory_space<vmem>>, vector<1x1x16xf32>,
        %get3A_657 = arith.constant 1 : i32
        %get3A_658 = arith.index_cast %get3A_657 : i32 to index
        %get3A_659 = arith.index_cast %add3A_518 : i32 to index
        %get3A_660 = arith.constant 112 : index
        %get3A_661 = tpu.vector_load %arg9[%get3A_658, %get3A_659, %get3A_660] {strides = array<i32>} : memref<2x64x128xf32, #tpu.memory_space<vmem>>, vector<1x1x16xf32>,
        %get3A_662 = vector.shape_cast %get3A_661 : vector<1x1x16xf32> to vector<16xf32>
        %get3A_663 = arith.constant 1 : i32
        %get3A_664 = arith.index_cast %get3A_663 : i32 to index
        %get3A_665 = arith.index_cast %add3A_518 : i32 to index
        %get3A_666 = arith.constant 112 : index
        %get3A_667 = tpu.vector_load %arg10[%get3A_664, %get3A_665, %get3A_666] {strides = array<i32>} : memref<2x64x128xf32, #tpu.memory_space<vmem>>, vector<1x1x16xf32>,
        %get3A_668 = vector.shape_cast %get3A_667 : vector<1x1x16xf32> to vector<16xf32>
        %mul3A_669 = arith.mulf %get3A_662, %get3A_668 : vector<16xf32>
        %swap3A_670 = arith.constant 1 : i32
        %swap3A_671 = arith.index_cast %swap3A_670 : i32 to index
        %swap3A_672 = arith.index_cast %add3A_518 : i32 to index
        %swap3A_673 = arith.constant 112 : index
        %swap3A_674 = tpu.vector_load %arg9[%swap3A_671, %swap3A_672, %swap3A_673] {strides = array<i32>} : memref<2x64x128xf32, #tpu.memory_space<vmem>>, vector<1x1x16xf32>,
        %swap3A_675 = vector.shape_cast %swap3A_674 : vector<1x1x16xf32> to vector<16xf32>
        %swap3A_676 = vector.shape_cast %mul3A_669 : vector<16xf32> to vector<1x1x16xf32>
        tpu.vector_store %arg9[%swap3A_671, %swap3A_672, %swap3A_673], %swap3A_676 {strides = array<i32>} : memref<2x64x128xf32, #tpu.memory_space<vmem>>, vector<1x1x16xf32>,
      }
      %scan3A_450 = arith.constant 64 : i32
      %jit3A_451 = arith.constant 2 : i32
      %div3A_452 = arith.divsi %add3A_416, %jit3A_451 : i32
      %sign3A_453 = arith.constant 0 : i32
      %sign3A_454 = arith.cmpi sgt, %add3A_416, %sign3A_453 : i32
      %sign3A_455 = arith.extui %sign3A_454 : i1 to i32
      %sign3A_456 = arith.constant 0 : i32
      %sign3A_457 = arith.cmpi slt, %add3A_416, %sign3A_456 : i32
      %sign3A_458 = arith.extui %sign3A_457 : i1 to i32
      %sign3A_459 = arith.subi %sign3A_455, %sign3A_458 : i32
      %sign3A_460 = arith.constant 0 : i32
      %sign3A_461 = arith.cmpi sgt, %jit3A_451, %sign3A_460 : i32
      %sign3A_462 = arith.extui %sign3A_461 : i1 to i32
      %sign3A_463 = arith.constant 0 : i32
      %sign3A_464 = arith.cmpi slt, %jit3A_451, %sign3A_463 : i32
      %sign3A_465 = arith.extui %sign3A_464 : i1 to i32
      %sign3A_466 = arith.subi %sign3A_462, %sign3A_465 : i32
      %ne3A_467 = arith.cmpi ne, %sign3A_459, %sign3A_466 : i32
      %rem3A_468 = arith.remsi %add3A_416, %jit3A_451 : i32
      %ne3A_469 = arith.constant 0 : i32
      %ne3A_470 = arith.cmpi ne, %rem3A_468, %ne3A_469 : i32
      %and3A_471 = arith.andi %ne3A_467, %ne3A_470 : i1
      %sub3A_472 = arith.constant 1 : i32
      %sub3A_473 = arith.subi %div3A_452, %sub3A_472 : i32
      %select_n3A_474 = arith.select %and3A_471, %sub3A_473, %div3A_452 : i32
      %jit3A_475 = arith.constant 2 : i32
      %eq3A_476 = arith.constant 0 : i32
      %eq3A_477 = arith.cmpi eq, %jit3A_475, %eq3A_476 : i32
      %jit3A_478 = arith.constant 1 : i32
      %select_n3A_479 = arith.select %eq3A_477, %jit3A_478, %jit3A_475 : i32
      %rem3A_480 = arith.remsi %select_n3A_474, %select_n3A_479 : i32
      %ne3A_481 = arith.constant 0 : i32
      %ne3A_482 = arith.cmpi ne, %rem3A_480, %ne3A_481 : i32
      %lt3A_483 = arith.constant 0 : i32
      %lt3A_484 = arith.cmpi slt, %rem3A_480, %lt3A_483 : i32
      %lt3A_485 = arith.constant 0 : i32
      %lt3A_486 = arith.cmpi slt, %select_n3A_479, %lt3A_485 : i32
      %ne3A_487 = arith.xori %lt3A_484, %lt3A_486 : i1
      %and3A_488 = arith.andi %ne3A_487, %ne3A_482 : i1
      %add3A_489 = arith.addi %rem3A_480, %select_n3A_479 : i32
      %select_n3A_490 = arith.select %and3A_488, %add3A_489, %rem3A_480 : i32
      %jit3A_491 = arith.constant 2 : i32
      %eq3A_492 = arith.constant 0 : i32
      %eq3A_493 = arith.cmpi eq, %jit3A_491, %eq3A_492 : i32
      %jit3A_494 = arith.constant 1 : i32
      %select_n3A_495 = arith.select %eq3A_493, %jit3A_494, %jit3A_491 : i32
      %rem3A_496 = arith.remsi %add3A_416, %select_n3A_495 : i32
      %ne3A_497 = arith.constant 0 : i32
      %ne3A_498 = arith.cmpi ne, %rem3A_496, %ne3A_497 : i32
      %lt3A_499 = arith.constant 0 : i32
      %lt3A_500 = arith.cmpi slt, %rem3A_496, %lt3A_499 : i32
      %lt3A_501 = arith.constant 0 : i32
      %lt3A_502 = arith.cmpi slt, %select_n3A_495, %lt3A_501 : i32
      %ne3A_503 = arith.xori %lt3A_500, %lt3A_502 : i1
      %and3A_504 = arith.andi %ne3A_503, %ne3A_498 : i1
      %add3A_505 = arith.addi %rem3A_496, %select_n3A_495 : i32
      %select_n3A_506 = arith.select %and3A_504, %add3A_505, %rem3A_496 : i32
      %run_scoped3A_507 = arith.constant 1 : i32
      %run_scoped3A_508 = arith.constant 1 : i32
      "tpu.region"() ({
        %run_scoped3A_514 = tpu.sem_alloc : memref<!tpu.dma_semaphore, #tpu.memory_space<semaphore_mem>>
        %dma_start3A_515 = arith.constant 0 : i32
        %dma_start3A_516 = arith.constant 0 : i32
        %dma_start3A_517 = tpu.memref_slice %arg9[%run_scoped3A_507, %dma_start3A_515, %dma_start3A_516] : memref<2x64x128xf32, #tpu.memory_space<vmem>> -> memref<1x64x128xf32, #tpu.memory_space<vmem>>
        %dma_start3A_518 = tpu.memref_squeeze %dma_start3A_517 : memref<1x64x128xf32, #tpu.memory_space<vmem>> -> memref<64x128xf32, #tpu.memory_space<vmem>>
        %dma_start3A_519 = arith.constant 0 : i32
        %dma_start3A_520 = tpu.memref_slice %arg8[%select_n3A_490, %run_scoped3A_508, %select_n3A_506, %dma_start3A_519] : memref<2x2x2x64xi32, #tpu.memory_space<vmem>> -> memref<1x1x1x64xi32, #tpu.memory_space<vmem>>
        %dma_start3A_521 = tpu.memref_squeeze %dma_start3A_520 : memref<1x1x1x64xi32, #tpu.memory_space<vmem>> -> memref<64xi32, #tpu.memory_space<vmem>>
        %dma_start3A_522 = arith.constant 0 : i32
        %dma_start3A_523 = arith.constant 0 : i32
        %dma_start3A_524 = tpu.memref_slice %arg11[%dma_start3A_522, %dma_start3A_523] : memref<10240x128xf32, #tpu.memory_space<vmem_shared>> -> memref<10240x128xf32, #tpu.memory_space<vmem_shared>>
        tpu.enqueue_indirect_dma source(%dma_start3A_518 : memref<64x128xf32, #tpu.memory_space<vmem>>) target(%dma_start3A_524 : memref<10240x128xf32, #tpu.memory_space<vmem_shared>>) offsets(%dma_start3A_521 : memref<64xi32, #tpu.memory_space<vmem>>) semaphore(%run_scoped3A_514 : memref<!tpu.dma_semaphore, #tpu.memory_space<semaphore_mem>>) {add = true}
        %dma_wait3A_525 = arith.constant 0 : i32
        %dma_wait3A_526 = arith.constant 0 : i32
        %dma_wait3A_527 = tpu.memref_slice %arg9[%run_scoped3A_507, %dma_wait3A_525, %dma_wait3A_526] : memref<2x64x128xf32, #tpu.memory_space<vmem>> -> memref<1x64x128xf32, #tpu.memory_space<vmem>>
        %dma_wait3A_528 = tpu.memref_squeeze %dma_wait3A_527 : memref<1x64x128xf32, #tpu.memory_space<vmem>> -> memref<64x128xf32, #tpu.memory_space<vmem>>
        %dma_wait3A_529 = arith.constant 0 : i32
        %dma_wait3A_530 = tpu.memref_slice %arg8[%select_n3A_490, %run_scoped3A_508, %select_n3A_506, %dma_wait3A_529] : memref<2x2x2x64xi32, #tpu.memory_space<vmem>> -> memref<1x1x1x64xi32, #tpu.memory_space<vmem>>
        %dma_wait3A_531 = tpu.memref_squeeze %dma_wait3A_530 : memref<1x1x1x64xi32, #tpu.memory_space<vmem>> -> memref<64xi32, #tpu.memory_space<vmem>>
        %dma_wait3A_532 = arith.constant 0 : i32
        %dma_wait3A_533 = arith.constant 0 : i32
        %dma_wait3A_534 = tpu.memref_slice %arg11[%dma_wait3A_532, %dma_wait3A_533] : memref<10240x128xf32, #tpu.memory_space<vmem_shared>> -> memref<10240x128xf32, #tpu.memory_space<vmem_shared>>
        tpu.wait_indirect_dma semaphore(%run_scoped3A_514 : memref<!tpu.dma_semaphore, #tpu.memory_space<semaphore_mem>>) src(%dma_wait3A_528 : memref<64x128xf32, #tpu.memory_space<vmem>>) dst(%dma_wait3A_534 : memref<10240x128xf32, #tpu.memory_space<vmem_shared>>)
        tpu.yield
      }) : () -> ()
      %lt3A_509 = arith.constant 39 : i32
      %lt3A_510 = arith.cmpi slt, %add3A_294, %lt3A_509 : i32
      %convert_element_type3A_511 = arith.extui %lt3A_510 : i1 to i32
      %cond3A_512 = arith.constant 0 : i32
      %cond3A_513 = arith.cmpi ne, %convert_element_type3A_511, %cond3A_512 : i32
      scf.if %cond3A_513 {
        %add3A_514 = arith.constant 3 : i32
        %add3A_515 = arith.addi %add3A_315, %add3A_514 : i32
        %jit3A_516 = arith.constant 40 : i32
        %div3A_517 = arith.divsi %add3A_515, %jit3A_516 : i32
        %sign3A_518 = arith.constant 0 : i32
        %sign3A_519 = arith.cmpi sgt, %add3A_515, %sign3A_518 : i32
        %sign3A_520 = arith.extui %sign3A_519 : i1 to i32
        %sign3A_521 = arith.constant 0 : i32
        %sign3A_522 = arith.cmpi slt, %add3A_515, %sign3A_521 : i32
        %sign3A_523 = arith.extui %sign3A_522 : i1 to i32
        %sign3A_524 = arith.subi %sign3A_520, %sign3A_523 : i32
        %sign3A_525 = arith.constant 0 : i32
        %sign3A_526 = arith.cmpi sgt, %jit3A_516, %sign3A_525 : i32
        %sign3A_527 = arith.extui %sign3A_526 : i1 to i32
        %sign3A_528 = arith.constant 0 : i32
        %sign3A_529 = arith.cmpi slt, %jit3A_516, %sign3A_528 : i32
        %sign3A_530 = arith.extui %sign3A_529 : i1 to i32
        %sign3A_531 = arith.subi %sign3A_527, %sign3A_530 : i32
        %ne3A_532 = arith.cmpi ne, %sign3A_524, %sign3A_531 : i32
        %rem3A_533 = arith.remsi %add3A_515, %jit3A_516 : i32
        %ne3A_534 = arith.constant 0 : i32
        %ne3A_535 = arith.cmpi ne, %rem3A_533, %ne3A_534 : i32
        %and3A_536 = arith.andi %ne3A_532, %ne3A_535 : i1
        %sub3A_537 = arith.constant 1 : i32
        %sub3A_538 = arith.subi %div3A_517, %sub3A_537 : i32
        %select_n3A_539 = arith.select %and3A_536, %sub3A_538, %div3A_517 : i32
        %mul3A_540 = arith.constant 40 : i32
        %mul3A_541 = arith.muli %select_n3A_539, %mul3A_540 : i32
        %sub3A_542 = arith.subi %add3A_515, %mul3A_541 : i32
        %jit3A_543 = arith.constant 10 : i32
        %div3A_544 = arith.divsi %sub3A_542, %jit3A_543 : i32
        %sign3A_545 = arith.constant 0 : i32
        %sign3A_546 = arith.cmpi sgt, %sub3A_542, %sign3A_545 : i32
        %sign3A_547 = arith.extui %sign3A_546 : i1 to i32
        %sign3A_548 = arith.constant 0 : i32
        %sign3A_549 = arith.cmpi slt, %sub3A_542, %sign3A_548 : i32
        %sign3A_550 = arith.extui %sign3A_549 : i1 to i32
        %sign3A_551 = arith.subi %sign3A_547, %sign3A_550 : i32
        %sign3A_552 = arith.constant 0 : i32
        %sign3A_553 = arith.cmpi sgt, %jit3A_543, %sign3A_552 : i32
        %sign3A_554 = arith.extui %sign3A_553 : i1 to i32
        %sign3A_555 = arith.constant 0 : i32
        %sign3A_556 = arith.cmpi slt, %jit3A_543, %sign3A_555 : i32
        %sign3A_557 = arith.extui %sign3A_556 : i1 to i32
        %sign3A_558 = arith.subi %sign3A_554, %sign3A_557 : i32
        %ne3A_559 = arith.cmpi ne, %sign3A_551, %sign3A_558 : i32
        %rem3A_560 = arith.remsi %sub3A_542, %jit3A_543 : i32
        %ne3A_561 = arith.constant 0 : i32
        %ne3A_562 = arith.cmpi ne, %rem3A_560, %ne3A_561 : i32
        %and3A_563 = arith.andi %ne3A_559, %ne3A_562 : i1
        %sub3A_564 = arith.constant 1 : i32
        %sub3A_565 = arith.subi %div3A_544, %sub3A_564 : i32
        %select_n3A_566 = arith.select %and3A_563, %sub3A_565, %div3A_544 : i32
        %mul3A_567 = arith.constant 10 : i32
        %mul3A_568 = arith.muli %select_n3A_566, %mul3A_567 : i32
        %sub3A_569 = arith.subi %sub3A_542, %mul3A_568 : i32
        %mul3A_570 = arith.constant 640 : i32
        %mul3A_571 = arith.muli %select_n3A_539, %mul3A_570 : i32
        %mul3A_572 = arith.constant 64 : i32
        %mul3A_573 = arith.muli %sub3A_569, %mul3A_572 : i32
        %add3A_574 = arith.addi %mul3A_571, %mul3A_573 : i32
        %mul3A_575 = arith.constant 128 : i32
        %mul3A_576 = arith.muli %select_n3A_566, %mul3A_575 : i32
        %dma_start3A_577 = arith.constant 1 : i32
        %dma_start3A_578 = arith.constant 0 : i32
        %dma_start3A_579 = arith.constant 0 : i32
        %dma_start3A_580 = tpu.memref_slice %arg10[%dma_start3A_577, %dma_start3A_578, %dma_start3A_579] : memref<2x64x128xf32, #tpu.memory_space<vmem>> -> memref<1x64x128xf32, #tpu.memory_space<vmem>>
        %dma_start3A_581 = tpu.memref_squeeze %dma_start3A_580 : memref<1x64x128xf32, #tpu.memory_space<vmem>> -> memref<64x128xf32, #tpu.memory_space<vmem>>
        %dma_start3A_582 = tpu.memref_slice %arg3[%add3A_574, %mul3A_576] : memref<40960x512xf32, #tpu.memory_space<hbm>> -> memref<64x128xf32, #tpu.memory_space<hbm>>
        %dma_start3A_583 = arith.constant 0 : i32
        %dma_start3A_584 = arith.constant 0 : i32
        %dma_start3A_585 = tpu.memref_slice %arg10[%dma_start3A_577, %dma_start3A_583, %dma_start3A_584] : memref<2x64x128xf32, #tpu.memory_space<vmem>> -> memref<1x64x128xf32, #tpu.memory_space<vmem>>
        %dma_start3A_586 = tpu.memref_squeeze %dma_start3A_585 : memref<1x64x128xf32, #tpu.memory_space<vmem>> -> memref<64x128xf32, #tpu.memory_space<vmem>>
        %dma_start3A_587 = tpu.memref_slice %arg3[%add3A_574, %mul3A_576] : memref<40960x512xf32, #tpu.memory_space<hbm>> -> memref<64x128xf32, #tpu.memory_space<hbm>>
        tpu.enqueue_dma source(%dma_start3A_587 : memref<64x128xf32, #tpu.memory_space<hbm>>) target(%dma_start3A_586 : memref<64x128xf32, #tpu.memory_space<vmem>>) target_semaphore(%arg16 : memref<!tpu.dma_semaphore, #tpu.memory_space<semaphore_mem>>)
        %jit3A_588 = arith.constant 2 : i32
        %div3A_589 = arith.divsi %add3A_515, %jit3A_588 : i32
        %sign3A_590 = arith.constant 0 : i32
        %sign3A_591 = arith.cmpi sgt, %add3A_515, %sign3A_590 : i32
        %sign3A_592 = arith.extui %sign3A_591 : i1 to i32
        %sign3A_593 = arith.constant 0 : i32
        %sign3A_594 = arith.cmpi slt, %add3A_515, %sign3A_593 : i32
        %sign3A_595 = arith.extui %sign3A_594 : i1 to i32
        %sign3A_596 = arith.subi %sign3A_592, %sign3A_595 : i32
        %sign3A_597 = arith.constant 0 : i32
        %sign3A_598 = arith.cmpi sgt, %jit3A_588, %sign3A_597 : i32
        %sign3A_599 = arith.extui %sign3A_598 : i1 to i32
        %sign3A_600 = arith.constant 0 : i32
        %sign3A_601 = arith.cmpi slt, %jit3A_588, %sign3A_600 : i32
        %sign3A_602 = arith.extui %sign3A_601 : i1 to i32
        %sign3A_603 = arith.subi %sign3A_599, %sign3A_602 : i32
        %ne3A_604 = arith.cmpi ne, %sign3A_596, %sign3A_603 : i32
        %rem3A_605 = arith.remsi %add3A_515, %jit3A_588 : i32
        %ne3A_606 = arith.constant 0 : i32
        %ne3A_607 = arith.cmpi ne, %rem3A_605, %ne3A_606 : i32
        %and3A_608 = arith.andi %ne3A_604, %ne3A_607 : i1
        %sub3A_609 = arith.constant 1 : i32
        %sub3A_610 = arith.subi %div3A_589, %sub3A_609 : i32
        %select_n3A_611 = arith.select %and3A_608, %sub3A_610, %div3A_589 : i32
        %jit3A_612 = arith.constant 2 : i32
        %eq3A_613 = arith.constant 0 : i32
        %eq3A_614 = arith.cmpi eq, %jit3A_612, %eq3A_613 : i32
        %jit3A_615 = arith.constant 1 : i32
        %select_n3A_616 = arith.select %eq3A_614, %jit3A_615, %jit3A_612 : i32
        %rem3A_617 = arith.remsi %select_n3A_611, %select_n3A_616 : i32
        %ne3A_618 = arith.constant 0 : i32
        %ne3A_619 = arith.cmpi ne, %rem3A_617, %ne3A_618 : i32
        %lt3A_620 = arith.constant 0 : i32
        %lt3A_621 = arith.cmpi slt, %rem3A_617, %lt3A_620 : i32
        %lt3A_622 = arith.constant 0 : i32
        %lt3A_623 = arith.cmpi slt, %select_n3A_616, %lt3A_622 : i32
        %ne3A_624 = arith.xori %lt3A_621, %lt3A_623 : i1
        %and3A_625 = arith.andi %ne3A_624, %ne3A_619 : i1
        %add3A_626 = arith.addi %rem3A_617, %select_n3A_616 : i32
        %select_n3A_627 = arith.select %and3A_625, %add3A_626, %rem3A_617 : i32
        %jit3A_628 = arith.constant 2 : i32
        %eq3A_629 = arith.constant 0 : i32
        %eq3A_630 = arith.cmpi eq, %jit3A_628, %eq3A_629 : i32
        %jit3A_631 = arith.constant 1 : i32
        %select_n3A_632 = arith.select %eq3A_630, %jit3A_631, %jit3A_628 : i32
        %rem3A_633 = arith.remsi %add3A_515, %select_n3A_632 : i32
        %ne3A_634 = arith.constant 0 : i32
        %ne3A_635 = arith.cmpi ne, %rem3A_633, %ne3A_634 : i32
        %lt3A_636 = arith.constant 0 : i32
        %lt3A_637 = arith.cmpi slt, %rem3A_633, %lt3A_636 : i32
        %lt3A_638 = arith.constant 0 : i32
        %lt3A_639 = arith.cmpi slt, %select_n3A_632, %lt3A_638 : i32
        %ne3A_640 = arith.xori %lt3A_637, %lt3A_639 : i1
        %and3A_641 = arith.andi %ne3A_640, %ne3A_635 : i1
        %add3A_642 = arith.addi %rem3A_633, %select_n3A_632 : i32
        %select_n3A_643 = arith.select %and3A_641, %add3A_642, %rem3A_633 : i32
        %dma_start3A_644 = arith.constant 0 : i32
        %dma_start3A_645 = arith.constant 1 : i32
        %dma_start3A_646 = arith.constant 0 : i32
        %dma_start3A_647 = arith.constant 0 : i32
        %dma_start3A_648 = tpu.memref_slice %arg9[%dma_start3A_645, %dma_start3A_646, %dma_start3A_647] : memref<2x64x128xf32, #tpu.memory_space<vmem>> -> memref<1x64x128xf32, #tpu.memory_space<vmem>>
        %dma_start3A_649 = tpu.memref_squeeze %dma_start3A_648 : memref<1x64x128xf32, #tpu.memory_space<vmem>> -> memref<64x128xf32, #tpu.memory_space<vmem>>
        %dma_start3A_650 = arith.constant 0 : i32
        %dma_start3A_651 = tpu.memref_slice %arg8[%select_n3A_627, %dma_start3A_644, %select_n3A_643, %dma_start3A_650] : memref<2x2x2x64xi32, #tpu.memory_space<vmem>> -> memref<1x1x1x64xi32, #tpu.memory_space<vmem>>
        %dma_start3A_652 = tpu.memref_squeeze %dma_start3A_651 : memref<1x1x1x64xi32, #tpu.memory_space<vmem>> -> memref<64xi32, #tpu.memory_space<vmem>>
        %dma_start3A_653 = arith.constant 0 : i32
        %dma_start3A_654 = arith.constant 0 : i32
        %dma_start3A_655 = tpu.memref_slice %arg2[%dma_start3A_653, %dma_start3A_654] : memref<10000x128xf32, #tpu.memory_space<hbm>> -> memref<10000x128xf32, #tpu.memory_space<hbm>>
        tpu.enqueue_indirect_dma source(%dma_start3A_655 : memref<10000x128xf32, #tpu.memory_space<hbm>>) target(%dma_start3A_649 : memref<64x128xf32, #tpu.memory_space<vmem>>) offsets(%dma_start3A_652 : memref<64xi32, #tpu.memory_space<vmem>>) semaphore(%arg14 : memref<!tpu.dma_semaphore, #tpu.memory_space<semaphore_mem>>)
      } else {
      }
    }
    %scan3A_288 = arith.constant 40 : i32
    %barrier3A_289 = arith.constant 0 : index
    tpu.barrier barrier_id(%barrier3A_289)
    "tpu.region"() ({
      %run_scoped3A_290 = tpu.sem_alloc : memref<!tpu.dma_semaphore, #tpu.memory_space<semaphore_mem>>
      %dma_start3A_291 = arith.constant 0 : i32
      %dma_start3A_292 = tpu.memref_slice %arg7[%arg0, %mul3A_2, %dma_start3A_291] : memref<2x10240x128xf32, #tpu.memory_space<hbm>> -> memref<1x640x128xf32, #tpu.memory_space<hbm>>
      %dma_start3A_293 = tpu.memref_squeeze %dma_start3A_292 : memref<1x640x128xf32, #tpu.memory_space<hbm>> -> memref<640x128xf32, #tpu.memory_space<hbm>>
      %dma_start3A_294 = arith.constant 0 : i32
      %dma_start3A_295 = tpu.memref_slice %arg11[%mul3A_2, %dma_start3A_294] : memref<10240x128xf32, #tpu.memory_space<vmem_shared>> -> memref<640x128xf32, #tpu.memory_space<vmem_shared>>
      tpu.enqueue_dma source(%dma_start3A_295 : memref<640x128xf32, #tpu.memory_space<vmem_shared>>) target(%dma_start3A_293 : memref<640x128xf32, #tpu.memory_space<hbm>>) target_semaphore(%run_scoped3A_290 : memref<!tpu.dma_semaphore, #tpu.memory_space<semaphore_mem>>)
      %dma_wait3A = arith.constant 0 : i32
      %dma_wait3A_296 = tpu.memref_slice %arg7[%arg0, %mul3A_2, %dma_wait3A] : memref<2x10240x128xf32, #tpu.memory_space<hbm>> -> memref<1x640x128xf32, #tpu.memory_space<hbm>>
      %dma_wait3A_297 = tpu.memref_squeeze %dma_wait3A_296 : memref<1x640x128xf32, #tpu.memory_space<hbm>> -> memref<640x128xf32, #tpu.memory_space<hbm>>
      %dma_wait3A_298 = arith.constant 0 : i32
      %dma_wait3A_299 = tpu.memref_slice %arg11[%mul3A_2, %dma_wait3A_298] : memref<10240x128xf32, #tpu.memory_space<vmem_shared>> -> memref<640x128xf32, #tpu.memory_space<vmem_shared>>
      tpu.wait_dma2 semaphore(%run_scoped3A_290 : memref<!tpu.dma_semaphore, #tpu.memory_space<semaphore_mem>>) src(%dma_wait3A_299 : memref<640x128xf32, #tpu.memory_space<vmem_shared>>) dst(%dma_wait3A_297 : memref<640x128xf32, #tpu.memory_space<hbm>>)
      tpu.yield
    }) : () -> ()
    return
  }
}

#map = affine_map<(d0, d1) -> (0, 0)>
#map1 = affine_map<(d0, d1) -> (0, 0, 0, 0)>
#map2 = affine_map<(d0, d1) -> (0, 0, 0)>
module attributes {stable_mosaic.version = 14 : i64} {
  func.func @_sc_body(%arg0: i32, %arg1: i32, %arg2: memref<10000x128xf32, #tpu.memory_space<hbm>>, %arg3: memref<40960x512xf32, #tpu.memory_space<hbm>>, %arg4: memref<32x40x2x64xi32, #tpu.memory_space<hbm>>, %arg5: memref<32x40x2x64xi32, #tpu.memory_space<hbm>>, %arg6: memref<10240x128xf32, #tpu.memory_space<hbm>>, %arg7: memref<2x10240x128xf32, #tpu.memory_space<hbm>>, %arg8: memref<2x2x2x64xi32, #tpu.memory_space<vmem>>, %arg9: memref<2x64x128xf32, #tpu.memory_space<vmem>>, %arg10: memref<2x64x128xf32, #tpu.memory_space<vmem>>, %arg11: memref<10240x128xf32, #tpu.memory_space<vmem_shared>>, %arg12: memref<!tpu.dma_semaphore, #tpu.memory_space<semaphore_mem>>, %arg13: memref<!tpu.dma_semaphore, #tpu.memory_space<semaphore_mem>>, %arg14: memref<!tpu.dma_semaphore, #tpu.memory_space<semaphore_mem>>, %arg15: memref<!tpu.dma_semaphore, #tpu.memory_space<semaphore_mem>>, %arg16: memref<!tpu.dma_semaphore, #tpu.memory_space<semaphore_mem>>) attributes {dimension_semantics = [#tpu.dimension_semantics<core_parallel>, #tpu.dimension_semantics<subcore_parallel>], iteration_bounds = array<i64: 2, 16>, scalar_prefetch = 0 : i64, scratch_operands = 9 : i64, tpu.core_type = #tpu.core_type<sc_vector_subcore>, window_params = [{transform_indices = #map}, {transform_indices = #map}, {transform_indices = #map1}, {transform_indices = #map1}, {transform_indices = #map}, {transform_indices = #map2}]} {
    %mul3A = arith.constant 16 : i32
    %mul3A_0 = arith.muli %arg0, %mul3A : i32
    %add3A = arith.addi %mul3A_0, %arg1 : i32
    %mul3A_1 = arith.constant 640 : i32
    %mul3A_2 = arith.muli %arg1, %mul3A_1 : i32
    "tpu.region"() ({
      %run_scoped3A_290 = tpu.sem_alloc : memref<!tpu.dma_semaphore, #tpu.memory_space<semaphore_mem>>
      %dma_start3A_291 = arith.constant 0 : i32
      %dma_start3A_292 = tpu.memref_slice %arg11[%mul3A_2, %dma_start3A_291] : memref<10240x128xf32, #tpu.memory_space<vmem_shared>> -> memref<640x128xf32, #tpu.memory_space<vmem_shared>>
      %dma_start3A_293 = arith.constant 0 : i32
      %dma_start3A_294 = tpu.memref_slice %arg6[%mul3A_2, %dma_start3A_293] : memref<10240x128xf32, #tpu.memory_space<hbm>> -> memref<640x128xf32, #tpu.memory_space<hbm>>
      tpu.enqueue_dma source(%dma_start3A_294 : memref<640x128xf32, #tpu.memory_space<hbm>>) target(%dma_start3A_292 : memref<640x128xf32, #tpu.memory_space<vmem_shared>>) target_semaphore(%run_scoped3A_290 : memref<!tpu.dma_semaphore, #tpu.memory_space<semaphore_mem>>)
      %dma_wait3A = arith.constant 0 : i32
      %dma_wait3A_295 = tpu.memref_slice %arg11[%mul3A_2, %dma_wait3A] : memref<10240x128xf32, #tpu.memory_space<vmem_shared>> -> memref<640x128xf32, #tpu.memory_space<vmem_shared>>
      %dma_wait3A_296 = arith.constant 0 : i32
      %dma_wait3A_297 = tpu.memref_slice %arg6[%mul3A_2, %dma_wait3A_296] : memref<10240x128xf32, #tpu.memory_space<hbm>> -> memref<640x128xf32, #tpu.memory_space<hbm>>
      tpu.wait_dma2 semaphore(%run_scoped3A_290 : memref<!tpu.dma_semaphore, #tpu.memory_space<semaphore_mem>>) src(%dma_wait3A_297 : memref<640x128xf32, #tpu.memory_space<hbm>>) dst(%dma_wait3A_295 : memref<640x128xf32, #tpu.memory_space<vmem_shared>>)
      tpu.yield
    }) : () -> ()
    %barrier3A = arith.constant 0 : index
    tpu.barrier barrier_id(%barrier3A)
    %run_scoped3A = arith.constant 0 : i32
    %run_scoped3A_3 = arith.constant 0 : i32
    %run_scoped3A_4 = arith.constant 0 : i32
    "tpu.region"() ({
      %run_scoped3A_290 = tpu.sem_alloc : memref<!tpu.dma_semaphore, #tpu.memory_space<semaphore_mem>>
      %dma_start3A_291 = arith.constant 0 : i32
      %dma_start3A_292 = arith.constant 0 : i32
      %dma_start3A_293 = tpu.memref_slice %arg8[%run_scoped3A_3, %run_scoped3A_4, %dma_start3A_291, %dma_start3A_292] : memref<2x2x2x64xi32, #tpu.memory_space<vmem>> -> memref<1x1x2x64xi32, #tpu.memory_space<vmem>>
      %dma_start3A_294 = tpu.memref_squeeze %dma_start3A_293 : memref<1x1x2x64xi32, #tpu.memory_space<vmem>> -> memref<2x64xi32, #tpu.memory_space<vmem>>
      %dma_start3A_295 = arith.constant 0 : i32
      %dma_start3A_296 = arith.constant 0 : i32
      %dma_start3A_297 = tpu.memref_slice %arg4[%add3A, %run_scoped3A, %dma_start3A_295, %dma_start3A_296] : memref<32x40x2x64xi32, #tpu.memory_space<hbm>> -> memref<1x1x2x64xi32, #tpu.memory_space<hbm>>
      %dma_start3A_298 = tpu.memref_squeeze %dma_start3A_297 : memref<1x1x2x64xi32, #tpu.memory_space<hbm>> -> memref<2x64xi32, #tpu.memory_space<hbm>>
      %dma_start3A_299 = arith.constant 0 : i32
      %dma_start3A_300 = arith.constant 0 : i32
      %dma_start3A_301 = tpu.memref_slice %arg8[%run_scoped3A_3, %run_scoped3A_4, %dma_start3A_299, %dma_start3A_300] : memref<2x2x2x64xi32, #tpu.memory_space<vmem>> -> memref<1x1x2x64xi32, #tpu.memory_space<vmem>>
      %dma_start3A_302 = tpu.memref_squeeze %dma_start3A_301 : memref<1x1x2x64xi32, #tpu.memory_space<vmem>> -> memref<2x64xi32, #tpu.memory_space<vmem>>
      %dma_start3A_303 = arith.constant 0 : i32
      %dma_start3A_304 = arith.constant 0 : i32
      %dma_start3A_305 = tpu.memref_slice %arg4[%add3A, %run_scoped3A, %dma_start3A_303, %dma_start3A_304] : memref<32x40x2x64xi32, #tpu.memory_space<hbm>> -> memref<1x1x2x64xi32, #tpu.memory_space<hbm>>
      %dma_start3A_306 = tpu.memref_squeeze %dma_start3A_305 : memref<1x1x2x64xi32, #tpu.memory_space<hbm>> -> memref<2x64xi32, #tpu.memory_space<hbm>>
      tpu.enqueue_dma source(%dma_start3A_306 : memref<2x64xi32, #tpu.memory_space<hbm>>) target(%dma_start3A_302 : memref<2x64xi32, #tpu.memory_space<vmem>>) target_semaphore(%run_scoped3A_290 : memref<!tpu.dma_semaphore, #tpu.memory_space<semaphore_mem>>)
      %dma_wait3A = arith.constant 0 : i32
      %dma_wait3A_307 = arith.constant 0 : i32
      %dma_wait3A_308 = tpu.memref_slice %arg8[%run_scoped3A_3, %run_scoped3A_4, %dma_wait3A, %dma_wait3A_307] : memref<2x2x2x64xi32, #tpu.memory_space<vmem>> -> memref<1x1x2x64xi32, #tpu.memory_space<vmem>>
      %dma_wait3A_309 = tpu.memref_squeeze %dma_wait3A_308 : memref<1x1x2x64xi32, #tpu.memory_space<vmem>> -> memref<2x64xi32, #tpu.memory_space<vmem>>
      %dma_wait3A_310 = arith.constant 0 : i32
      %dma_wait3A_311 = arith.constant 0 : i32
      %dma_wait3A_312 = tpu.memref_slice %arg4[%add3A, %run_scoped3A, %dma_wait3A_310, %dma_wait3A_311] : memref<32x40x2x64xi32, #tpu.memory_space<hbm>> -> memref<1x1x2x64xi32, #tpu.memory_space<hbm>>
      %dma_wait3A_313 = tpu.memref_squeeze %dma_wait3A_312 : memref<1x1x2x64xi32, #tpu.memory_space<hbm>> -> memref<2x64xi32, #tpu.memory_space<hbm>>
      %dma_wait3A_314 = arith.constant 0 : i32
      %dma_wait3A_315 = arith.constant 0 : i32
      %dma_wait3A_316 = tpu.memref_slice %arg8[%run_scoped3A_3, %run_scoped3A_4, %dma_wait3A_314, %dma_wait3A_315] : memref<2x2x2x64xi32, #tpu.memory_space<vmem>> -> memref<1x1x2x64xi32, #tpu.memory_space<vmem>>
      %dma_wait3A_317 = tpu.memref_squeeze %dma_wait3A_316 : memref<1x1x2x64xi32, #tpu.memory_space<vmem>> -> memref<2x64xi32, #tpu.memory_space<vmem>>
      %dma_wait3A_318 = arith.constant 0 : i32
      %dma_wait3A_319 = arith.constant 0 : i32
      %dma_wait3A_320 = tpu.memref_slice %arg4[%add3A, %run_scoped3A, %dma_wait3A_318, %dma_wait3A_319] : memref<32x40x2x64xi32, #tpu.memory_space<hbm>> -> memref<1x1x2x64xi32, #tpu.memory_space<hbm>>
      %dma_wait3A_321 = tpu.memref_squeeze %dma_wait3A_320 : memref<1x1x2x64xi32, #tpu.memory_space<hbm>> -> memref<2x64xi32, #tpu.memory_space<hbm>>
      tpu.wait_dma2 semaphore(%run_scoped3A_290 : memref<!tpu.dma_semaphore, #tpu.memory_space<semaphore_mem>>) src(%dma_wait3A_321 : memref<2x64xi32, #tpu.memory_space<hbm>>) dst(%dma_wait3A_317 : memref<2x64xi32, #tpu.memory_space<vmem>>)
      tpu.yield
    }) : () -> ()
    %run_scoped3A_5 = arith.constant 0 : i32
    %run_scoped3A_6 = arith.constant 0 : i32
    %run_scoped3A_7 = arith.constant 1 : i32
    "tpu.region"() ({
      %run_scoped3A_290 = tpu.sem_alloc : memref<!tpu.dma_semaphore, #tpu.memory_space<semaphore_mem>>
      %dma_start3A_291 = arith.constant 0 : i32
      %dma_start3A_292 = arith.constant 0 : i32
      %dma_start3A_293 = tpu.memref_slice %arg8[%run_scoped3A_6, %run_scoped3A_7, %dma_start3A_291, %dma_start3A_292] : memref<2x2x2x64xi32, #tpu.memory_space<vmem>> -> memref<1x1x2x64xi32, #tpu.memory_space<vmem>>
      %dma_start3A_294 = tpu.memref_squeeze %dma_start3A_293 : memref<1x1x2x64xi32, #tpu.memory_space<vmem>> -> memref<2x64xi32, #tpu.memory_space<vmem>>
      %dma_start3A_295 = arith.constant 0 : i32
      %dma_start3A_296 = arith.constant 0 : i32
      %dma_start3A_297 = tpu.memref_slice %arg5[%add3A, %run_scoped3A_5, %dma_start3A_295, %dma_start3A_296] : memref<32x40x2x64xi32, #tpu.memory_space<hbm>> -> memref<1x1x2x64xi32, #tpu.memory_space<hbm>>
      %dma_start3A_298 = tpu.memref_squeeze %dma_start3A_297 : memref<1x1x2x64xi32, #tpu.memory_space<hbm>> -> memref<2x64xi32, #tpu.memory_space<hbm>>
      %dma_start3A_299 = arith.constant 0 : i32
      %dma_start3A_300 = arith.constant 0 : i32
      %dma_start3A_301 = tpu.memref_slice %arg8[%run_scoped3A_6, %run_scoped3A_7, %dma_start3A_299, %dma_start3A_300] : memref<2x2x2x64xi32, #tpu.memory_space<vmem>> -> memref<1x1x2x64xi32, #tpu.memory_space<vmem>>
      %dma_start3A_302 = tpu.memref_squeeze %dma_start3A_301 : memref<1x1x2x64xi32, #tpu.memory_space<vmem>> -> memref<2x64xi32, #tpu.memory_space<vmem>>
      %dma_start3A_303 = arith.constant 0 : i32
      %dma_start3A_304 = arith.constant 0 : i32
      %dma_start3A_305 = tpu.memref_slice %arg5[%add3A, %run_scoped3A_5, %dma_start3A_303, %dma_start3A_304] : memref<32x40x2x64xi32, #tpu.memory_space<hbm>> -> memref<1x1x2x64xi32, #tpu.memory_space<hbm>>
      %dma_start3A_306 = tpu.memref_squeeze %dma_start3A_305 : memref<1x1x2x64xi32, #tpu.memory_space<hbm>> -> memref<2x64xi32, #tpu.memory_space<hbm>>
      tpu.enqueue_dma source(%dma_start3A_306 : memref<2x64xi32, #tpu.memory_space<hbm>>) target(%dma_start3A_302 : memref<2x64xi32, #tpu.memory_space<vmem>>) target_semaphore(%run_scoped3A_290 : memref<!tpu.dma_semaphore, #tpu.memory_space<semaphore_mem>>)
      %dma_wait3A = arith.constant 0 : i32
      %dma_wait3A_307 = arith.constant 0 : i32
      %dma_wait3A_308 = tpu.memref_slice %arg8[%run_scoped3A_6, %run_scoped3A_7, %dma_wait3A, %dma_wait3A_307] : memref<2x2x2x64xi32, #tpu.memory_space<vmem>> -> memref<1x1x2x64xi32, #tpu.memory_space<vmem>>
      %dma_wait3A_309 = tpu.memref_squeeze %dma_wait3A_308 : memref<1x1x2x64xi32, #tpu.memory_space<vmem>> -> memref<2x64xi32, #tpu.memory_space<vmem>>
      %dma_wait3A_310 = arith.constant 0 : i32
      %dma_wait3A_311 = arith.constant 0 : i32
      %dma_wait3A_312 = tpu.memref_slice %arg5[%add3A, %run_scoped3A_5, %dma_wait3A_310, %dma_wait3A_311] : memref<32x40x2x64xi32, #tpu.memory_space<hbm>> -> memref<1x1x2x64xi32, #tpu.memory_space<hbm>>
      %dma_wait3A_313 = tpu.memref_squeeze %dma_wait3A_312 : memref<1x1x2x64xi32, #tpu.memory_space<hbm>> -> memref<2x64xi32, #tpu.memory_space<hbm>>
      %dma_wait3A_314 = arith.constant 0 : i32
      %dma_wait3A_315 = arith.constant 0 : i32
      %dma_wait3A_316 = tpu.memref_slice %arg8[%run_scoped3A_6, %run_scoped3A_7, %dma_wait3A_314, %dma_wait3A_315] : memref<2x2x2x64xi32, #tpu.memory_space<vmem>> -> memref<1x1x2x64xi32, #tpu.memory_space<vmem>>
      %dma_wait3A_317 = tpu.memref_squeeze %dma_wait3A_316 : memref<1x1x2x64xi32, #tpu.memory_space<vmem>> -> memref<2x64xi32, #tpu.memory_space<vmem>>
      %dma_wait3A_318 = arith.constant 0 : i32
      %dma_wait3A_319 = arith.constant 0 : i32
      %dma_wait3A_320 = tpu.memref_slice %arg5[%add3A, %run_scoped3A_5, %dma_wait3A_318, %dma_wait3A_319] : memref<32x40x2x64xi32, #tpu.memory_space<hbm>> -> memref<1x1x2x64xi32, #tpu.memory_space<hbm>>
      %dma_wait3A_321 = tpu.memref_squeeze %dma_wait3A_320 : memref<1x1x2x64xi32, #tpu.memory_space<hbm>> -> memref<2x64xi32, #tpu.memory_space<hbm>>
      tpu.wait_dma2 semaphore(%run_scoped3A_290 : memref<!tpu.dma_semaphore, #tpu.memory_space<semaphore_mem>>) src(%dma_wait3A_321 : memref<2x64xi32, #tpu.memory_space<hbm>>) dst(%dma_wait3A_317 : memref<2x64xi32, #tpu.memory_space<vmem>>)
      tpu.yield
    }) : () -> ()
    %mul3A_8 = arith.constant 80 : i32
    %mul3A_9 = arith.muli %add3A, %mul3A_8 : i32
    %add3A_10 = arith.constant 0 : i32
    %add3A_11 = arith.addi %mul3A_9, %add3A_10 : i32
    %jit3A = arith.constant 40 : i32
    %div3A = arith.divsi %add3A_11, %jit3A : i32
    %sign3A = arith.constant 0 : i32
    %sign3A_12 = arith.cmpi sgt, %add3A_11, %sign3A : i32
    %sign3A_13 = arith.extui %sign3A_12 : i1 to i32
    %sign3A_14 = arith.constant 0 : i32
    %sign3A_15 = arith.cmpi slt, %add3A_11, %sign3A_14 : i32
    %sign3A_16 = arith.extui %sign3A_15 : i1 to i32
    %sign3A_17 = arith.subi %sign3A_13, %sign3A_16 : i32
    %sign3A_18 = arith.constant 0 : i32
    %sign3A_19 = arith.cmpi sgt, %jit3A, %sign3A_18 : i32
    %sign3A_20 = arith.extui %sign3A_19 : i1 to i32
    %sign3A_21 = arith.constant 0 : i32
    %sign3A_22 = arith.cmpi slt, %jit3A, %sign3A_21 : i32
    %sign3A_23 = arith.extui %sign3A_22 : i1 to i32
    %sign3A_24 = arith.subi %sign3A_20, %sign3A_23 : i32
    %ne3A = arith.cmpi ne, %sign3A_17, %sign3A_24 : i32
    %rem3A = arith.remsi %add3A_11, %jit3A : i32
    %ne3A_25 = arith.constant 0 : i32
    %ne3A_26 = arith.cmpi ne, %rem3A, %ne3A_25 : i32
    %and3A = arith.andi %ne3A, %ne3A_26 : i1
    %sub3A = arith.constant 1 : i32
    %sub3A_27 = arith.subi %div3A, %sub3A : i32
    %select_n3A = arith.select %and3A, %sub3A_27, %div3A : i32
    %mul3A_28 = arith.constant 40 : i32
    %mul3A_29 = arith.muli %select_n3A, %mul3A_28 : i32
    %sub3A_30 = arith.subi %add3A_11, %mul3A_29 : i32
    %jit3A_31 = arith.constant 10 : i32
    %div3A_32 = arith.divsi %sub3A_30, %jit3A_31 : i32
    %sign3A_33 = arith.constant 0 : i32
    %sign3A_34 = arith.cmpi sgt, %sub3A_30, %sign3A_33 : i32
    %sign3A_35 = arith.extui %sign3A_34 : i1 to i32
    %sign3A_36 = arith.constant 0 : i32
    %sign3A_37 = arith.cmpi slt, %sub3A_30, %sign3A_36 : i32
    %sign3A_38 = arith.extui %sign3A_37 : i1 to i32
    %sign3A_39 = arith.subi %sign3A_35, %sign3A_38 : i32
    %sign3A_40 = arith.constant 0 : i32
    %sign3A_41 = arith.cmpi sgt, %jit3A_31, %sign3A_40 : i32
    %sign3A_42 = arith.extui %sign3A_41 : i1 to i32
    %sign3A_43 = arith.constant 0 : i32
    %sign3A_44 = arith.cmpi slt, %jit3A_31, %sign3A_43 : i32
    %sign3A_45 = arith.extui %sign3A_44 : i1 to i32
    %sign3A_46 = arith.subi %sign3A_42, %sign3A_45 : i32
    %ne3A_47 = arith.cmpi ne, %sign3A_39, %sign3A_46 : i32
    %rem3A_48 = arith.remsi %sub3A_30, %jit3A_31 : i32
    %ne3A_49 = arith.constant 0 : i32
    %ne3A_50 = arith.cmpi ne, %rem3A_48, %ne3A_49 : i32
    %and3A_51 = arith.andi %ne3A_47, %ne3A_50 : i1
    %sub3A_52 = arith.constant 1 : i32
    %sub3A_53 = arith.subi %div3A_32, %sub3A_52 : i32
    %select_n3A_54 = arith.select %and3A_51, %sub3A_53, %div3A_32 : i32
    %mul3A_55 = arith.constant 10 : i32
    %mul3A_56 = arith.muli %select_n3A_54, %mul3A_55 : i32
    %sub3A_57 = arith.subi %sub3A_30, %mul3A_56 : i32
    %mul3A_58 = arith.constant 640 : i32
    %mul3A_59 = arith.muli %select_n3A, %mul3A_58 : i32
    %mul3A_60 = arith.constant 64 : i32
    %mul3A_61 = arith.muli %sub3A_57, %mul3A_60 : i32
    %add3A_62 = arith.addi %mul3A_59, %mul3A_61 : i32
    %mul3A_63 = arith.constant 128 : i32
    %mul3A_64 = arith.muli %select_n3A_54, %mul3A_63 : i32
    %dma_start3A = arith.constant 0 : i32
    %dma_start3A_65 = arith.constant 0 : i32
    %dma_start3A_66 = arith.constant 0 : i32
    %dma_start3A_67 = tpu.memref_slice %arg10[%dma_start3A, %dma_start3A_65, %dma_start3A_66] : memref<2x64x128xf32, #tpu.memory_space<vmem>> -> memref<1x64x128xf32, #tpu.memory_space<vmem>>
    %dma_start3A_68 = tpu.memref_squeeze %dma_start3A_67 : memref<1x64x128xf32, #tpu.memory_space<vmem>> -> memref<64x128xf32, #tpu.memory_space<vmem>>
    %dma_start3A_69 = tpu.memref_slice %arg3[%add3A_62, %mul3A_64] : memref<40960x512xf32, #tpu.memory_space<hbm>> -> memref<64x128xf32, #tpu.memory_space<hbm>>
    %dma_start3A_70 = arith.constant 0 : i32
    %dma_start3A_71 = arith.constant 0 : i32
    %dma_start3A_72 = tpu.memref_slice %arg10[%dma_start3A, %dma_start3A_70, %dma_start3A_71] : memref<2x64x128xf32, #tpu.memory_space<vmem>> -> memref<1x64x128xf32, #tpu.memory_space<vmem>>
    %dma_start3A_73 = tpu.memref_squeeze %dma_start3A_72 : memref<1x64x128xf32, #tpu.memory_space<vmem>> -> memref<64x128xf32, #tpu.memory_space<vmem>>
    %dma_start3A_74 = tpu.memref_slice %arg3[%add3A_62, %mul3A_64] : memref<40960x512xf32, #tpu.memory_space<hbm>> -> memref<64x128xf32, #tpu.memory_space<hbm>>
    tpu.enqueue_dma source(%dma_start3A_74 : memref<64x128xf32, #tpu.memory_space<hbm>>) target(%dma_start3A_73 : memref<64x128xf32, #tpu.memory_space<vmem>>) target_semaphore(%arg15 : memref<!tpu.dma_semaphore, #tpu.memory_space<semaphore_mem>>)
    %jit3A_75 = arith.constant 2 : i32
    %div3A_76 = arith.divsi %add3A_11, %jit3A_75 : i32
    %sign3A_77 = arith.constant 0 : i32
    %sign3A_78 = arith.cmpi sgt, %add3A_11, %sign3A_77 : i32
    %sign3A_79 = arith.extui %sign3A_78 : i1 to i32
    %sign3A_80 = arith.constant 0 : i32
    %sign3A_81 = arith.cmpi slt, %add3A_11, %sign3A_80 : i32
    %sign3A_82 = arith.extui %sign3A_81 : i1 to i32
    %sign3A_83 = arith.subi %sign3A_79, %sign3A_82 : i32
    %sign3A_84 = arith.constant 0 : i32
    %sign3A_85 = arith.cmpi sgt, %jit3A_75, %sign3A_84 : i32
    %sign3A_86 = arith.extui %sign3A_85 : i1 to i32
    %sign3A_87 = arith.constant 0 : i32
    %sign3A_88 = arith.cmpi slt, %jit3A_75, %sign3A_87 : i32
    %sign3A_89 = arith.extui %sign3A_88 : i1 to i32
    %sign3A_90 = arith.subi %sign3A_86, %sign3A_89 : i32
    %ne3A_91 = arith.cmpi ne, %sign3A_83, %sign3A_90 : i32
    %rem3A_92 = arith.remsi %add3A_11, %jit3A_75 : i32
    %ne3A_93 = arith.constant 0 : i32
    %ne3A_94 = arith.cmpi ne, %rem3A_92, %ne3A_93 : i32
    %and3A_95 = arith.andi %ne3A_91, %ne3A_94 : i1
    %sub3A_96 = arith.constant 1 : i32
    %sub3A_97 = arith.subi %div3A_76, %sub3A_96 : i32
    %select_n3A_98 = arith.select %and3A_95, %sub3A_97, %div3A_76 : i32
    %jit3A_99 = arith.constant 2 : i32
    %eq3A = arith.constant 0 : i32
    %eq3A_100 = arith.cmpi eq, %jit3A_99, %eq3A : i32
    %jit3A_101 = arith.constant 1 : i32
    %select_n3A_102 = arith.select %eq3A_100, %jit3A_101, %jit3A_99 : i32
    %rem3A_103 = arith.remsi %select_n3A_98, %select_n3A_102 : i32
    %ne3A_104 = arith.constant 0 : i32
    %ne3A_105 = arith.cmpi ne, %rem3A_103, %ne3A_104 : i32
    %lt3A = arith.constant 0 : i32
    %lt3A_106 = arith.cmpi slt, %rem3A_103, %lt3A : i32
    %lt3A_107 = arith.constant 0 : i32
    %lt3A_108 = arith.cmpi slt, %select_n3A_102, %lt3A_107 : i32
    %ne3A_109 = arith.xori %lt3A_106, %lt3A_108 : i1
    %and3A_110 = arith.andi %ne3A_109, %ne3A_105 : i1
    %add3A_111 = arith.addi %rem3A_103, %select_n3A_102 : i32
    %select_n3A_112 = arith.select %and3A_110, %add3A_111, %rem3A_103 : i32
    %jit3A_113 = arith.constant 2 : i32
    %eq3A_114 = arith.constant 0 : i32
    %eq3A_115 = arith.cmpi eq, %jit3A_113, %eq3A_114 : i32
    %jit3A_116 = arith.constant 1 : i32
    %select_n3A_117 = arith.select %eq3A_115, %jit3A_116, %jit3A_113 : i32
    %rem3A_118 = arith.remsi %add3A_11, %select_n3A_117 : i32
    %ne3A_119 = arith.constant 0 : i32
    %ne3A_120 = arith.cmpi ne, %rem3A_118, %ne3A_119 : i32
    %lt3A_121 = arith.constant 0 : i32
    %lt3A_122 = arith.cmpi slt, %rem3A_118, %lt3A_121 : i32
    %lt3A_123 = arith.constant 0 : i32
    %lt3A_124 = arith.cmpi slt, %select_n3A_117, %lt3A_123 : i32
    %ne3A_125 = arith.xori %lt3A_122, %lt3A_124 : i1
    %and3A_126 = arith.andi %ne3A_125, %ne3A_120 : i1
    %add3A_127 = arith.addi %rem3A_118, %select_n3A_117 : i32
    %select_n3A_128 = arith.select %and3A_126, %add3A_127, %rem3A_118 : i32
    %dma_start3A_129 = arith.constant 0 : i32
    %dma_start3A_130 = arith.constant 0 : i32
    %dma_start3A_131 = arith.constant 0 : i32
    %dma_start3A_132 = arith.constant 0 : i32
    %dma_start3A_133 = tpu.memref_slice %arg9[%dma_start3A_130, %dma_start3A_131, %dma_start3A_132] : memref<2x64x128xf32, #tpu.memory_space<vmem>> -> memref<1x64x128xf32, #tpu.memory_space<vmem>>
    %dma_start3A_134 = tpu.memref_squeeze %dma_start3A_133 : memref<1x64x128xf32, #tpu.memory_space<vmem>> -> memref<64x128xf32, #tpu.memory_space<vmem>>
    %dma_start3A_135 = arith.constant 0 : i32
    %dma_start3A_136 = tpu.memref_slice %arg8[%select_n3A_112, %dma_start3A_129, %select_n3A_128, %dma_start3A_135] : memref<2x2x2x64xi32, #tpu.memory_space<vmem>> -> memref<1x1x1x64xi32, #tpu.memory_space<vmem>>
    %dma_start3A_137 = tpu.memref_squeeze %dma_start3A_136 : memref<1x1x1x64xi32, #tpu.memory_space<vmem>> -> memref<64xi32, #tpu.memory_space<vmem>>
    %dma_start3A_138 = arith.constant 0 : i32
    %dma_start3A_139 = arith.constant 0 : i32
    %dma_start3A_140 = tpu.memref_slice %arg2[%dma_start3A_138, %dma_start3A_139] : memref<10000x128xf32, #tpu.memory_space<hbm>> -> memref<10000x128xf32, #tpu.memory_space<hbm>>
    tpu.enqueue_indirect_dma source(%dma_start3A_140 : memref<10000x128xf32, #tpu.memory_space<hbm>>) target(%dma_start3A_134 : memref<64x128xf32, #tpu.memory_space<vmem>>) offsets(%dma_start3A_137 : memref<64xi32, #tpu.memory_space<vmem>>) semaphore(%arg13 : memref<!tpu.dma_semaphore, #tpu.memory_space<semaphore_mem>>)
    %mul3A_141 = arith.constant 80 : i32
    %mul3A_142 = arith.muli %add3A, %mul3A_141 : i32
    %add3A_143 = arith.constant 1 : i32
    %add3A_144 = arith.addi %mul3A_142, %add3A_143 : i32
    %jit3A_145 = arith.constant 40 : i32
    %div3A_146 = arith.divsi %add3A_144, %jit3A_145 : i32
    %sign3A_147 = arith.constant 0 : i32
    %sign3A_148 = arith.cmpi sgt, %add3A_144, %sign3A_147 : i32
    %sign3A_149 = arith.extui %sign3A_148 : i1 to i32
    %sign3A_150 = arith.constant 0 : i32
    %sign3A_151 = arith.cmpi slt, %add3A_144, %sign3A_150 : i32
    %sign3A_152 = arith.extui %sign3A_151 : i1 to i32
    %sign3A_153 = arith.subi %sign3A_149, %sign3A_152 : i32
    %sign3A_154 = arith.constant 0 : i32
    %sign3A_155 = arith.cmpi sgt, %jit3A_145, %sign3A_154 : i32
    %sign3A_156 = arith.extui %sign3A_155 : i1 to i32
    %sign3A_157 = arith.constant 0 : i32
    %sign3A_158 = arith.cmpi slt, %jit3A_145, %sign3A_157 : i32
    %sign3A_159 = arith.extui %sign3A_158 : i1 to i32
    %sign3A_160 = arith.subi %sign3A_156, %sign3A_159 : i32
    %ne3A_161 = arith.cmpi ne, %sign3A_153, %sign3A_160 : i32
    %rem3A_162 = arith.remsi %add3A_144, %jit3A_145 : i32
    %ne3A_163 = arith.constant 0 : i32
    %ne3A_164 = arith.cmpi ne, %rem3A_162, %ne3A_163 : i32
    %and3A_165 = arith.andi %ne3A_161, %ne3A_164 : i1
    %sub3A_166 = arith.constant 1 : i32
    %sub3A_167 = arith.subi %div3A_146, %sub3A_166 : i32
    %select_n3A_168 = arith.select %and3A_165, %sub3A_167, %div3A_146 : i32
    %mul3A_169 = arith.constant 40 : i32
    %mul3A_170 = arith.muli %select_n3A_168, %mul3A_169 : i32
    %sub3A_171 = arith.subi %add3A_144, %mul3A_170 : i32
    %jit3A_172 = arith.constant 10 : i32
    %div3A_173 = arith.divsi %sub3A_171, %jit3A_172 : i32
    %sign3A_174 = arith.constant 0 : i32
    %sign3A_175 = arith.cmpi sgt, %sub3A_171, %sign3A_174 : i32
    %sign3A_176 = arith.extui %sign3A_175 : i1 to i32
    %sign3A_177 = arith.constant 0 : i32
    %sign3A_178 = arith.cmpi slt, %sub3A_171, %sign3A_177 : i32
    %sign3A_179 = arith.extui %sign3A_178 : i1 to i32
    %sign3A_180 = arith.subi %sign3A_176, %sign3A_179 : i32
    %sign3A_181 = arith.constant 0 : i32
    %sign3A_182 = arith.cmpi sgt, %jit3A_172, %sign3A_181 : i32
    %sign3A_183 = arith.extui %sign3A_182 : i1 to i32
    %sign3A_184 = arith.constant 0 : i32
    %sign3A_185 = arith.cmpi slt, %jit3A_172, %sign3A_184 : i32
    %sign3A_186 = arith.extui %sign3A_185 : i1 to i32
    %sign3A_187 = arith.subi %sign3A_183, %sign3A_186 : i32
    %ne3A_188 = arith.cmpi ne, %sign3A_180, %sign3A_187 : i32
    %rem3A_189 = arith.remsi %sub3A_171, %jit3A_172 : i32
    %ne3A_190 = arith.constant 0 : i32
    %ne3A_191 = arith.cmpi ne, %rem3A_189, %ne3A_190 : i32
    %and3A_192 = arith.andi %ne3A_188, %ne3A_191 : i1
    %sub3A_193 = arith.constant 1 : i32
    %sub3A_194 = arith.subi %div3A_173, %sub3A_193 : i32
    %select_n3A_195 = arith.select %and3A_192, %sub3A_194, %div3A_173 : i32
    %mul3A_196 = arith.constant 10 : i32
    %mul3A_197 = arith.muli %select_n3A_195, %mul3A_196 : i32
    %sub3A_198 = arith.subi %sub3A_171, %mul3A_197 : i32
    %mul3A_199 = arith.constant 640 : i32
    %mul3A_200 = arith.muli %select_n3A_168, %mul3A_199 : i32
    %mul3A_201 = arith.constant 64 : i32
    %mul3A_202 = arith.muli %sub3A_198, %mul3A_201 : i32
    %add3A_203 = arith.addi %mul3A_200, %mul3A_202 : i32
    %mul3A_204 = arith.constant 128 : i32
    %mul3A_205 = arith.muli %select_n3A_195, %mul3A_204 : i32
    %dma_start3A_206 = arith.constant 1 : i32
    %dma_start3A_207 = arith.constant 0 : i32
    %dma_start3A_208 = arith.constant 0 : i32
    %dma_start3A_209 = tpu.memref_slice %arg10[%dma_start3A_206, %dma_start3A_207, %dma_start3A_208] : memref<2x64x128xf32, #tpu.memory_space<vmem>> -> memref<1x64x128xf32, #tpu.memory_space<vmem>>
    %dma_start3A_210 = tpu.memref_squeeze %dma_start3A_209 : memref<1x64x128xf32, #tpu.memory_space<vmem>> -> memref<64x128xf32, #tpu.memory_space<vmem>>
    %dma_start3A_211 = tpu.memref_slice %arg3[%add3A_203, %mul3A_205] : memref<40960x512xf32, #tpu.memory_space<hbm>> -> memref<64x128xf32, #tpu.memory_space<hbm>>
    %dma_start3A_212 = arith.constant 0 : i32
    %dma_start3A_213 = arith.constant 0 : i32
    %dma_start3A_214 = tpu.memref_slice %arg10[%dma_start3A_206, %dma_start3A_212, %dma_start3A_213] : memref<2x64x128xf32, #tpu.memory_space<vmem>> -> memref<1x64x128xf32, #tpu.memory_space<vmem>>
    %dma_start3A_215 = tpu.memref_squeeze %dma_start3A_214 : memref<1x64x128xf32, #tpu.memory_space<vmem>> -> memref<64x128xf32, #tpu.memory_space<vmem>>
    %dma_start3A_216 = tpu.memref_slice %arg3[%add3A_203, %mul3A_205] : memref<40960x512xf32, #tpu.memory_space<hbm>> -> memref<64x128xf32, #tpu.memory_space<hbm>>
    tpu.enqueue_dma source(%dma_start3A_216 : memref<64x128xf32, #tpu.memory_space<hbm>>) target(%dma_start3A_215 : memref<64x128xf32, #tpu.memory_space<vmem>>) target_semaphore(%arg16 : memref<!tpu.dma_semaphore, #tpu.memory_space<semaphore_mem>>)
    %jit3A_217 = arith.constant 2 : i32
    %div3A_218 = arith.divsi %add3A_144, %jit3A_217 : i32
    %sign3A_219 = arith.constant 0 : i32
    %sign3A_220 = arith.cmpi sgt, %add3A_144, %sign3A_219 : i32
    %sign3A_221 = arith.extui %sign3A_220 : i1 to i32
    %sign3A_222 = arith.constant 0 : i32
    %sign3A_223 = arith.cmpi slt, %add3A_144, %sign3A_222 : i32
    %sign3A_224 = arith.extui %sign3A_223 : i1 to i32
    %sign3A_225 = arith.subi %sign3A_221, %sign3A_224 : i32
    %sign3A_226 = arith.constant 0 : i32
    %sign3A_227 = arith.cmpi sgt, %jit3A_217, %sign3A_226 : i32
    %sign3A_228 = arith.extui %sign3A_227 : i1 to i32
    %sign3A_229 = arith.constant 0 : i32
    %sign3A_230 = arith.cmpi slt, %jit3A_217, %sign3A_229 : i32
    %sign3A_231 = arith.extui %sign3A_230 : i1 to i32
    %sign3A_232 = arith.subi %sign3A_228, %sign3A_231 : i32
    %ne3A_233 = arith.cmpi ne, %sign3A_225, %sign3A_232 : i32
    %rem3A_234 = arith.remsi %add3A_144, %jit3A_217 : i32
    %ne3A_235 = arith.constant 0 : i32
    %ne3A_236 = arith.cmpi ne, %rem3A_234, %ne3A_235 : i32
    %and3A_237 = arith.andi %ne3A_233, %ne3A_236 : i1
    %sub3A_238 = arith.constant 1 : i32
    %sub3A_239 = arith.subi %div3A_218, %sub3A_238 : i32
    %select_n3A_240 = arith.select %and3A_237, %sub3A_239, %div3A_218 : i32
    %jit3A_241 = arith.constant 2 : i32
    %eq3A_242 = arith.constant 0 : i32
    %eq3A_243 = arith.cmpi eq, %jit3A_241, %eq3A_242 : i32
    %jit3A_244 = arith.constant 1 : i32
    %select_n3A_245 = arith.select %eq3A_243, %jit3A_244, %jit3A_241 : i32
    %rem3A_246 = arith.remsi %select_n3A_240, %select_n3A_245 : i32
    %ne3A_247 = arith.constant 0 : i32
    %ne3A_248 = arith.cmpi ne, %rem3A_246, %ne3A_247 : i32
    %lt3A_249 = arith.constant 0 : i32
    %lt3A_250 = arith.cmpi slt, %rem3A_246, %lt3A_249 : i32
    %lt3A_251 = arith.constant 0 : i32
    %lt3A_252 = arith.cmpi slt, %select_n3A_245, %lt3A_251 : i32
    %ne3A_253 = arith.xori %lt3A_250, %lt3A_252 : i1
    %and3A_254 = arith.andi %ne3A_253, %ne3A_248 : i1
    %add3A_255 = arith.addi %rem3A_246, %select_n3A_245 : i32
    %select_n3A_256 = arith.select %and3A_254, %add3A_255, %rem3A_246 : i32
    %jit3A_257 = arith.constant 2 : i32
    %eq3A_258 = arith.constant 0 : i32
    %eq3A_259 = arith.cmpi eq, %jit3A_257, %eq3A_258 : i32
    %jit3A_260 = arith.constant 1 : i32
    %select_n3A_261 = arith.select %eq3A_259, %jit3A_260, %jit3A_257 : i32
    %rem3A_262 = arith.remsi %add3A_144, %select_n3A_261 : i32
    %ne3A_263 = arith.constant 0 : i32
    %ne3A_264 = arith.cmpi ne, %rem3A_262, %ne3A_263 : i32
    %lt3A_265 = arith.constant 0 : i32
    %lt3A_266 = arith.cmpi slt, %rem3A_262, %lt3A_265 : i32
    %lt3A_267 = arith.constant 0 : i32
    %lt3A_268 = arith.cmpi slt, %select_n3A_261, %lt3A_267 : i32
    %ne3A_269 = arith.xori %lt3A_266, %lt3A_268 : i1
    %and3A_270 = arith.andi %ne3A_269, %ne3A_264 : i1
    %add3A_271 = arith.addi %rem3A_262, %select_n3A_261 : i32
    %select_n3A_272 = arith.select %and3A_270, %add3A_271, %rem3A_262 : i32
    %dma_start3A_273 = arith.constant 0 : i32
    %dma_start3A_274 = arith.constant 1 : i32
    %dma_start3A_275 = arith.constant 0 : i32
    %dma_start3A_276 = arith.constant 0 : i32
    %dma_start3A_277 = tpu.memref_slice %arg9[%dma_start3A_274, %dma_start3A_275, %dma_start3A_276] : memref<2x64x128xf32, #tpu.memory_space<vmem>> -> memref<1x64x128xf32, #tpu.memory_space<vmem>>
    %dma_start3A_278 = tpu.memref_squeeze %dma_start3A_277 : memref<1x64x128xf32, #tpu.memory_space<vmem>> -> memref<64x128xf32, #tpu.memory_space<vmem>>
    %dma_start3A_279 = arith.constant 0 : i32
    %dma_start3A_280 = tpu.memref_slice %arg8[%select_n3A_256, %dma_start3A_273, %select_n3A_272, %dma_start3A_279] : memref<2x2x2x64xi32, #tpu.memory_space<vmem>> -> memref<1x1x1x64xi32, #tpu.memory_space<vmem>>
    %dma_start3A_281 = tpu.memref_squeeze %dma_start3A_280 : memref<1x1x1x64xi32, #tpu.memory_space<vmem>> -> memref<64xi32, #tpu.memory_space<vmem>>
    %dma_start3A_282 = arith.constant 0 : i32
    %dma_start3A_283 = arith.constant 0 : i32
    %dma_start3A_284 = tpu.memref_slice %arg2[%dma_start3A_282, %dma_start3A_283] : memref<10000x128xf32, #tpu.memory_space<hbm>> -> memref<10000x128xf32, #tpu.memory_space<hbm>>
    tpu.enqueue_indirect_dma source(%dma_start3A_284 : memref<10000x128xf32, #tpu.memory_space<hbm>>) target(%dma_start3A_278 : memref<64x128xf32, #tpu.memory_space<vmem>>) offsets(%dma_start3A_281 : memref<64xi32, #tpu.memory_space<vmem>>) semaphore(%arg14 : memref<!tpu.dma_semaphore, #tpu.memory_space<semaphore_mem>>)
    %scan3A = arith.constant 0 : i32
    %scan3A_285 = arith.constant 40 : i32
    %scan3A_286 = arith.addi %scan3A, %scan3A_285 : i32
    %scan3A_287 = arith.constant 1 : i32
    scf.for %scan3A_290 = %scan3A to %scan3A_286 step %scan3A_287  : i32 {
      %mul3A_291 = arith.constant 1 : i32
      %mul3A_292 = arith.muli %scan3A_290, %mul3A_291 : i32
      %add3A_293 = arith.constant 0 : i32
      %add3A_294 = arith.addi %add3A_293, %mul3A_292 : i32
      %jit3A_295 = arith.constant 2 : i32
      %eq3A_296 = arith.constant 0 : i32
      %eq3A_297 = arith.cmpi eq, %jit3A_295, %eq3A_296 : i32
      %jit3A_298 = arith.constant 1 : i32
      %select_n3A_299 = arith.select %eq3A_297, %jit3A_298, %jit3A_295 : i32
      %rem3A_300 = arith.remsi %add3A_294, %select_n3A_299 : i32
      %ne3A_301 = arith.constant 0 : i32
      %ne3A_302 = arith.cmpi ne, %rem3A_300, %ne3A_301 : i32
      %lt3A_303 = arith.constant 0 : i32
      %lt3A_304 = arith.cmpi slt, %rem3A_300, %lt3A_303 : i32
      %lt3A_305 = arith.constant 0 : i32
      %lt3A_306 = arith.cmpi slt, %select_n3A_299, %lt3A_305 : i32
      %ne3A_307 = arith.xori %lt3A_304, %lt3A_306 : i1
      %and3A_308 = arith.andi %ne3A_307, %ne3A_302 : i1
      %add3A_309 = arith.addi %rem3A_300, %select_n3A_299 : i32
      %select_n3A_310 = arith.select %and3A_308, %add3A_309, %rem3A_300 : i32
      %mul3A_311 = arith.constant 80 : i32
      %mul3A_312 = arith.muli %add3A, %mul3A_311 : i32
      %mul3A_313 = arith.constant 2 : i32
      %mul3A_314 = arith.muli %add3A_294, %mul3A_313 : i32
      %add3A_315 = arith.addi %mul3A_312, %mul3A_314 : i32
      %lt3A_316 = arith.constant 39 : i32
      %lt3A_317 = arith.cmpi slt, %add3A_294, %lt3A_316 : i32
      %convert_element_type3A = arith.extui %lt3A_317 : i1 to i32
      %cond3A = arith.constant 0 : i32
      %cond3A_318 = arith.cmpi ne, %convert_element_type3A, %cond3A : i32
      scf.if %cond3A_318 {
        %add3A_514 = arith.constant 1 : i32
        %add3A_515 = arith.addi %add3A_294, %add3A_514 : i32
        %sub3A_516 = arith.constant 1 : i32
        %sub3A_517 = arith.subi %sub3A_516, %select_n3A_310 : i32
        %dma_start3A_518 = arith.constant 0 : i32
        %dma_start3A_519 = arith.constant 0 : i32
        %dma_start3A_520 = arith.constant 0 : i32
        %dma_start3A_521 = tpu.memref_slice %arg8[%sub3A_517, %dma_start3A_518, %dma_start3A_519, %dma_start3A_520] : memref<2x2x2x64xi32, #tpu.memory_space<vmem>> -> memref<1x1x2x64xi32, #tpu.memory_space<vmem>>
        %dma_start3A_522 = tpu.memref_squeeze %dma_start3A_521 : memref<1x1x2x64xi32, #tpu.memory_space<vmem>> -> memref<2x64xi32, #tpu.memory_space<vmem>>
        %dma_start3A_523 = arith.constant 0 : i32
        %dma_start3A_524 = arith.constant 0 : i32
        %dma_start3A_525 = tpu.memref_slice %arg4[%add3A, %add3A_515, %dma_start3A_523, %dma_start3A_524] : memref<32x40x2x64xi32, #tpu.memory_space<hbm>> -> memref<1x1x2x64xi32, #tpu.memory_space<hbm>>
        %dma_start3A_526 = tpu.memref_squeeze %dma_start3A_525 : memref<1x1x2x64xi32, #tpu.memory_space<hbm>> -> memref<2x64xi32, #tpu.memory_space<hbm>>
        %dma_start3A_527 = arith.constant 0 : i32
        %dma_start3A_528 = arith.constant 0 : i32
        %dma_start3A_529 = tpu.memref_slice %arg8[%sub3A_517, %dma_start3A_518, %dma_start3A_527, %dma_start3A_528] : memref<2x2x2x64xi32, #tpu.memory_space<vmem>> -> memref<1x1x2x64xi32, #tpu.memory_space<vmem>>
        %dma_start3A_530 = tpu.memref_squeeze %dma_start3A_529 : memref<1x1x2x64xi32, #tpu.memory_space<vmem>> -> memref<2x64xi32, #tpu.memory_space<vmem>>
        %dma_start3A_531 = arith.constant 0 : i32
        %dma_start3A_532 = arith.constant 0 : i32
        %dma_start3A_533 = tpu.memref_slice %arg4[%add3A, %add3A_515, %dma_start3A_531, %dma_start3A_532] : memref<32x40x2x64xi32, #tpu.memory_space<hbm>> -> memref<1x1x2x64xi32, #tpu.memory_space<hbm>>
        %dma_start3A_534 = tpu.memref_squeeze %dma_start3A_533 : memref<1x1x2x64xi32, #tpu.memory_space<hbm>> -> memref<2x64xi32, #tpu.memory_space<hbm>>
        tpu.enqueue_dma source(%dma_start3A_534 : memref<2x64xi32, #tpu.memory_space<hbm>>) target(%dma_start3A_530 : memref<2x64xi32, #tpu.memory_space<vmem>>) target_semaphore(%arg12 : memref<!tpu.dma_semaphore, #tpu.memory_space<semaphore_mem>>)
        %add3A_535 = arith.constant 1 : i32
        %add3A_536 = arith.addi %add3A_294, %add3A_535 : i32
        %sub3A_537 = arith.constant 1 : i32
        %sub3A_538 = arith.subi %sub3A_537, %select_n3A_310 : i32
        %dma_start3A_539 = arith.constant 1 : i32
        %dma_start3A_540 = arith.constant 0 : i32
        %dma_start3A_541 = arith.constant 0 : i32
        %dma_start3A_542 = tpu.memref_slice %arg8[%sub3A_538, %dma_start3A_539, %dma_start3A_540, %dma_start3A_541] : memref<2x2x2x64xi32, #tpu.memory_space<vmem>> -> memref<1x1x2x64xi32, #tpu.memory_space<vmem>>
        %dma_start3A_543 = tpu.memref_squeeze %dma_start3A_542 : memref<1x1x2x64xi32, #tpu.memory_space<vmem>> -> memref<2x64xi32, #tpu.memory_space<vmem>>
        %dma_start3A_544 = arith.constant 0 : i32
        %dma_start3A_545 = arith.constant 0 : i32
        %dma_start3A_546 = tpu.memref_slice %arg5[%add3A, %add3A_536, %dma_start3A_544, %dma_start3A_545] : memref<32x40x2x64xi32, #tpu.memory_space<hbm>> -> memref<1x1x2x64xi32, #tpu.memory_space<hbm>>
        %dma_start3A_547 = tpu.memref_squeeze %dma_start3A_546 : memref<1x1x2x64xi32, #tpu.memory_space<hbm>> -> memref<2x64xi32, #tpu.memory_space<hbm>>
        %dma_start3A_548 = arith.constant 0 : i32
        %dma_start3A_549 = arith.constant 0 : i32
        %dma_start3A_550 = tpu.memref_slice %arg8[%sub3A_538, %dma_start3A_539, %dma_start3A_548, %dma_start3A_549] : memref<2x2x2x64xi32, #tpu.memory_space<vmem>> -> memref<1x1x2x64xi32, #tpu.memory_space<vmem>>
        %dma_start3A_551 = tpu.memref_squeeze %dma_start3A_550 : memref<1x1x2x64xi32, #tpu.memory_space<vmem>> -> memref<2x64xi32, #tpu.memory_space<vmem>>
        %dma_start3A_552 = arith.constant 0 : i32
        %dma_start3A_553 = arith.constant 0 : i32
        %dma_start3A_554 = tpu.memref_slice %arg5[%add3A, %add3A_536, %dma_start3A_552, %dma_start3A_553] : memref<32x40x2x64xi32, #tpu.memory_space<hbm>> -> memref<1x1x2x64xi32, #tpu.memory_space<hbm>>
        %dma_start3A_555 = tpu.memref_squeeze %dma_start3A_554 : memref<1x1x2x64xi32, #tpu.memory_space<hbm>> -> memref<2x64xi32, #tpu.memory_space<hbm>>
        tpu.enqueue_dma source(%dma_start3A_555 : memref<2x64xi32, #tpu.memory_space<hbm>>) target(%dma_start3A_551 : memref<2x64xi32, #tpu.memory_space<vmem>>) target_semaphore(%arg12 : memref<!tpu.dma_semaphore, #tpu.memory_space<semaphore_mem>>)
      } else {
      }
      %dma_wait3A = arith.constant 0 : i32
      %dma_wait3A_319 = arith.constant 0 : i32
      %dma_wait3A_320 = arith.constant 0 : i32
      %dma_wait3A_321 = tpu.memref_slice %arg10[%dma_wait3A, %dma_wait3A_319, %dma_wait3A_320] : memref<2x64x128xf32, #tpu.memory_space<vmem>> -> memref<1x64x128xf32, #tpu.memory_space<vmem>>
      %dma_wait3A_322 = tpu.memref_squeeze %dma_wait3A_321 : memref<1x64x128xf32, #tpu.memory_space<vmem>> -> memref<64x128xf32, #tpu.memory_space<vmem>>
      %dma_wait3A_323 = arith.constant 0 : i32
      %dma_wait3A_324 = arith.constant 0 : i32
      %dma_wait3A_325 = tpu.memref_slice %arg3[%dma_wait3A_323, %dma_wait3A_324] : memref<40960x512xf32, #tpu.memory_space<hbm>> -> memref<64x128xf32, #tpu.memory_space<hbm>>
      %dma_wait3A_326 = arith.constant 0 : i32
      %dma_wait3A_327 = arith.constant 0 : i32
      %dma_wait3A_328 = tpu.memref_slice %arg10[%dma_wait3A, %dma_wait3A_326, %dma_wait3A_327] : memref<2x64x128xf32, #tpu.memory_space<vmem>> -> memref<1x64x128xf32, #tpu.memory_space<vmem>>
      %dma_wait3A_329 = tpu.memref_squeeze %dma_wait3A_328 : memref<1x64x128xf32, #tpu.memory_space<vmem>> -> memref<64x128xf32, #tpu.memory_space<vmem>>
      %dma_wait3A_330 = arith.constant 0 : i32
      %dma_wait3A_331 = arith.constant 0 : i32
      %dma_wait3A_332 = tpu.memref_slice %arg3[%dma_wait3A_330, %dma_wait3A_331] : memref<40960x512xf32, #tpu.memory_space<hbm>> -> memref<64x128xf32, #tpu.memory_space<hbm>>
      tpu.wait_dma2 semaphore(%arg15 : memref<!tpu.dma_semaphore, #tpu.memory_space<semaphore_mem>>) src(%dma_wait3A_332 : memref<64x128xf32, #tpu.memory_space<hbm>>) dst(%dma_wait3A_329 : memref<64x128xf32, #tpu.memory_space<vmem>>)
      %dma_wait3A_333 = arith.constant 0 : i32
      %dma_wait3A_334 = arith.constant 0 : i32
      %dma_wait3A_335 = arith.constant 0 : i32
      %dma_wait3A_336 = arith.constant 0 : i32
      %dma_wait3A_337 = arith.constant 0 : i32
      %dma_wait3A_338 = arith.constant 0 : i32
      %dma_wait3A_339 = tpu.memref_slice %arg9[%dma_wait3A_336, %dma_wait3A_337, %dma_wait3A_338] : memref<2x64x128xf32, #tpu.memory_space<vmem>> -> memref<1x64x128xf32, #tpu.memory_space<vmem>>
      %dma_wait3A_340 = tpu.memref_squeeze %dma_wait3A_339 : memref<1x64x128xf32, #tpu.memory_space<vmem>> -> memref<64x128xf32, #tpu.memory_space<vmem>>
      %dma_wait3A_341 = arith.constant 0 : i32
      %dma_wait3A_342 = tpu.memref_slice %arg8[%dma_wait3A_333, %dma_wait3A_334, %dma_wait3A_335, %dma_wait3A_341] : memref<2x2x2x64xi32, #tpu.memory_space<vmem>> -> memref<1x1x1x64xi32, #tpu.memory_space<vmem>>
      %dma_wait3A_343 = tpu.memref_squeeze %dma_wait3A_342 : memref<1x1x1x64xi32, #tpu.memory_space<vmem>> -> memref<64xi32, #tpu.memory_space<vmem>>
      %dma_wait3A_344 = arith.constant 0 : i32
      %dma_wait3A_345 = arith.constant 0 : i32
      %dma_wait3A_346 = tpu.memref_slice %arg2[%dma_wait3A_344, %dma_wait3A_345] : memref<10000x128xf32, #tpu.memory_space<hbm>> -> memref<10000x128xf32, #tpu.memory_space<hbm>>
      tpu.wait_indirect_dma semaphore(%arg13 : memref<!tpu.dma_semaphore, #tpu.memory_space<semaphore_mem>>) src(%dma_wait3A_346 : memref<10000x128xf32, #tpu.memory_space<hbm>>) dst(%dma_wait3A_340 : memref<64x128xf32, #tpu.memory_space<vmem>>)
      %scan3A_347 = arith.constant 0 : i32
      %scan3A_348 = arith.constant 64 : i32
      %scan3A_349 = arith.addi %scan3A_347, %scan3A_348 : i32
      %scan3A_350 = arith.constant 1 : i32
      scf.for %scan3A_514 = %scan3A_347 to %scan3A_349 step %scan3A_350  : i32 {
        %mul3A_515 = arith.constant 1 : i32
        %mul3A_516 = arith.muli %scan3A_514, %mul3A_515 : i32
        %add3A_517 = arith.constant 0 : i32
        %add3A_518 = arith.addi %add3A_517, %mul3A_516 : i32
        %get3A = arith.constant 0 : i32
        %get3A_519 = arith.index_cast %get3A : i32 to index
        %get3A_520 = arith.index_cast %add3A_518 : i32 to index
        %get3A_521 = arith.constant 0 : index
        %get3A_522 = tpu.vector_load %arg9[%get3A_519, %get3A_520, %get3A_521] {strides = array<i32>} : memref<2x64x128xf32, #tpu.memory_space<vmem>>, vector<1x1x16xf32>,
        %get3A_523 = vector.shape_cast %get3A_522 : vector<1x1x16xf32> to vector<16xf32>
        %get3A_524 = arith.constant 0 : i32
        %get3A_525 = arith.index_cast %get3A_524 : i32 to index
        %get3A_526 = arith.index_cast %add3A_518 : i32 to index
        %get3A_527 = arith.constant 0 : index
        %get3A_528 = tpu.vector_load %arg10[%get3A_525, %get3A_526, %get3A_527] {strides = array<i32>} : memref<2x64x128xf32, #tpu.memory_space<vmem>>, vector<1x1x16xf32>,
        %get3A_529 = vector.shape_cast %get3A_528 : vector<1x1x16xf32> to vector<16xf32>
        %mul3A_530 = arith.mulf %get3A_523, %get3A_529 : vector<16xf32>
        %swap3A = arith.constant 0 : i32
        %swap3A_531 = arith.index_cast %swap3A : i32 to index
        %swap3A_532 = arith.index_cast %add3A_518 : i32 to index
        %swap3A_533 = arith.constant 0 : index
        %swap3A_534 = tpu.vector_load %arg9[%swap3A_531, %swap3A_532, %swap3A_533] {strides = array<i32>} : memref<2x64x128xf32, #tpu.memory_space<vmem>>, vector<1x1x16xf32>,
        %swap3A_535 = vector.shape_cast %swap3A_534 : vector<1x1x16xf32> to vector<16xf32>
        %swap3A_536 = vector.shape_cast %mul3A_530 : vector<16xf32> to vector<1x1x16xf32>
        tpu.vector_store %arg9[%swap3A_531, %swap3A_532, %swap3A_533], %swap3A_536 {strides = array<i32>} : memref<2x64x128xf32, #tpu.memory_space<vmem>>, vector<1x1x16xf32>,
        %get3A_537 = arith.constant 0 : i32
        %get3A_538 = arith.index_cast %get3A_537 : i32 to index
        %get3A_539 = arith.index_cast %add3A_518 : i32 to index
        %get3A_540 = arith.constant 16 : index
        %get3A_541 = tpu.vector_load %arg9[%get3A_538, %get3A_539, %get3A_540] {strides = array<i32>} : memref<2x64x128xf32, #tpu.memory_space<vmem>>, vector<1x1x16xf32>,
        %get3A_542 = vector.shape_cast %get3A_541 : vector<1x1x16xf32> to vector<16xf32>
        %get3A_543 = arith.constant 0 : i32
        %get3A_544 = arith.index_cast %get3A_543 : i32 to index
        %get3A_545 = arith.index_cast %add3A_518 : i32 to index
        %get3A_546 = arith.constant 16 : index
        %get3A_547 = tpu.vector_load %arg10[%get3A_544, %get3A_545, %get3A_546] {strides = array<i32>} : memref<2x64x128xf32, #tpu.memory_space<vmem>>, vector<1x1x16xf32>,
        %get3A_548 = vector.shape_cast %get3A_547 : vector<1x1x16xf32> to vector<16xf32>
        %mul3A_549 = arith.mulf %get3A_542, %get3A_548 : vector<16xf32>
        %swap3A_550 = arith.constant 0 : i32
        %swap3A_551 = arith.index_cast %swap3A_550 : i32 to index
        %swap3A_552 = arith.index_cast %add3A_518 : i32 to index
        %swap3A_553 = arith.constant 16 : index
        %swap3A_554 = tpu.vector_load %arg9[%swap3A_551, %swap3A_552, %swap3A_553] {strides = array<i32>} : memref<2x64x128xf32, #tpu.memory_space<vmem>>, vector<1x1x16xf32>,
        %swap3A_555 = vector.shape_cast %swap3A_554 : vector<1x1x16xf32> to vector<16xf32>
        %swap3A_556 = vector.shape_cast %mul3A_549 : vector<16xf32> to vector<1x1x16xf32>
        tpu.vector_store %arg9[%swap3A_551, %swap3A_552, %swap3A_553], %swap3A_556 {strides = array<i32>} : memref<2x64x128xf32, #tpu.memory_space<vmem>>, vector<1x1x16xf32>,
        %get3A_557 = arith.constant 0 : i32
        %get3A_558 = arith.index_cast %get3A_557 : i32 to index
        %get3A_559 = arith.index_cast %add3A_518 : i32 to index
        %get3A_560 = arith.constant 32 : index
        %get3A_561 = tpu.vector_load %arg9[%get3A_558, %get3A_559, %get3A_560] {strides = array<i32>} : memref<2x64x128xf32, #tpu.memory_space<vmem>>, vector<1x1x16xf32>,
        %get3A_562 = vector.shape_cast %get3A_561 : vector<1x1x16xf32> to vector<16xf32>
        %get3A_563 = arith.constant 0 : i32
        %get3A_564 = arith.index_cast %get3A_563 : i32 to index
        %get3A_565 = arith.index_cast %add3A_518 : i32 to index
        %get3A_566 = arith.constant 32 : index
        %get3A_567 = tpu.vector_load %arg10[%get3A_564, %get3A_565, %get3A_566] {strides = array<i32>} : memref<2x64x128xf32, #tpu.memory_space<vmem>>, vector<1x1x16xf32>,
        %get3A_568 = vector.shape_cast %get3A_567 : vector<1x1x16xf32> to vector<16xf32>
        %mul3A_569 = arith.mulf %get3A_562, %get3A_568 : vector<16xf32>
        %swap3A_570 = arith.constant 0 : i32
        %swap3A_571 = arith.index_cast %swap3A_570 : i32 to index
        %swap3A_572 = arith.index_cast %add3A_518 : i32 to index
        %swap3A_573 = arith.constant 32 : index
        %swap3A_574 = tpu.vector_load %arg9[%swap3A_571, %swap3A_572, %swap3A_573] {strides = array<i32>} : memref<2x64x128xf32, #tpu.memory_space<vmem>>, vector<1x1x16xf32>,
        %swap3A_575 = vector.shape_cast %swap3A_574 : vector<1x1x16xf32> to vector<16xf32>
        %swap3A_576 = vector.shape_cast %mul3A_569 : vector<16xf32> to vector<1x1x16xf32>
        tpu.vector_store %arg9[%swap3A_571, %swap3A_572, %swap3A_573], %swap3A_576 {strides = array<i32>} : memref<2x64x128xf32, #tpu.memory_space<vmem>>, vector<1x1x16xf32>,
        %get3A_577 = arith.constant 0 : i32
        %get3A_578 = arith.index_cast %get3A_577 : i32 to index
        %get3A_579 = arith.index_cast %add3A_518 : i32 to index
        %get3A_580 = arith.constant 48 : index
        %get3A_581 = tpu.vector_load %arg9[%get3A_578, %get3A_579, %get3A_580] {strides = array<i32>} : memref<2x64x128xf32, #tpu.memory_space<vmem>>, vector<1x1x16xf32>,
        %get3A_582 = vector.shape_cast %get3A_581 : vector<1x1x16xf32> to vector<16xf32>
        %get3A_583 = arith.constant 0 : i32
        %get3A_584 = arith.index_cast %get3A_583 : i32 to index
        %get3A_585 = arith.index_cast %add3A_518 : i32 to index
        %get3A_586 = arith.constant 48 : index
        %get3A_587 = tpu.vector_load %arg10[%get3A_584, %get3A_585, %get3A_586] {strides = array<i32>} : memref<2x64x128xf32, #tpu.memory_space<vmem>>, vector<1x1x16xf32>,
        %get3A_588 = vector.shape_cast %get3A_587 : vector<1x1x16xf32> to vector<16xf32>
        %mul3A_589 = arith.mulf %get3A_582, %get3A_588 : vector<16xf32>
        %swap3A_590 = arith.constant 0 : i32
        %swap3A_591 = arith.index_cast %swap3A_590 : i32 to index
        %swap3A_592 = arith.index_cast %add3A_518 : i32 to index
        %swap3A_593 = arith.constant 48 : index
        %swap3A_594 = tpu.vector_load %arg9[%swap3A_591, %swap3A_592, %swap3A_593] {strides = array<i32>} : memref<2x64x128xf32, #tpu.memory_space<vmem>>, vector<1x1x16xf32>,
        %swap3A_595 = vector.shape_cast %swap3A_594 : vector<1x1x16xf32> to vector<16xf32>
        %swap3A_596 = vector.shape_cast %mul3A_589 : vector<16xf32> to vector<1x1x16xf32>
        tpu.vector_store %arg9[%swap3A_591, %swap3A_592, %swap3A_593], %swap3A_596 {strides = array<i32>} : memref<2x64x128xf32, #tpu.memory_space<vmem>>, vector<1x1x16xf32>,
        %get3A_597 = arith.constant 0 : i32
        %get3A_598 = arith.index_cast %get3A_597 : i32 to index
        %get3A_599 = arith.index_cast %add3A_518 : i32 to index
        %get3A_600 = arith.constant 64 : index
        %get3A_601 = tpu.vector_load %arg9[%get3A_598, %get3A_599, %get3A_600] {strides = array<i32>} : memref<2x64x128xf32, #tpu.memory_space<vmem>>, vector<1x1x16xf32>,
        %get3A_602 = vector.shape_cast %get3A_601 : vector<1x1x16xf32> to vector<16xf32>
        %get3A_603 = arith.constant 0 : i32
        %get3A_604 = arith.index_cast %get3A_603 : i32 to index
        %get3A_605 = arith.index_cast %add3A_518 : i32 to index
        %get3A_606 = arith.constant 64 : index
        %get3A_607 = tpu.vector_load %arg10[%get3A_604, %get3A_605, %get3A_606] {strides = array<i32>} : memref<2x64x128xf32, #tpu.memory_space<vmem>>, vector<1x1x16xf32>,
        %get3A_608 = vector.shape_cast %get3A_607 : vector<1x1x16xf32> to vector<16xf32>
        %mul3A_609 = arith.mulf %get3A_602, %get3A_608 : vector<16xf32>
        %swap3A_610 = arith.constant 0 : i32
        %swap3A_611 = arith.index_cast %swap3A_610 : i32 to index
        %swap3A_612 = arith.index_cast %add3A_518 : i32 to index
        %swap3A_613 = arith.constant 64 : index
        %swap3A_614 = tpu.vector_load %arg9[%swap3A_611, %swap3A_612, %swap3A_613] {strides = array<i32>} : memref<2x64x128xf32, #tpu.memory_space<vmem>>, vector<1x1x16xf32>,
        %swap3A_615 = vector.shape_cast %swap3A_614 : vector<1x1x16xf32> to vector<16xf32>
        %swap3A_616 = vector.shape_cast %mul3A_609 : vector<16xf32> to vector<1x1x16xf32>
        tpu.vector_store %arg9[%swap3A_611, %swap3A_612, %swap3A_613], %swap3A_616 {strides = array<i32>} : memref<2x64x128xf32, #tpu.memory_space<vmem>>, vector<1x1x16xf32>,
        %get3A_617 = arith.constant 0 : i32
        %get3A_618 = arith.index_cast %get3A_617 : i32 to index
        %get3A_619 = arith.index_cast %add3A_518 : i32 to index
        %get3A_620 = arith.constant 80 : index
        %get3A_621 = tpu.vector_load %arg9[%get3A_618, %get3A_619, %get3A_620] {strides = array<i32>} : memref<2x64x128xf32, #tpu.memory_space<vmem>>, vector<1x1x16xf32>,
        %get3A_622 = vector.shape_cast %get3A_621 : vector<1x1x16xf32> to vector<16xf32>
        %get3A_623 = arith.constant 0 : i32
        %get3A_624 = arith.index_cast %get3A_623 : i32 to index
        %get3A_625 = arith.index_cast %add3A_518 : i32 to index
        %get3A_626 = arith.constant 80 : index
        %get3A_627 = tpu.vector_load %arg10[%get3A_624, %get3A_625, %get3A_626] {strides = array<i32>} : memref<2x64x128xf32, #tpu.memory_space<vmem>>, vector<1x1x16xf32>,
        %get3A_628 = vector.shape_cast %get3A_627 : vector<1x1x16xf32> to vector<16xf32>
        %mul3A_629 = arith.mulf %get3A_622, %get3A_628 : vector<16xf32>
        %swap3A_630 = arith.constant 0 : i32
        %swap3A_631 = arith.index_cast %swap3A_630 : i32 to index
        %swap3A_632 = arith.index_cast %add3A_518 : i32 to index
        %swap3A_633 = arith.constant 80 : index
        %swap3A_634 = tpu.vector_load %arg9[%swap3A_631, %swap3A_632, %swap3A_633] {strides = array<i32>} : memref<2x64x128xf32, #tpu.memory_space<vmem>>, vector<1x1x16xf32>,
        %swap3A_635 = vector.shape_cast %swap3A_634 : vector<1x1x16xf32> to vector<16xf32>
        %swap3A_636 = vector.shape_cast %mul3A_629 : vector<16xf32> to vector<1x1x16xf32>
        tpu.vector_store %arg9[%swap3A_631, %swap3A_632, %swap3A_633], %swap3A_636 {strides = array<i32>} : memref<2x64x128xf32, #tpu.memory_space<vmem>>, vector<1x1x16xf32>,
        %get3A_637 = arith.constant 0 : i32
        %get3A_638 = arith.index_cast %get3A_637 : i32 to index
        %get3A_639 = arith.index_cast %add3A_518 : i32 to index
        %get3A_640 = arith.constant 96 : index
        %get3A_641 = tpu.vector_load %arg9[%get3A_638, %get3A_639, %get3A_640] {strides = array<i32>} : memref<2x64x128xf32, #tpu.memory_space<vmem>>, vector<1x1x16xf32>,
        %get3A_642 = vector.shape_cast %get3A_641 : vector<1x1x16xf32> to vector<16xf32>
        %get3A_643 = arith.constant 0 : i32
        %get3A_644 = arith.index_cast %get3A_643 : i32 to index
        %get3A_645 = arith.index_cast %add3A_518 : i32 to index
        %get3A_646 = arith.constant 96 : index
        %get3A_647 = tpu.vector_load %arg10[%get3A_644, %get3A_645, %get3A_646] {strides = array<i32>} : memref<2x64x128xf32, #tpu.memory_space<vmem>>, vector<1x1x16xf32>,
        %get3A_648 = vector.shape_cast %get3A_647 : vector<1x1x16xf32> to vector<16xf32>
        %mul3A_649 = arith.mulf %get3A_642, %get3A_648 : vector<16xf32>
        %swap3A_650 = arith.constant 0 : i32
        %swap3A_651 = arith.index_cast %swap3A_650 : i32 to index
        %swap3A_652 = arith.index_cast %add3A_518 : i32 to index
        %swap3A_653 = arith.constant 96 : index
        %swap3A_654 = tpu.vector_load %arg9[%swap3A_651, %swap3A_652, %swap3A_653] {strides = array<i32>} : memref<2x64x128xf32, #tpu.memory_space<vmem>>, vector<1x1x16xf32>,
        %swap3A_655 = vector.shape_cast %swap3A_654 : vector<1x1x16xf32> to vector<16xf32>
        %swap3A_656 = vector.shape_cast %mul3A_649 : vector<16xf32> to vector<1x1x16xf32>
        tpu.vector_store %arg9[%swap3A_651, %swap3A_652, %swap3A_653], %swap3A_656 {strides = array<i32>} : memref<2x64x128xf32, #tpu.memory_space<vmem>>, vector<1x1x16xf32>,
        %get3A_657 = arith.constant 0 : i32
        %get3A_658 = arith.index_cast %get3A_657 : i32 to index
        %get3A_659 = arith.index_cast %add3A_518 : i32 to index
        %get3A_660 = arith.constant 112 : index
        %get3A_661 = tpu.vector_load %arg9[%get3A_658, %get3A_659, %get3A_660] {strides = array<i32>} : memref<2x64x128xf32, #tpu.memory_space<vmem>>, vector<1x1x16xf32>,
        %get3A_662 = vector.shape_cast %get3A_661 : vector<1x1x16xf32> to vector<16xf32>
        %get3A_663 = arith.constant 0 : i32
        %get3A_664 = arith.index_cast %get3A_663 : i32 to index
        %get3A_665 = arith.index_cast %add3A_518 : i32 to index
        %get3A_666 = arith.constant 112 : index
        %get3A_667 = tpu.vector_load %arg10[%get3A_664, %get3A_665, %get3A_666] {strides = array<i32>} : memref<2x64x128xf32, #tpu.memory_space<vmem>>, vector<1x1x16xf32>,
        %get3A_668 = vector.shape_cast %get3A_667 : vector<1x1x16xf32> to vector<16xf32>
        %mul3A_669 = arith.mulf %get3A_662, %get3A_668 : vector<16xf32>
        %swap3A_670 = arith.constant 0 : i32
        %swap3A_671 = arith.index_cast %swap3A_670 : i32 to index
        %swap3A_672 = arith.index_cast %add3A_518 : i32 to index
        %swap3A_673 = arith.constant 112 : index
        %swap3A_674 = tpu.vector_load %arg9[%swap3A_671, %swap3A_672, %swap3A_673] {strides = array<i32>} : memref<2x64x128xf32, #tpu.memory_space<vmem>>, vector<1x1x16xf32>,
        %swap3A_675 = vector.shape_cast %swap3A_674 : vector<1x1x16xf32> to vector<16xf32>
        %swap3A_676 = vector.shape_cast %mul3A_669 : vector<16xf32> to vector<1x1x16xf32>
        tpu.vector_store %arg9[%swap3A_671, %swap3A_672, %swap3A_673], %swap3A_676 {strides = array<i32>} : memref<2x64x128xf32, #tpu.memory_space<vmem>>, vector<1x1x16xf32>,
      }
      %scan3A_351 = arith.constant 64 : i32
      %jit3A_352 = arith.constant 2 : i32
      %div3A_353 = arith.divsi %add3A_315, %jit3A_352 : i32
      %sign3A_354 = arith.constant 0 : i32
      %sign3A_355 = arith.cmpi sgt, %add3A_315, %sign3A_354 : i32
      %sign3A_356 = arith.extui %sign3A_355 : i1 to i32
      %sign3A_357 = arith.constant 0 : i32
      %sign3A_358 = arith.cmpi slt, %add3A_315, %sign3A_357 : i32
      %sign3A_359 = arith.extui %sign3A_358 : i1 to i32
      %sign3A_360 = arith.subi %sign3A_356, %sign3A_359 : i32
      %sign3A_361 = arith.constant 0 : i32
      %sign3A_362 = arith.cmpi sgt, %jit3A_352, %sign3A_361 : i32
      %sign3A_363 = arith.extui %sign3A_362 : i1 to i32
      %sign3A_364 = arith.constant 0 : i32
      %sign3A_365 = arith.cmpi slt, %jit3A_352, %sign3A_364 : i32
      %sign3A_366 = arith.extui %sign3A_365 : i1 to i32
      %sign3A_367 = arith.subi %sign3A_363, %sign3A_366 : i32
      %ne3A_368 = arith.cmpi ne, %sign3A_360, %sign3A_367 : i32
      %rem3A_369 = arith.remsi %add3A_315, %jit3A_352 : i32
      %ne3A_370 = arith.constant 0 : i32
      %ne3A_371 = arith.cmpi ne, %rem3A_369, %ne3A_370 : i32
      %and3A_372 = arith.andi %ne3A_368, %ne3A_371 : i1
      %sub3A_373 = arith.constant 1 : i32
      %sub3A_374 = arith.subi %div3A_353, %sub3A_373 : i32
      %select_n3A_375 = arith.select %and3A_372, %sub3A_374, %div3A_353 : i32
      %jit3A_376 = arith.constant 2 : i32
      %eq3A_377 = arith.constant 0 : i32
      %eq3A_378 = arith.cmpi eq, %jit3A_376, %eq3A_377 : i32
      %jit3A_379 = arith.constant 1 : i32
      %select_n3A_380 = arith.select %eq3A_378, %jit3A_379, %jit3A_376 : i32
      %rem3A_381 = arith.remsi %select_n3A_375, %select_n3A_380 : i32
      %ne3A_382 = arith.constant 0 : i32
      %ne3A_383 = arith.cmpi ne, %rem3A_381, %ne3A_382 : i32
      %lt3A_384 = arith.constant 0 : i32
      %lt3A_385 = arith.cmpi slt, %rem3A_381, %lt3A_384 : i32
      %lt3A_386 = arith.constant 0 : i32
      %lt3A_387 = arith.cmpi slt, %select_n3A_380, %lt3A_386 : i32
      %ne3A_388 = arith.xori %lt3A_385, %lt3A_387 : i1
      %and3A_389 = arith.andi %ne3A_388, %ne3A_383 : i1
      %add3A_390 = arith.addi %rem3A_381, %select_n3A_380 : i32
      %select_n3A_391 = arith.select %and3A_389, %add3A_390, %rem3A_381 : i32
      %jit3A_392 = arith.constant 2 : i32
      %eq3A_393 = arith.constant 0 : i32
      %eq3A_394 = arith.cmpi eq, %jit3A_392, %eq3A_393 : i32
      %jit3A_395 = arith.constant 1 : i32
      %select_n3A_396 = arith.select %eq3A_394, %jit3A_395, %jit3A_392 : i32
      %rem3A_397 = arith.remsi %add3A_315, %select_n3A_396 : i32
      %ne3A_398 = arith.constant 0 : i32
      %ne3A_399 = arith.cmpi ne, %rem3A_397, %ne3A_398 : i32
      %lt3A_400 = arith.constant 0 : i32
      %lt3A_401 = arith.cmpi slt, %rem3A_397, %lt3A_400 : i32
      %lt3A_402 = arith.constant 0 : i32
      %lt3A_403 = arith.cmpi slt, %select_n3A_396, %lt3A_402 : i32
      %ne3A_404 = arith.xori %lt3A_401, %lt3A_403 : i1
      %and3A_405 = arith.andi %ne3A_404, %ne3A_399 : i1
      %add3A_406 = arith.addi %rem3A_397, %select_n3A_396 : i32
      %select_n3A_407 = arith.select %and3A_405, %add3A_406, %rem3A_397 : i32
      %run_scoped3A_408 = arith.constant 0 : i32
      %run_scoped3A_409 = arith.constant 1 : i32
      "tpu.region"() ({
        %run_scoped3A_514 = tpu.sem_alloc : memref<!tpu.dma_semaphore, #tpu.memory_space<semaphore_mem>>
        %dma_start3A_515 = arith.constant 0 : i32
        %dma_start3A_516 = arith.constant 0 : i32
        %dma_start3A_517 = tpu.memref_slice %arg9[%run_scoped3A_408, %dma_start3A_515, %dma_start3A_516] : memref<2x64x128xf32, #tpu.memory_space<vmem>> -> memref<1x64x128xf32, #tpu.memory_space<vmem>>
        %dma_start3A_518 = tpu.memref_squeeze %dma_start3A_517 : memref<1x64x128xf32, #tpu.memory_space<vmem>> -> memref<64x128xf32, #tpu.memory_space<vmem>>
        %dma_start3A_519 = arith.constant 0 : i32
        %dma_start3A_520 = tpu.memref_slice %arg8[%select_n3A_391, %run_scoped3A_409, %select_n3A_407, %dma_start3A_519] : memref<2x2x2x64xi32, #tpu.memory_space<vmem>> -> memref<1x1x1x64xi32, #tpu.memory_space<vmem>>
        %dma_start3A_521 = tpu.memref_squeeze %dma_start3A_520 : memref<1x1x1x64xi32, #tpu.memory_space<vmem>> -> memref<64xi32, #tpu.memory_space<vmem>>
        %dma_start3A_522 = arith.constant 0 : i32
        %dma_start3A_523 = arith.constant 0 : i32
        %dma_start3A_524 = tpu.memref_slice %arg11[%dma_start3A_522, %dma_start3A_523] : memref<10240x128xf32, #tpu.memory_space<vmem_shared>> -> memref<10240x128xf32, #tpu.memory_space<vmem_shared>>
        tpu.enqueue_indirect_dma source(%dma_start3A_518 : memref<64x128xf32, #tpu.memory_space<vmem>>) target(%dma_start3A_524 : memref<10240x128xf32, #tpu.memory_space<vmem_shared>>) offsets(%dma_start3A_521 : memref<64xi32, #tpu.memory_space<vmem>>) semaphore(%run_scoped3A_514 : memref<!tpu.dma_semaphore, #tpu.memory_space<semaphore_mem>>) {add = true}
        %dma_wait3A_525 = arith.constant 0 : i32
        %dma_wait3A_526 = arith.constant 0 : i32
        %dma_wait3A_527 = tpu.memref_slice %arg9[%run_scoped3A_408, %dma_wait3A_525, %dma_wait3A_526] : memref<2x64x128xf32, #tpu.memory_space<vmem>> -> memref<1x64x128xf32, #tpu.memory_space<vmem>>
        %dma_wait3A_528 = tpu.memref_squeeze %dma_wait3A_527 : memref<1x64x128xf32, #tpu.memory_space<vmem>> -> memref<64x128xf32, #tpu.memory_space<vmem>>
        %dma_wait3A_529 = arith.constant 0 : i32
        %dma_wait3A_530 = tpu.memref_slice %arg8[%select_n3A_391, %run_scoped3A_409, %select_n3A_407, %dma_wait3A_529] : memref<2x2x2x64xi32, #tpu.memory_space<vmem>> -> memref<1x1x1x64xi32, #tpu.memory_space<vmem>>
        %dma_wait3A_531 = tpu.memref_squeeze %dma_wait3A_530 : memref<1x1x1x64xi32, #tpu.memory_space<vmem>> -> memref<64xi32, #tpu.memory_space<vmem>>
        %dma_wait3A_532 = arith.constant 0 : i32
        %dma_wait3A_533 = arith.constant 0 : i32
        %dma_wait3A_534 = tpu.memref_slice %arg11[%dma_wait3A_532, %dma_wait3A_533] : memref<10240x128xf32, #tpu.memory_space<vmem_shared>> -> memref<10240x128xf32, #tpu.memory_space<vmem_shared>>
        tpu.wait_indirect_dma semaphore(%run_scoped3A_514 : memref<!tpu.dma_semaphore, #tpu.memory_space<semaphore_mem>>) src(%dma_wait3A_528 : memref<64x128xf32, #tpu.memory_space<vmem>>) dst(%dma_wait3A_534 : memref<10240x128xf32, #tpu.memory_space<vmem_shared>>)
        tpu.yield
      }) : () -> ()
      %lt3A_410 = arith.constant 39 : i32
      %lt3A_411 = arith.cmpi slt, %add3A_294, %lt3A_410 : i32
      %convert_element_type3A_412 = arith.extui %lt3A_411 : i1 to i32
      %cond3A_413 = arith.constant 0 : i32
      %cond3A_414 = arith.cmpi ne, %convert_element_type3A_412, %cond3A_413 : i32
      scf.if %cond3A_414 {
        %dma_wait3A_514 = arith.constant 0 : i32
        %dma_wait3A_515 = arith.constant 0 : i32
        %dma_wait3A_516 = arith.constant 0 : i32
        %dma_wait3A_517 = arith.constant 0 : i32
        %dma_wait3A_518 = arith.constant 0 : i32
        %dma_wait3A_519 = tpu.memref_slice %arg8[%dma_wait3A_515, %dma_wait3A_516, %dma_wait3A_517, %dma_wait3A_518] : memref<2x2x2x64xi32, #tpu.memory_space<vmem>> -> memref<1x1x2x64xi32, #tpu.memory_space<vmem>>
        %dma_wait3A_520 = tpu.memref_squeeze %dma_wait3A_519 : memref<1x1x2x64xi32, #tpu.memory_space<vmem>> -> memref<2x64xi32, #tpu.memory_space<vmem>>
        %dma_wait3A_521 = arith.constant 0 : i32
        %dma_wait3A_522 = arith.constant 0 : i32
        %dma_wait3A_523 = tpu.memref_slice %arg4[%add3A, %dma_wait3A_514, %dma_wait3A_521, %dma_wait3A_522] : memref<32x40x2x64xi32, #tpu.memory_space<hbm>> -> memref<1x1x2x64xi32, #tpu.memory_space<hbm>>
        %dma_wait3A_524 = tpu.memref_squeeze %dma_wait3A_523 : memref<1x1x2x64xi32, #tpu.memory_space<hbm>> -> memref<2x64xi32, #tpu.memory_space<hbm>>
        %dma_wait3A_525 = arith.constant 0 : i32
        %dma_wait3A_526 = arith.constant 0 : i32
        %dma_wait3A_527 = tpu.memref_slice %arg8[%dma_wait3A_515, %dma_wait3A_516, %dma_wait3A_525, %dma_wait3A_526] : memref<2x2x2x64xi32, #tpu.memory_space<vmem>> -> memref<1x1x2x64xi32, #tpu.memory_space<vmem>>
        %dma_wait3A_528 = tpu.memref_squeeze %dma_wait3A_527 : memref<1x1x2x64xi32, #tpu.memory_space<vmem>> -> memref<2x64xi32, #tpu.memory_space<vmem>>
        %dma_wait3A_529 = arith.constant 0 : i32
        %dma_wait3A_530 = arith.constant 0 : i32
        %dma_wait3A_531 = tpu.memref_slice %arg4[%add3A, %dma_wait3A_514, %dma_wait3A_529, %dma_wait3A_530] : memref<32x40x2x64xi32, #tpu.memory_space<hbm>> -> memref<1x1x2x64xi32, #tpu.memory_space<hbm>>
        %dma_wait3A_532 = tpu.memref_squeeze %dma_wait3A_531 : memref<1x1x2x64xi32, #tpu.memory_space<hbm>> -> memref<2x64xi32, #tpu.memory_space<hbm>>
        tpu.wait_dma2 semaphore(%arg12 : memref<!tpu.dma_semaphore, #tpu.memory_space<semaphore_mem>>) src(%dma_wait3A_532 : memref<2x64xi32, #tpu.memory_space<hbm>>) dst(%dma_wait3A_528 : memref<2x64xi32, #tpu.memory_space<vmem>>)
        %dma_wait3A_533 = arith.constant 0 : i32
        %dma_wait3A_534 = arith.constant 0 : i32
        %dma_wait3A_535 = arith.constant 1 : i32
        %dma_wait3A_536 = arith.constant 0 : i32
        %dma_wait3A_537 = arith.constant 0 : i32
        %dma_wait3A_538 = tpu.memref_slice %arg8[%dma_wait3A_534, %dma_wait3A_535, %dma_wait3A_536, %dma_wait3A_537] : memref<2x2x2x64xi32, #tpu.memory_space<vmem>> -> memref<1x1x2x64xi32, #tpu.memory_space<vmem>>
        %dma_wait3A_539 = tpu.memref_squeeze %dma_wait3A_538 : memref<1x1x2x64xi32, #tpu.memory_space<vmem>> -> memref<2x64xi32, #tpu.memory_space<vmem>>
        %dma_wait3A_540 = arith.constant 0 : i32
        %dma_wait3A_541 = arith.constant 0 : i32
        %dma_wait3A_542 = tpu.memref_slice %arg5[%add3A, %dma_wait3A_533, %dma_wait3A_540, %dma_wait3A_541] : memref<32x40x2x64xi32, #tpu.memory_space<hbm>> -> memref<1x1x2x64xi32, #tpu.memory_space<hbm>>
        %dma_wait3A_543 = tpu.memref_squeeze %dma_wait3A_542 : memref<1x1x2x64xi32, #tpu.memory_space<hbm>> -> memref<2x64xi32, #tpu.memory_space<hbm>>
        %dma_wait3A_544 = arith.constant 0 : i32
        %dma_wait3A_545 = arith.constant 0 : i32
        %dma_wait3A_546 = tpu.memref_slice %arg8[%dma_wait3A_534, %dma_wait3A_535, %dma_wait3A_544, %dma_wait3A_545] : memref<2x2x2x64xi32, #tpu.memory_space<vmem>> -> memref<1x1x2x64xi32, #tpu.memory_space<vmem>>
        %dma_wait3A_547 = tpu.memref_squeeze %dma_wait3A_546 : memref<1x1x2x64xi32, #tpu.memory_space<vmem>> -> memref<2x64xi32, #tpu.memory_space<vmem>>
        %dma_wait3A_548 = arith.constant 0 : i32
        %dma_wait3A_549 = arith.constant 0 : i32
        %dma_wait3A_550 = tpu.memref_slice %arg5[%add3A, %dma_wait3A_533, %dma_wait3A_548, %dma_wait3A_549] : memref<32x40x2x64xi32, #tpu.memory_space<hbm>> -> memref<1x1x2x64xi32, #tpu.memory_space<hbm>>
        %dma_wait3A_551 = tpu.memref_squeeze %dma_wait3A_550 : memref<1x1x2x64xi32, #tpu.memory_space<hbm>> -> memref<2x64xi32, #tpu.memory_space<hbm>>
        tpu.wait_dma2 semaphore(%arg12 : memref<!tpu.dma_semaphore, #tpu.memory_space<semaphore_mem>>) src(%dma_wait3A_551 : memref<2x64xi32, #tpu.memory_space<hbm>>) dst(%dma_wait3A_547 : memref<2x64xi32, #tpu.memory_space<vmem>>)
        %add3A_552 = arith.constant 2 : i32
        %add3A_553 = arith.addi %add3A_315, %add3A_552 : i32
        %jit3A_554 = arith.constant 40 : i32
        %div3A_555 = arith.divsi %add3A_553, %jit3A_554 : i32
        %sign3A_556 = arith.constant 0 : i32
        %sign3A_557 = arith.cmpi sgt, %add3A_553, %sign3A_556 : i32
        %sign3A_558 = arith.extui %sign3A_557 : i1 to i32
        %sign3A_559 = arith.constant 0 : i32
        %sign3A_560 = arith.cmpi slt, %add3A_553, %sign3A_559 : i32
        %sign3A_561 = arith.extui %sign3A_560 : i1 to i32
        %sign3A_562 = arith.subi %sign3A_558, %sign3A_561 : i32
        %sign3A_563 = arith.constant 0 : i32
        %sign3A_564 = arith.cmpi sgt, %jit3A_554, %sign3A_563 : i32
        %sign3A_565 = arith.extui %sign3A_564 : i1 to i32
        %sign3A_566 = arith.constant 0 : i32
        %sign3A_567 = arith.cmpi slt, %jit3A_554, %sign3A_566 : i32
        %sign3A_568 = arith.extui %sign3A_567 : i1 to i32
        %sign3A_569 = arith.subi %sign3A_565, %sign3A_568 : i32
        %ne3A_570 = arith.cmpi ne, %sign3A_562, %sign3A_569 : i32
        %rem3A_571 = arith.remsi %add3A_553, %jit3A_554 : i32
        %ne3A_572 = arith.constant 0 : i32
        %ne3A_573 = arith.cmpi ne, %rem3A_571, %ne3A_572 : i32
        %and3A_574 = arith.andi %ne3A_570, %ne3A_573 : i1
        %sub3A_575 = arith.constant 1 : i32
        %sub3A_576 = arith.subi %div3A_555, %sub3A_575 : i32
        %select_n3A_577 = arith.select %and3A_574, %sub3A_576, %div3A_555 : i32
        %mul3A_578 = arith.constant 40 : i32
        %mul3A_579 = arith.muli %select_n3A_577, %mul3A_578 : i32
        %sub3A_580 = arith.subi %add3A_553, %mul3A_579 : i32
        %jit3A_581 = arith.constant 10 : i32
        %div3A_582 = arith.divsi %sub3A_580, %jit3A_581 : i32
        %sign3A_583 = arith.constant 0 : i32
        %sign3A_584 = arith.cmpi sgt, %sub3A_580, %sign3A_583 : i32
        %sign3A_585 = arith.extui %sign3A_584 : i1 to i32
        %sign3A_586 = arith.constant 0 : i32
        %sign3A_587 = arith.cmpi slt, %sub3A_580, %sign3A_586 : i32
        %sign3A_588 = arith.extui %sign3A_587 : i1 to i32
        %sign3A_589 = arith.subi %sign3A_585, %sign3A_588 : i32
        %sign3A_590 = arith.constant 0 : i32
        %sign3A_591 = arith.cmpi sgt, %jit3A_581, %sign3A_590 : i32
        %sign3A_592 = arith.extui %sign3A_591 : i1 to i32
        %sign3A_593 = arith.constant 0 : i32
        %sign3A_594 = arith.cmpi slt, %jit3A_581, %sign3A_593 : i32
        %sign3A_595 = arith.extui %sign3A_594 : i1 to i32
        %sign3A_596 = arith.subi %sign3A_592, %sign3A_595 : i32
        %ne3A_597 = arith.cmpi ne, %sign3A_589, %sign3A_596 : i32
        %rem3A_598 = arith.remsi %sub3A_580, %jit3A_581 : i32
        %ne3A_599 = arith.constant 0 : i32
        %ne3A_600 = arith.cmpi ne, %rem3A_598, %ne3A_599 : i32
        %and3A_601 = arith.andi %ne3A_597, %ne3A_600 : i1
        %sub3A_602 = arith.constant 1 : i32
        %sub3A_603 = arith.subi %div3A_582, %sub3A_602 : i32
        %select_n3A_604 = arith.select %and3A_601, %sub3A_603, %div3A_582 : i32
        %mul3A_605 = arith.constant 10 : i32
        %mul3A_606 = arith.muli %select_n3A_604, %mul3A_605 : i32
        %sub3A_607 = arith.subi %sub3A_580, %mul3A_606 : i32
        %mul3A_608 = arith.constant 640 : i32
        %mul3A_609 = arith.muli %select_n3A_577, %mul3A_608 : i32
        %mul3A_610 = arith.constant 64 : i32
        %mul3A_611 = arith.muli %sub3A_607, %mul3A_610 : i32
        %add3A_612 = arith.addi %mul3A_609, %mul3A_611 : i32
        %mul3A_613 = arith.constant 128 : i32
        %mul3A_614 = arith.muli %select_n3A_604, %mul3A_613 : i32
        %dma_start3A_615 = arith.constant 0 : i32
        %dma_start3A_616 = arith.constant 0 : i32
        %dma_start3A_617 = arith.constant 0 : i32
        %dma_start3A_618 = tpu.memref_slice %arg10[%dma_start3A_615, %dma_start3A_616, %dma_start3A_617] : memref<2x64x128xf32, #tpu.memory_space<vmem>> -> memref<1x64x128xf32, #tpu.memory_space<vmem>>
        %dma_start3A_619 = tpu.memref_squeeze %dma_start3A_618 : memref<1x64x128xf32, #tpu.memory_space<vmem>> -> memref<64x128xf32, #tpu.memory_space<vmem>>
        %dma_start3A_620 = tpu.memref_slice %arg3[%add3A_612, %mul3A_614] : memref<40960x512xf32, #tpu.memory_space<hbm>> -> memref<64x128xf32, #tpu.memory_space<hbm>>
        %dma_start3A_621 = arith.constant 0 : i32
        %dma_start3A_622 = arith.constant 0 : i32
        %dma_start3A_623 = tpu.memref_slice %arg10[%dma_start3A_615, %dma_start3A_621, %dma_start3A_622] : memref<2x64x128xf32, #tpu.memory_space<vmem>> -> memref<1x64x128xf32, #tpu.memory_space<vmem>>
        %dma_start3A_624 = tpu.memref_squeeze %dma_start3A_623 : memref<1x64x128xf32, #tpu.memory_space<vmem>> -> memref<64x128xf32, #tpu.memory_space<vmem>>
        %dma_start3A_625 = tpu.memref_slice %arg3[%add3A_612, %mul3A_614] : memref<40960x512xf32, #tpu.memory_space<hbm>> -> memref<64x128xf32, #tpu.memory_space<hbm>>
        tpu.enqueue_dma source(%dma_start3A_625 : memref<64x128xf32, #tpu.memory_space<hbm>>) target(%dma_start3A_624 : memref<64x128xf32, #tpu.memory_space<vmem>>) target_semaphore(%arg15 : memref<!tpu.dma_semaphore, #tpu.memory_space<semaphore_mem>>)
        %jit3A_626 = arith.constant 2 : i32
        %div3A_627 = arith.divsi %add3A_553, %jit3A_626 : i32
        %sign3A_628 = arith.constant 0 : i32
        %sign3A_629 = arith.cmpi sgt, %add3A_553, %sign3A_628 : i32
        %sign3A_630 = arith.extui %sign3A_629 : i1 to i32
        %sign3A_631 = arith.constant 0 : i32
        %sign3A_632 = arith.cmpi slt, %add3A_553, %sign3A_631 : i32
        %sign3A_633 = arith.extui %sign3A_632 : i1 to i32
        %sign3A_634 = arith.subi %sign3A_630, %sign3A_633 : i32
        %sign3A_635 = arith.constant 0 : i32
        %sign3A_636 = arith.cmpi sgt, %jit3A_626, %sign3A_635 : i32
        %sign3A_637 = arith.extui %sign3A_636 : i1 to i32
        %sign3A_638 = arith.constant 0 : i32
        %sign3A_639 = arith.cmpi slt, %jit3A_626, %sign3A_638 : i32
        %sign3A_640 = arith.extui %sign3A_639 : i1 to i32
        %sign3A_641 = arith.subi %sign3A_637, %sign3A_640 : i32
        %ne3A_642 = arith.cmpi ne, %sign3A_634, %sign3A_641 : i32
        %rem3A_643 = arith.remsi %add3A_553, %jit3A_626 : i32
        %ne3A_644 = arith.constant 0 : i32
        %ne3A_645 = arith.cmpi ne, %rem3A_643, %ne3A_644 : i32
        %and3A_646 = arith.andi %ne3A_642, %ne3A_645 : i1
        %sub3A_647 = arith.constant 1 : i32
        %sub3A_648 = arith.subi %div3A_627, %sub3A_647 : i32
        %select_n3A_649 = arith.select %and3A_646, %sub3A_648, %div3A_627 : i32
        %jit3A_650 = arith.constant 2 : i32
        %eq3A_651 = arith.constant 0 : i32
        %eq3A_652 = arith.cmpi eq, %jit3A_650, %eq3A_651 : i32
        %jit3A_653 = arith.constant 1 : i32
        %select_n3A_654 = arith.select %eq3A_652, %jit3A_653, %jit3A_650 : i32
        %rem3A_655 = arith.remsi %select_n3A_649, %select_n3A_654 : i32
        %ne3A_656 = arith.constant 0 : i32
        %ne3A_657 = arith.cmpi ne, %rem3A_655, %ne3A_656 : i32
        %lt3A_658 = arith.constant 0 : i32
        %lt3A_659 = arith.cmpi slt, %rem3A_655, %lt3A_658 : i32
        %lt3A_660 = arith.constant 0 : i32
        %lt3A_661 = arith.cmpi slt, %select_n3A_654, %lt3A_660 : i32
        %ne3A_662 = arith.xori %lt3A_659, %lt3A_661 : i1
        %and3A_663 = arith.andi %ne3A_662, %ne3A_657 : i1
        %add3A_664 = arith.addi %rem3A_655, %select_n3A_654 : i32
        %select_n3A_665 = arith.select %and3A_663, %add3A_664, %rem3A_655 : i32
        %jit3A_666 = arith.constant 2 : i32
        %eq3A_667 = arith.constant 0 : i32
        %eq3A_668 = arith.cmpi eq, %jit3A_666, %eq3A_667 : i32
        %jit3A_669 = arith.constant 1 : i32
        %select_n3A_670 = arith.select %eq3A_668, %jit3A_669, %jit3A_666 : i32
        %rem3A_671 = arith.remsi %add3A_553, %select_n3A_670 : i32
        %ne3A_672 = arith.constant 0 : i32
        %ne3A_673 = arith.cmpi ne, %rem3A_671, %ne3A_672 : i32
        %lt3A_674 = arith.constant 0 : i32
        %lt3A_675 = arith.cmpi slt, %rem3A_671, %lt3A_674 : i32
        %lt3A_676 = arith.constant 0 : i32
        %lt3A_677 = arith.cmpi slt, %select_n3A_670, %lt3A_676 : i32
        %ne3A_678 = arith.xori %lt3A_675, %lt3A_677 : i1
        %and3A_679 = arith.andi %ne3A_678, %ne3A_673 : i1
        %add3A_680 = arith.addi %rem3A_671, %select_n3A_670 : i32
        %select_n3A_681 = arith.select %and3A_679, %add3A_680, %rem3A_671 : i32
        %dma_start3A_682 = arith.constant 0 : i32
        %dma_start3A_683 = arith.constant 0 : i32
        %dma_start3A_684 = arith.constant 0 : i32
        %dma_start3A_685 = arith.constant 0 : i32
        %dma_start3A_686 = tpu.memref_slice %arg9[%dma_start3A_683, %dma_start3A_684, %dma_start3A_685] : memref<2x64x128xf32, #tpu.memory_space<vmem>> -> memref<1x64x128xf32, #tpu.memory_space<vmem>>
        %dma_start3A_687 = tpu.memref_squeeze %dma_start3A_686 : memref<1x64x128xf32, #tpu.memory_space<vmem>> -> memref<64x128xf32, #tpu.memory_space<vmem>>
        %dma_start3A_688 = arith.constant 0 : i32
        %dma_start3A_689 = tpu.memref_slice %arg8[%select_n3A_665, %dma_start3A_682, %select_n3A_681, %dma_start3A_688] : memref<2x2x2x64xi32, #tpu.memory_space<vmem>> -> memref<1x1x1x64xi32, #tpu.memory_space<vmem>>
        %dma_start3A_690 = tpu.memref_squeeze %dma_start3A_689 : memref<1x1x1x64xi32, #tpu.memory_space<vmem>> -> memref<64xi32, #tpu.memory_space<vmem>>
        %dma_start3A_691 = arith.constant 0 : i32
        %dma_start3A_692 = arith.constant 0 : i32
        %dma_start3A_693 = tpu.memref_slice %arg2[%dma_start3A_691, %dma_start3A_692] : memref<10000x128xf32, #tpu.memory_space<hbm>> -> memref<10000x128xf32, #tpu.memory_space<hbm>>
        tpu.enqueue_indirect_dma source(%dma_start3A_693 : memref<10000x128xf32, #tpu.memory_space<hbm>>) target(%dma_start3A_687 : memref<64x128xf32, #tpu.memory_space<vmem>>) offsets(%dma_start3A_690 : memref<64xi32, #tpu.memory_space<vmem>>) semaphore(%arg13 : memref<!tpu.dma_semaphore, #tpu.memory_space<semaphore_mem>>)
      } else {
      }
      %add3A_415 = arith.constant 1 : i32
      %add3A_416 = arith.addi %add3A_315, %add3A_415 : i32
      %dma_wait3A_417 = arith.constant 1 : i32
      %dma_wait3A_418 = arith.constant 0 : i32
      %dma_wait3A_419 = arith.constant 0 : i32
      %dma_wait3A_420 = tpu.memref_slice %arg10[%dma_wait3A_417, %dma_wait3A_418, %dma_wait3A_419] : memref<2x64x128xf32, #tpu.memory_space<vmem>> -> memref<1x64x128xf32, #tpu.memory_space<vmem>>
      %dma_wait3A_421 = tpu.memref_squeeze %dma_wait3A_420 : memref<1x64x128xf32, #tpu.memory_space<vmem>> -> memref<64x128xf32, #tpu.memory_space<vmem>>
      %dma_wait3A_422 = arith.constant 0 : i32
      %dma_wait3A_423 = arith.constant 0 : i32
      %dma_wait3A_424 = tpu.memref_slice %arg3[%dma_wait3A_422, %dma_wait3A_423] : memref<40960x512xf32, #tpu.memory_space<hbm>> -> memref<64x128xf32, #tpu.memory_space<hbm>>
      %dma_wait3A_425 = arith.constant 0 : i32
      %dma_wait3A_426 = arith.constant 0 : i32
      %dma_wait3A_427 = tpu.memref_slice %arg10[%dma_wait3A_417, %dma_wait3A_425, %dma_wait3A_426] : memref<2x64x128xf32, #tpu.memory_space<vmem>> -> memref<1x64x128xf32, #tpu.memory_space<vmem>>
      %dma_wait3A_428 = tpu.memref_squeeze %dma_wait3A_427 : memref<1x64x128xf32, #tpu.memory_space<vmem>> -> memref<64x128xf32, #tpu.memory_space<vmem>>
      %dma_wait3A_429 = arith.constant 0 : i32
      %dma_wait3A_430 = arith.constant 0 : i32
      %dma_wait3A_431 = tpu.memref_slice %arg3[%dma_wait3A_429, %dma_wait3A_430] : memref<40960x512xf32, #tpu.memory_space<hbm>> -> memref<64x128xf32, #tpu.memory_space<hbm>>
      tpu.wait_dma2 semaphore(%arg16 : memref<!tpu.dma_semaphore, #tpu.memory_space<semaphore_mem>>) src(%dma_wait3A_431 : memref<64x128xf32, #tpu.memory_space<hbm>>) dst(%dma_wait3A_428 : memref<64x128xf32, #tpu.memory_space<vmem>>)
      %dma_wait3A_432 = arith.constant 0 : i32
      %dma_wait3A_433 = arith.constant 0 : i32
      %dma_wait3A_434 = arith.constant 0 : i32
      %dma_wait3A_435 = arith.constant 1 : i32
      %dma_wait3A_436 = arith.constant 0 : i32
      %dma_wait3A_437 = arith.constant 0 : i32
      %dma_wait3A_438 = tpu.memref_slice %arg9[%dma_wait3A_435, %dma_wait3A_436, %dma_wait3A_437] : memref<2x64x128xf32, #tpu.memory_space<vmem>> -> memref<1x64x128xf32, #tpu.memory_space<vmem>>
      %dma_wait3A_439 = tpu.memref_squeeze %dma_wait3A_438 : memref<1x64x128xf32, #tpu.memory_space<vmem>> -> memref<64x128xf32, #tpu.memory_space<vmem>>
      %dma_wait3A_440 = arith.constant 0 : i32
      %dma_wait3A_441 = tpu.memref_slice %arg8[%dma_wait3A_432, %dma_wait3A_433, %dma_wait3A_434, %dma_wait3A_440] : memref<2x2x2x64xi32, #tpu.memory_space<vmem>> -> memref<1x1x1x64xi32, #tpu.memory_space<vmem>>
      %dma_wait3A_442 = tpu.memref_squeeze %dma_wait3A_441 : memref<1x1x1x64xi32, #tpu.memory_space<vmem>> -> memref<64xi32, #tpu.memory_space<vmem>>
      %dma_wait3A_443 = arith.constant 0 : i32
      %dma_wait3A_444 = arith.constant 0 : i32
      %dma_wait3A_445 = tpu.memref_slice %arg2[%dma_wait3A_443, %dma_wait3A_444] : memref<10000x128xf32, #tpu.memory_space<hbm>> -> memref<10000x128xf32, #tpu.memory_space<hbm>>
      tpu.wait_indirect_dma semaphore(%arg14 : memref<!tpu.dma_semaphore, #tpu.memory_space<semaphore_mem>>) src(%dma_wait3A_445 : memref<10000x128xf32, #tpu.memory_space<hbm>>) dst(%dma_wait3A_439 : memref<64x128xf32, #tpu.memory_space<vmem>>)
      %scan3A_446 = arith.constant 0 : i32
      %scan3A_447 = arith.constant 64 : i32
      %scan3A_448 = arith.addi %scan3A_446, %scan3A_447 : i32
      %scan3A_449 = arith.constant 1 : i32
      scf.for %scan3A_514 = %scan3A_446 to %scan3A_448 step %scan3A_449  : i32 {
        %mul3A_515 = arith.constant 1 : i32
        %mul3A_516 = arith.muli %scan3A_514, %mul3A_515 : i32
        %add3A_517 = arith.constant 0 : i32
        %add3A_518 = arith.addi %add3A_517, %mul3A_516 : i32
        %get3A = arith.constant 1 : i32
        %get3A_519 = arith.index_cast %get3A : i32 to index
        %get3A_520 = arith.index_cast %add3A_518 : i32 to index
        %get3A_521 = arith.constant 0 : index
        %get3A_522 = tpu.vector_load %arg9[%get3A_519, %get3A_520, %get3A_521] {strides = array<i32>} : memref<2x64x128xf32, #tpu.memory_space<vmem>>, vector<1x1x16xf32>,
        %get3A_523 = vector.shape_cast %get3A_522 : vector<1x1x16xf32> to vector<16xf32>
        %get3A_524 = arith.constant 1 : i32
        %get3A_525 = arith.index_cast %get3A_524 : i32 to index
        %get3A_526 = arith.index_cast %add3A_518 : i32 to index
        %get3A_527 = arith.constant 0 : index
        %get3A_528 = tpu.vector_load %arg10[%get3A_525, %get3A_526, %get3A_527] {strides = array<i32>} : memref<2x64x128xf32, #tpu.memory_space<vmem>>, vector<1x1x16xf32>,
        %get3A_529 = vector.shape_cast %get3A_528 : vector<1x1x16xf32> to vector<16xf32>
        %mul3A_530 = arith.mulf %get3A_523, %get3A_529 : vector<16xf32>
        %swap3A = arith.constant 1 : i32
        %swap3A_531 = arith.index_cast %swap3A : i32 to index
        %swap3A_532 = arith.index_cast %add3A_518 : i32 to index
        %swap3A_533 = arith.constant 0 : index
        %swap3A_534 = tpu.vector_load %arg9[%swap3A_531, %swap3A_532, %swap3A_533] {strides = array<i32>} : memref<2x64x128xf32, #tpu.memory_space<vmem>>, vector<1x1x16xf32>,
        %swap3A_535 = vector.shape_cast %swap3A_534 : vector<1x1x16xf32> to vector<16xf32>
        %swap3A_536 = vector.shape_cast %mul3A_530 : vector<16xf32> to vector<1x1x16xf32>
        tpu.vector_store %arg9[%swap3A_531, %swap3A_532, %swap3A_533], %swap3A_536 {strides = array<i32>} : memref<2x64x128xf32, #tpu.memory_space<vmem>>, vector<1x1x16xf32>,
        %get3A_537 = arith.constant 1 : i32
        %get3A_538 = arith.index_cast %get3A_537 : i32 to index
        %get3A_539 = arith.index_cast %add3A_518 : i32 to index
        %get3A_540 = arith.constant 16 : index
        %get3A_541 = tpu.vector_load %arg9[%get3A_538, %get3A_539, %get3A_540] {strides = array<i32>} : memref<2x64x128xf32, #tpu.memory_space<vmem>>, vector<1x1x16xf32>,
        %get3A_542 = vector.shape_cast %get3A_541 : vector<1x1x16xf32> to vector<16xf32>
        %get3A_543 = arith.constant 1 : i32
        %get3A_544 = arith.index_cast %get3A_543 : i32 to index
        %get3A_545 = arith.index_cast %add3A_518 : i32 to index
        %get3A_546 = arith.constant 16 : index
        %get3A_547 = tpu.vector_load %arg10[%get3A_544, %get3A_545, %get3A_546] {strides = array<i32>} : memref<2x64x128xf32, #tpu.memory_space<vmem>>, vector<1x1x16xf32>,
        %get3A_548 = vector.shape_cast %get3A_547 : vector<1x1x16xf32> to vector<16xf32>
        %mul3A_549 = arith.mulf %get3A_542, %get3A_548 : vector<16xf32>
        %swap3A_550 = arith.constant 1 : i32
        %swap3A_551 = arith.index_cast %swap3A_550 : i32 to index
        %swap3A_552 = arith.index_cast %add3A_518 : i32 to index
        %swap3A_553 = arith.constant 16 : index
        %swap3A_554 = tpu.vector_load %arg9[%swap3A_551, %swap3A_552, %swap3A_553] {strides = array<i32>} : memref<2x64x128xf32, #tpu.memory_space<vmem>>, vector<1x1x16xf32>,
        %swap3A_555 = vector.shape_cast %swap3A_554 : vector<1x1x16xf32> to vector<16xf32>
        %swap3A_556 = vector.shape_cast %mul3A_549 : vector<16xf32> to vector<1x1x16xf32>
        tpu.vector_store %arg9[%swap3A_551, %swap3A_552, %swap3A_553], %swap3A_556 {strides = array<i32>} : memref<2x64x128xf32, #tpu.memory_space<vmem>>, vector<1x1x16xf32>,
        %get3A_557 = arith.constant 1 : i32
        %get3A_558 = arith.index_cast %get3A_557 : i32 to index
        %get3A_559 = arith.index_cast %add3A_518 : i32 to index
        %get3A_560 = arith.constant 32 : index
        %get3A_561 = tpu.vector_load %arg9[%get3A_558, %get3A_559, %get3A_560] {strides = array<i32>} : memref<2x64x128xf32, #tpu.memory_space<vmem>>, vector<1x1x16xf32>,
        %get3A_562 = vector.shape_cast %get3A_561 : vector<1x1x16xf32> to vector<16xf32>
        %get3A_563 = arith.constant 1 : i32
        %get3A_564 = arith.index_cast %get3A_563 : i32 to index
        %get3A_565 = arith.index_cast %add3A_518 : i32 to index
        %get3A_566 = arith.constant 32 : index
        %get3A_567 = tpu.vector_load %arg10[%get3A_564, %get3A_565, %get3A_566] {strides = array<i32>} : memref<2x64x128xf32, #tpu.memory_space<vmem>>, vector<1x1x16xf32>,
        %get3A_568 = vector.shape_cast %get3A_567 : vector<1x1x16xf32> to vector<16xf32>
        %mul3A_569 = arith.mulf %get3A_562, %get3A_568 : vector<16xf32>
        %swap3A_570 = arith.constant 1 : i32
        %swap3A_571 = arith.index_cast %swap3A_570 : i32 to index
        %swap3A_572 = arith.index_cast %add3A_518 : i32 to index
        %swap3A_573 = arith.constant 32 : index
        %swap3A_574 = tpu.vector_load %arg9[%swap3A_571, %swap3A_572, %swap3A_573] {strides = array<i32>} : memref<2x64x128xf32, #tpu.memory_space<vmem>>, vector<1x1x16xf32>,
        %swap3A_575 = vector.shape_cast %swap3A_574 : vector<1x1x16xf32> to vector<16xf32>
        %swap3A_576 = vector.shape_cast %mul3A_569 : vector<16xf32> to vector<1x1x16xf32>
        tpu.vector_store %arg9[%swap3A_571, %swap3A_572, %swap3A_573], %swap3A_576 {strides = array<i32>} : memref<2x64x128xf32, #tpu.memory_space<vmem>>, vector<1x1x16xf32>,
        %get3A_577 = arith.constant 1 : i32
        %get3A_578 = arith.index_cast %get3A_577 : i32 to index
        %get3A_579 = arith.index_cast %add3A_518 : i32 to index
        %get3A_580 = arith.constant 48 : index
        %get3A_581 = tpu.vector_load %arg9[%get3A_578, %get3A_579, %get3A_580] {strides = array<i32>} : memref<2x64x128xf32, #tpu.memory_space<vmem>>, vector<1x1x16xf32>,
        %get3A_582 = vector.shape_cast %get3A_581 : vector<1x1x16xf32> to vector<16xf32>
        %get3A_583 = arith.constant 1 : i32
        %get3A_584 = arith.index_cast %get3A_583 : i32 to index
        %get3A_585 = arith.index_cast %add3A_518 : i32 to index
        %get3A_586 = arith.constant 48 : index
        %get3A_587 = tpu.vector_load %arg10[%get3A_584, %get3A_585, %get3A_586] {strides = array<i32>} : memref<2x64x128xf32, #tpu.memory_space<vmem>>, vector<1x1x16xf32>,
        %get3A_588 = vector.shape_cast %get3A_587 : vector<1x1x16xf32> to vector<16xf32>
        %mul3A_589 = arith.mulf %get3A_582, %get3A_588 : vector<16xf32>
        %swap3A_590 = arith.constant 1 : i32
        %swap3A_591 = arith.index_cast %swap3A_590 : i32 to index
        %swap3A_592 = arith.index_cast %add3A_518 : i32 to index
        %swap3A_593 = arith.constant 48 : index
        %swap3A_594 = tpu.vector_load %arg9[%swap3A_591, %swap3A_592, %swap3A_593] {strides = array<i32>} : memref<2x64x128xf32, #tpu.memory_space<vmem>>, vector<1x1x16xf32>,
        %swap3A_595 = vector.shape_cast %swap3A_594 : vector<1x1x16xf32> to vector<16xf32>
        %swap3A_596 = vector.shape_cast %mul3A_589 : vector<16xf32> to vector<1x1x16xf32>
        tpu.vector_store %arg9[%swap3A_591, %swap3A_592, %swap3A_593], %swap3A_596 {strides = array<i32>} : memref<2x64x128xf32, #tpu.memory_space<vmem>>, vector<1x1x16xf32>,
        %get3A_597 = arith.constant 1 : i32
        %get3A_598 = arith.index_cast %get3A_597 : i32 to index
        %get3A_599 = arith.index_cast %add3A_518 : i32 to index
        %get3A_600 = arith.constant 64 : index
        %get3A_601 = tpu.vector_load %arg9[%get3A_598, %get3A_599, %get3A_600] {strides = array<i32>} : memref<2x64x128xf32, #tpu.memory_space<vmem>>, vector<1x1x16xf32>,
        %get3A_602 = vector.shape_cast %get3A_601 : vector<1x1x16xf32> to vector<16xf32>
        %get3A_603 = arith.constant 1 : i32
        %get3A_604 = arith.index_cast %get3A_603 : i32 to index
        %get3A_605 = arith.index_cast %add3A_518 : i32 to index
        %get3A_606 = arith.constant 64 : index
        %get3A_607 = tpu.vector_load %arg10[%get3A_604, %get3A_605, %get3A_606] {strides = array<i32>} : memref<2x64x128xf32, #tpu.memory_space<vmem>>, vector<1x1x16xf32>,
        %get3A_608 = vector.shape_cast %get3A_607 : vector<1x1x16xf32> to vector<16xf32>
        %mul3A_609 = arith.mulf %get3A_602, %get3A_608 : vector<16xf32>
        %swap3A_610 = arith.constant 1 : i32
        %swap3A_611 = arith.index_cast %swap3A_610 : i32 to index
        %swap3A_612 = arith.index_cast %add3A_518 : i32 to index
        %swap3A_613 = arith.constant 64 : index
        %swap3A_614 = tpu.vector_load %arg9[%swap3A_611, %swap3A_612, %swap3A_613] {strides = array<i32>} : memref<2x64x128xf32, #tpu.memory_space<vmem>>, vector<1x1x16xf32>,
        %swap3A_615 = vector.shape_cast %swap3A_614 : vector<1x1x16xf32> to vector<16xf32>
        %swap3A_616 = vector.shape_cast %mul3A_609 : vector<16xf32> to vector<1x1x16xf32>
        tpu.vector_store %arg9[%swap3A_611, %swap3A_612, %swap3A_613], %swap3A_616 {strides = array<i32>} : memref<2x64x128xf32, #tpu.memory_space<vmem>>, vector<1x1x16xf32>,
        %get3A_617 = arith.constant 1 : i32
        %get3A_618 = arith.index_cast %get3A_617 : i32 to index
        %get3A_619 = arith.index_cast %add3A_518 : i32 to index
        %get3A_620 = arith.constant 80 : index
        %get3A_621 = tpu.vector_load %arg9[%get3A_618, %get3A_619, %get3A_620] {strides = array<i32>} : memref<2x64x128xf32, #tpu.memory_space<vmem>>, vector<1x1x16xf32>,
        %get3A_622 = vector.shape_cast %get3A_621 : vector<1x1x16xf32> to vector<16xf32>
        %get3A_623 = arith.constant 1 : i32
        %get3A_624 = arith.index_cast %get3A_623 : i32 to index
        %get3A_625 = arith.index_cast %add3A_518 : i32 to index
        %get3A_626 = arith.constant 80 : index
        %get3A_627 = tpu.vector_load %arg10[%get3A_624, %get3A_625, %get3A_626] {strides = array<i32>} : memref<2x64x128xf32, #tpu.memory_space<vmem>>, vector<1x1x16xf32>,
        %get3A_628 = vector.shape_cast %get3A_627 : vector<1x1x16xf32> to vector<16xf32>
        %mul3A_629 = arith.mulf %get3A_622, %get3A_628 : vector<16xf32>
        %swap3A_630 = arith.constant 1 : i32
        %swap3A_631 = arith.index_cast %swap3A_630 : i32 to index
        %swap3A_632 = arith.index_cast %add3A_518 : i32 to index
        %swap3A_633 = arith.constant 80 : index
        %swap3A_634 = tpu.vector_load %arg9[%swap3A_631, %swap3A_632, %swap3A_633] {strides = array<i32>} : memref<2x64x128xf32, #tpu.memory_space<vmem>>, vector<1x1x16xf32>,
        %swap3A_635 = vector.shape_cast %swap3A_634 : vector<1x1x16xf32> to vector<16xf32>
        %swap3A_636 = vector.shape_cast %mul3A_629 : vector<16xf32> to vector<1x1x16xf32>
        tpu.vector_store %arg9[%swap3A_631, %swap3A_632, %swap3A_633], %swap3A_636 {strides = array<i32>} : memref<2x64x128xf32, #tpu.memory_space<vmem>>, vector<1x1x16xf32>,
        %get3A_637 = arith.constant 1 : i32
        %get3A_638 = arith.index_cast %get3A_637 : i32 to index
        %get3A_639 = arith.index_cast %add3A_518 : i32 to index
        %get3A_640 = arith.constant 96 : index
        %get3A_641 = tpu.vector_load %arg9[%get3A_638, %get3A_639, %get3A_640] {strides = array<i32>} : memref<2x64x128xf32, #tpu.memory_space<vmem>>, vector<1x1x16xf32>,
        %get3A_642 = vector.shape_cast %get3A_641 : vector<1x1x16xf32> to vector<16xf32>
        %get3A_643 = arith.constant 1 : i32
        %get3A_644 = arith.index_cast %get3A_643 : i32 to index
        %get3A_645 = arith.index_cast %add3A_518 : i32 to index
        %get3A_646 = arith.constant 96 : index
        %get3A_647 = tpu.vector_load %arg10[%get3A_644, %get3A_645, %get3A_646] {strides = array<i32>} : memref<2x64x128xf32, #tpu.memory_space<vmem>>, vector<1x1x16xf32>,
        %get3A_648 = vector.shape_cast %get3A_647 : vector<1x1x16xf32> to vector<16xf32>
        %mul3A_649 = arith.mulf %get3A_642, %get3A_648 : vector<16xf32>
        %swap3A_650 = arith.constant 1 : i32
        %swap3A_651 = arith.index_cast %swap3A_650 : i32 to index
        %swap3A_652 = arith.index_cast %add3A_518 : i32 to index
        %swap3A_653 = arith.constant 96 : index
        %swap3A_654 = tpu.vector_load %arg9[%swap3A_651, %swap3A_652, %swap3A_653] {strides = array<i32>} : memref<2x64x128xf32, #tpu.memory_space<vmem>>, vector<1x1x16xf32>,
        %swap3A_655 = vector.shape_cast %swap3A_654 : vector<1x1x16xf32> to vector<16xf32>
        %swap3A_656 = vector.shape_cast %mul3A_649 : vector<16xf32> to vector<1x1x16xf32>
        tpu.vector_store %arg9[%swap3A_651, %swap3A_652, %swap3A_653], %swap3A_656 {strides = array<i32>} : memref<2x64x128xf32, #tpu.memory_space<vmem>>, vector<1x1x16xf32>,
        %get3A_657 = arith.constant 1 : i32
        %get3A_658 = arith.index_cast %get3A_657 : i32 to index
        %get3A_659 = arith.index_cast %add3A_518 : i32 to index
        %get3A_660 = arith.constant 112 : index
        %get3A_661 = tpu.vector_load %arg9[%get3A_658, %get3A_659, %get3A_660] {strides = array<i32>} : memref<2x64x128xf32, #tpu.memory_space<vmem>>, vector<1x1x16xf32>,
        %get3A_662 = vector.shape_cast %get3A_661 : vector<1x1x16xf32> to vector<16xf32>
        %get3A_663 = arith.constant 1 : i32
        %get3A_664 = arith.index_cast %get3A_663 : i32 to index
        %get3A_665 = arith.index_cast %add3A_518 : i32 to index
        %get3A_666 = arith.constant 112 : index
        %get3A_667 = tpu.vector_load %arg10[%get3A_664, %get3A_665, %get3A_666] {strides = array<i32>} : memref<2x64x128xf32, #tpu.memory_space<vmem>>, vector<1x1x16xf32>,
        %get3A_668 = vector.shape_cast %get3A_667 : vector<1x1x16xf32> to vector<16xf32>
        %mul3A_669 = arith.mulf %get3A_662, %get3A_668 : vector<16xf32>
        %swap3A_670 = arith.constant 1 : i32
        %swap3A_671 = arith.index_cast %swap3A_670 : i32 to index
        %swap3A_672 = arith.index_cast %add3A_518 : i32 to index
        %swap3A_673 = arith.constant 112 : index
        %swap3A_674 = tpu.vector_load %arg9[%swap3A_671, %swap3A_672, %swap3A_673] {strides = array<i32>} : memref<2x64x128xf32, #tpu.memory_space<vmem>>, vector<1x1x16xf32>,
        %swap3A_675 = vector.shape_cast %swap3A_674 : vector<1x1x16xf32> to vector<16xf32>
        %swap3A_676 = vector.shape_cast %mul3A_669 : vector<16xf32> to vector<1x1x16xf32>
        tpu.vector_store %arg9[%swap3A_671, %swap3A_672, %swap3A_673], %swap3A_676 {strides = array<i32>} : memref<2x64x128xf32, #tpu.memory_space<vmem>>, vector<1x1x16xf32>,
      }
      %scan3A_450 = arith.constant 64 : i32
      %jit3A_451 = arith.constant 2 : i32
      %div3A_452 = arith.divsi %add3A_416, %jit3A_451 : i32
      %sign3A_453 = arith.constant 0 : i32
      %sign3A_454 = arith.cmpi sgt, %add3A_416, %sign3A_453 : i32
      %sign3A_455 = arith.extui %sign3A_454 : i1 to i32
      %sign3A_456 = arith.constant 0 : i32
      %sign3A_457 = arith.cmpi slt, %add3A_416, %sign3A_456 : i32
      %sign3A_458 = arith.extui %sign3A_457 : i1 to i32
      %sign3A_459 = arith.subi %sign3A_455, %sign3A_458 : i32
      %sign3A_460 = arith.constant 0 : i32
      %sign3A_461 = arith.cmpi sgt, %jit3A_451, %sign3A_460 : i32
      %sign3A_462 = arith.extui %sign3A_461 : i1 to i32
      %sign3A_463 = arith.constant 0 : i32
      %sign3A_464 = arith.cmpi slt, %jit3A_451, %sign3A_463 : i32
      %sign3A_465 = arith.extui %sign3A_464 : i1 to i32
      %sign3A_466 = arith.subi %sign3A_462, %sign3A_465 : i32
      %ne3A_467 = arith.cmpi ne, %sign3A_459, %sign3A_466 : i32
      %rem3A_468 = arith.remsi %add3A_416, %jit3A_451 : i32
      %ne3A_469 = arith.constant 0 : i32
      %ne3A_470 = arith.cmpi ne, %rem3A_468, %ne3A_469 : i32
      %and3A_471 = arith.andi %ne3A_467, %ne3A_470 : i1
      %sub3A_472 = arith.constant 1 : i32
      %sub3A_473 = arith.subi %div3A_452, %sub3A_472 : i32
      %select_n3A_474 = arith.select %and3A_471, %sub3A_473, %div3A_452 : i32
      %jit3A_475 = arith.constant 2 : i32
      %eq3A_476 = arith.constant 0 : i32
      %eq3A_477 = arith.cmpi eq, %jit3A_475, %eq3A_476 : i32
      %jit3A_478 = arith.constant 1 : i32
      %select_n3A_479 = arith.select %eq3A_477, %jit3A_478, %jit3A_475 : i32
      %rem3A_480 = arith.remsi %select_n3A_474, %select_n3A_479 : i32
      %ne3A_481 = arith.constant 0 : i32
      %ne3A_482 = arith.cmpi ne, %rem3A_480, %ne3A_481 : i32
      %lt3A_483 = arith.constant 0 : i32
      %lt3A_484 = arith.cmpi slt, %rem3A_480, %lt3A_483 : i32
      %lt3A_485 = arith.constant 0 : i32
      %lt3A_486 = arith.cmpi slt, %select_n3A_479, %lt3A_485 : i32
      %ne3A_487 = arith.xori %lt3A_484, %lt3A_486 : i1
      %and3A_488 = arith.andi %ne3A_487, %ne3A_482 : i1
      %add3A_489 = arith.addi %rem3A_480, %select_n3A_479 : i32
      %select_n3A_490 = arith.select %and3A_488, %add3A_489, %rem3A_480 : i32
      %jit3A_491 = arith.constant 2 : i32
      %eq3A_492 = arith.constant 0 : i32
      %eq3A_493 = arith.cmpi eq, %jit3A_491, %eq3A_492 : i32
      %jit3A_494 = arith.constant 1 : i32
      %select_n3A_495 = arith.select %eq3A_493, %jit3A_494, %jit3A_491 : i32
      %rem3A_496 = arith.remsi %add3A_416, %select_n3A_495 : i32
      %ne3A_497 = arith.constant 0 : i32
      %ne3A_498 = arith.cmpi ne, %rem3A_496, %ne3A_497 : i32
      %lt3A_499 = arith.constant 0 : i32
      %lt3A_500 = arith.cmpi slt, %rem3A_496, %lt3A_499 : i32
      %lt3A_501 = arith.constant 0 : i32
      %lt3A_502 = arith.cmpi slt, %select_n3A_495, %lt3A_501 : i32
      %ne3A_503 = arith.xori %lt3A_500, %lt3A_502 : i1
      %and3A_504 = arith.andi %ne3A_503, %ne3A_498 : i1
      %add3A_505 = arith.addi %rem3A_496, %select_n3A_495 : i32
      %select_n3A_506 = arith.select %and3A_504, %add3A_505, %rem3A_496 : i32
      %run_scoped3A_507 = arith.constant 1 : i32
      %run_scoped3A_508 = arith.constant 1 : i32
      "tpu.region"() ({
        %run_scoped3A_514 = tpu.sem_alloc : memref<!tpu.dma_semaphore, #tpu.memory_space<semaphore_mem>>
        %dma_start3A_515 = arith.constant 0 : i32
        %dma_start3A_516 = arith.constant 0 : i32
        %dma_start3A_517 = tpu.memref_slice %arg9[%run_scoped3A_507, %dma_start3A_515, %dma_start3A_516] : memref<2x64x128xf32, #tpu.memory_space<vmem>> -> memref<1x64x128xf32, #tpu.memory_space<vmem>>
        %dma_start3A_518 = tpu.memref_squeeze %dma_start3A_517 : memref<1x64x128xf32, #tpu.memory_space<vmem>> -> memref<64x128xf32, #tpu.memory_space<vmem>>
        %dma_start3A_519 = arith.constant 0 : i32
        %dma_start3A_520 = tpu.memref_slice %arg8[%select_n3A_490, %run_scoped3A_508, %select_n3A_506, %dma_start3A_519] : memref<2x2x2x64xi32, #tpu.memory_space<vmem>> -> memref<1x1x1x64xi32, #tpu.memory_space<vmem>>
        %dma_start3A_521 = tpu.memref_squeeze %dma_start3A_520 : memref<1x1x1x64xi32, #tpu.memory_space<vmem>> -> memref<64xi32, #tpu.memory_space<vmem>>
        %dma_start3A_522 = arith.constant 0 : i32
        %dma_start3A_523 = arith.constant 0 : i32
        %dma_start3A_524 = tpu.memref_slice %arg11[%dma_start3A_522, %dma_start3A_523] : memref<10240x128xf32, #tpu.memory_space<vmem_shared>> -> memref<10240x128xf32, #tpu.memory_space<vmem_shared>>
        tpu.enqueue_indirect_dma source(%dma_start3A_518 : memref<64x128xf32, #tpu.memory_space<vmem>>) target(%dma_start3A_524 : memref<10240x128xf32, #tpu.memory_space<vmem_shared>>) offsets(%dma_start3A_521 : memref<64xi32, #tpu.memory_space<vmem>>) semaphore(%run_scoped3A_514 : memref<!tpu.dma_semaphore, #tpu.memory_space<semaphore_mem>>) {add = true}
        %dma_wait3A_525 = arith.constant 0 : i32
        %dma_wait3A_526 = arith.constant 0 : i32
        %dma_wait3A_527 = tpu.memref_slice %arg9[%run_scoped3A_507, %dma_wait3A_525, %dma_wait3A_526] : memref<2x64x128xf32, #tpu.memory_space<vmem>> -> memref<1x64x128xf32, #tpu.memory_space<vmem>>
        %dma_wait3A_528 = tpu.memref_squeeze %dma_wait3A_527 : memref<1x64x128xf32, #tpu.memory_space<vmem>> -> memref<64x128xf32, #tpu.memory_space<vmem>>
        %dma_wait3A_529 = arith.constant 0 : i32
        %dma_wait3A_530 = tpu.memref_slice %arg8[%select_n3A_490, %run_scoped3A_508, %select_n3A_506, %dma_wait3A_529] : memref<2x2x2x64xi32, #tpu.memory_space<vmem>> -> memref<1x1x1x64xi32, #tpu.memory_space<vmem>>
        %dma_wait3A_531 = tpu.memref_squeeze %dma_wait3A_530 : memref<1x1x1x64xi32, #tpu.memory_space<vmem>> -> memref<64xi32, #tpu.memory_space<vmem>>
        %dma_wait3A_532 = arith.constant 0 : i32
        %dma_wait3A_533 = arith.constant 0 : i32
        %dma_wait3A_534 = tpu.memref_slice %arg11[%dma_wait3A_532, %dma_wait3A_533] : memref<10240x128xf32, #tpu.memory_space<vmem_shared>> -> memref<10240x128xf32, #tpu.memory_space<vmem_shared>>
        tpu.wait_indirect_dma semaphore(%run_scoped3A_514 : memref<!tpu.dma_semaphore, #tpu.memory_space<semaphore_mem>>) src(%dma_wait3A_528 : memref<64x128xf32, #tpu.memory_space<vmem>>) dst(%dma_wait3A_534 : memref<10240x128xf32, #tpu.memory_space<vmem_shared>>)
        tpu.yield
      }) : () -> ()
      %lt3A_509 = arith.constant 39 : i32
      %lt3A_510 = arith.cmpi slt, %add3A_294, %lt3A_509 : i32
      %convert_element_type3A_511 = arith.extui %lt3A_510 : i1 to i32
      %cond3A_512 = arith.constant 0 : i32
      %cond3A_513 = arith.cmpi ne, %convert_element_type3A_511, %cond3A_512 : i32
      scf.if %cond3A_513 {
        %add3A_514 = arith.constant 3 : i32
        %add3A_515 = arith.addi %add3A_315, %add3A_514 : i32
        %jit3A_516 = arith.constant 40 : i32
        %div3A_517 = arith.divsi %add3A_515, %jit3A_516 : i32
        %sign3A_518 = arith.constant 0 : i32
        %sign3A_519 = arith.cmpi sgt, %add3A_515, %sign3A_518 : i32
        %sign3A_520 = arith.extui %sign3A_519 : i1 to i32
        %sign3A_521 = arith.constant 0 : i32
        %sign3A_522 = arith.cmpi slt, %add3A_515, %sign3A_521 : i32
        %sign3A_523 = arith.extui %sign3A_522 : i1 to i32
        %sign3A_524 = arith.subi %sign3A_520, %sign3A_523 : i32
        %sign3A_525 = arith.constant 0 : i32
        %sign3A_526 = arith.cmpi sgt, %jit3A_516, %sign3A_525 : i32
        %sign3A_527 = arith.extui %sign3A_526 : i1 to i32
        %sign3A_528 = arith.constant 0 : i32
        %sign3A_529 = arith.cmpi slt, %jit3A_516, %sign3A_528 : i32
        %sign3A_530 = arith.extui %sign3A_529 : i1 to i32
        %sign3A_531 = arith.subi %sign3A_527, %sign3A_530 : i32
        %ne3A_532 = arith.cmpi ne, %sign3A_524, %sign3A_531 : i32
        %rem3A_533 = arith.remsi %add3A_515, %jit3A_516 : i32
        %ne3A_534 = arith.constant 0 : i32
        %ne3A_535 = arith.cmpi ne, %rem3A_533, %ne3A_534 : i32
        %and3A_536 = arith.andi %ne3A_532, %ne3A_535 : i1
        %sub3A_537 = arith.constant 1 : i32
        %sub3A_538 = arith.subi %div3A_517, %sub3A_537 : i32
        %select_n3A_539 = arith.select %and3A_536, %sub3A_538, %div3A_517 : i32
        %mul3A_540 = arith.constant 40 : i32
        %mul3A_541 = arith.muli %select_n3A_539, %mul3A_540 : i32
        %sub3A_542 = arith.subi %add3A_515, %mul3A_541 : i32
        %jit3A_543 = arith.constant 10 : i32
        %div3A_544 = arith.divsi %sub3A_542, %jit3A_543 : i32
        %sign3A_545 = arith.constant 0 : i32
        %sign3A_546 = arith.cmpi sgt, %sub3A_542, %sign3A_545 : i32
        %sign3A_547 = arith.extui %sign3A_546 : i1 to i32
        %sign3A_548 = arith.constant 0 : i32
        %sign3A_549 = arith.cmpi slt, %sub3A_542, %sign3A_548 : i32
        %sign3A_550 = arith.extui %sign3A_549 : i1 to i32
        %sign3A_551 = arith.subi %sign3A_547, %sign3A_550 : i32
        %sign3A_552 = arith.constant 0 : i32
        %sign3A_553 = arith.cmpi sgt, %jit3A_543, %sign3A_552 : i32
        %sign3A_554 = arith.extui %sign3A_553 : i1 to i32
        %sign3A_555 = arith.constant 0 : i32
        %sign3A_556 = arith.cmpi slt, %jit3A_543, %sign3A_555 : i32
        %sign3A_557 = arith.extui %sign3A_556 : i1 to i32
        %sign3A_558 = arith.subi %sign3A_554, %sign3A_557 : i32
        %ne3A_559 = arith.cmpi ne, %sign3A_551, %sign3A_558 : i32
        %rem3A_560 = arith.remsi %sub3A_542, %jit3A_543 : i32
        %ne3A_561 = arith.constant 0 : i32
        %ne3A_562 = arith.cmpi ne, %rem3A_560, %ne3A_561 : i32
        %and3A_563 = arith.andi %ne3A_559, %ne3A_562 : i1
        %sub3A_564 = arith.constant 1 : i32
        %sub3A_565 = arith.subi %div3A_544, %sub3A_564 : i32
        %select_n3A_566 = arith.select %and3A_563, %sub3A_565, %div3A_544 : i32
        %mul3A_567 = arith.constant 10 : i32
        %mul3A_568 = arith.muli %select_n3A_566, %mul3A_567 : i32
        %sub3A_569 = arith.subi %sub3A_542, %mul3A_568 : i32
        %mul3A_570 = arith.constant 640 : i32
        %mul3A_571 = arith.muli %select_n3A_539, %mul3A_570 : i32
        %mul3A_572 = arith.constant 64 : i32
        %mul3A_573 = arith.muli %sub3A_569, %mul3A_572 : i32
        %add3A_574 = arith.addi %mul3A_571, %mul3A_573 : i32
        %mul3A_575 = arith.constant 128 : i32
        %mul3A_576 = arith.muli %select_n3A_566, %mul3A_575 : i32
        %dma_start3A_577 = arith.constant 1 : i32
        %dma_start3A_578 = arith.constant 0 : i32
        %dma_start3A_579 = arith.constant 0 : i32
        %dma_start3A_580 = tpu.memref_slice %arg10[%dma_start3A_577, %dma_start3A_578, %dma_start3A_579] : memref<2x64x128xf32, #tpu.memory_space<vmem>> -> memref<1x64x128xf32, #tpu.memory_space<vmem>>
        %dma_start3A_581 = tpu.memref_squeeze %dma_start3A_580 : memref<1x64x128xf32, #tpu.memory_space<vmem>> -> memref<64x128xf32, #tpu.memory_space<vmem>>
        %dma_start3A_582 = tpu.memref_slice %arg3[%add3A_574, %mul3A_576] : memref<40960x512xf32, #tpu.memory_space<hbm>> -> memref<64x128xf32, #tpu.memory_space<hbm>>
        %dma_start3A_583 = arith.constant 0 : i32
        %dma_start3A_584 = arith.constant 0 : i32
        %dma_start3A_585 = tpu.memref_slice %arg10[%dma_start3A_577, %dma_start3A_583, %dma_start3A_584] : memref<2x64x128xf32, #tpu.memory_space<vmem>> -> memref<1x64x128xf32, #tpu.memory_space<vmem>>
        %dma_start3A_586 = tpu.memref_squeeze %dma_start3A_585 : memref<1x64x128xf32, #tpu.memory_space<vmem>> -> memref<64x128xf32, #tpu.memory_space<vmem>>
        %dma_start3A_587 = tpu.memref_slice %arg3[%add3A_574, %mul3A_576] : memref<40960x512xf32, #tpu.memory_space<hbm>> -> memref<64x128xf32, #tpu.memory_space<hbm>>
        tpu.enqueue_dma source(%dma_start3A_587 : memref<64x128xf32, #tpu.memory_space<hbm>>) target(%dma_start3A_586 : memref<64x128xf32, #tpu.memory_space<vmem>>) target_semaphore(%arg16 : memref<!tpu.dma_semaphore, #tpu.memory_space<semaphore_mem>>)
        %jit3A_588 = arith.constant 2 : i32
        %div3A_589 = arith.divsi %add3A_515, %jit3A_588 : i32
        %sign3A_590 = arith.constant 0 : i32
        %sign3A_591 = arith.cmpi sgt, %add3A_515, %sign3A_590 : i32
        %sign3A_592 = arith.extui %sign3A_591 : i1 to i32
        %sign3A_593 = arith.constant 0 : i32
        %sign3A_594 = arith.cmpi slt, %add3A_515, %sign3A_593 : i32
        %sign3A_595 = arith.extui %sign3A_594 : i1 to i32
        %sign3A_596 = arith.subi %sign3A_592, %sign3A_595 : i32
        %sign3A_597 = arith.constant 0 : i32
        %sign3A_598 = arith.cmpi sgt, %jit3A_588, %sign3A_597 : i32
        %sign3A_599 = arith.extui %sign3A_598 : i1 to i32
        %sign3A_600 = arith.constant 0 : i32
        %sign3A_601 = arith.cmpi slt, %jit3A_588, %sign3A_600 : i32
        %sign3A_602 = arith.extui %sign3A_601 : i1 to i32
        %sign3A_603 = arith.subi %sign3A_599, %sign3A_602 : i32
        %ne3A_604 = arith.cmpi ne, %sign3A_596, %sign3A_603 : i32
        %rem3A_605 = arith.remsi %add3A_515, %jit3A_588 : i32
        %ne3A_606 = arith.constant 0 : i32
        %ne3A_607 = arith.cmpi ne, %rem3A_605, %ne3A_606 : i32
        %and3A_608 = arith.andi %ne3A_604, %ne3A_607 : i1
        %sub3A_609 = arith.constant 1 : i32
        %sub3A_610 = arith.subi %div3A_589, %sub3A_609 : i32
        %select_n3A_611 = arith.select %and3A_608, %sub3A_610, %div3A_589 : i32
        %jit3A_612 = arith.constant 2 : i32
        %eq3A_613 = arith.constant 0 : i32
        %eq3A_614 = arith.cmpi eq, %jit3A_612, %eq3A_613 : i32
        %jit3A_615 = arith.constant 1 : i32
        %select_n3A_616 = arith.select %eq3A_614, %jit3A_615, %jit3A_612 : i32
        %rem3A_617 = arith.remsi %select_n3A_611, %select_n3A_616 : i32
        %ne3A_618 = arith.constant 0 : i32
        %ne3A_619 = arith.cmpi ne, %rem3A_617, %ne3A_618 : i32
        %lt3A_620 = arith.constant 0 : i32
        %lt3A_621 = arith.cmpi slt, %rem3A_617, %lt3A_620 : i32
        %lt3A_622 = arith.constant 0 : i32
        %lt3A_623 = arith.cmpi slt, %select_n3A_616, %lt3A_622 : i32
        %ne3A_624 = arith.xori %lt3A_621, %lt3A_623 : i1
        %and3A_625 = arith.andi %ne3A_624, %ne3A_619 : i1
        %add3A_626 = arith.addi %rem3A_617, %select_n3A_616 : i32
        %select_n3A_627 = arith.select %and3A_625, %add3A_626, %rem3A_617 : i32
        %jit3A_628 = arith.constant 2 : i32
        %eq3A_629 = arith.constant 0 : i32
        %eq3A_630 = arith.cmpi eq, %jit3A_628, %eq3A_629 : i32
        %jit3A_631 = arith.constant 1 : i32
        %select_n3A_632 = arith.select %eq3A_630, %jit3A_631, %jit3A_628 : i32
        %rem3A_633 = arith.remsi %add3A_515, %select_n3A_632 : i32
        %ne3A_634 = arith.constant 0 : i32
        %ne3A_635 = arith.cmpi ne, %rem3A_633, %ne3A_634 : i32
        %lt3A_636 = arith.constant 0 : i32
        %lt3A_637 = arith.cmpi slt, %rem3A_633, %lt3A_636 : i32
        %lt3A_638 = arith.constant 0 : i32
        %lt3A_639 = arith.cmpi slt, %select_n3A_632, %lt3A_638 : i32
        %ne3A_640 = arith.xori %lt3A_637, %lt3A_639 : i1
        %and3A_641 = arith.andi %ne3A_640, %ne3A_635 : i1
        %add3A_642 = arith.addi %rem3A_633, %select_n3A_632 : i32
        %select_n3A_643 = arith.select %and3A_641, %add3A_642, %rem3A_633 : i32
        %dma_start3A_644 = arith.constant 0 : i32
        %dma_start3A_645 = arith.constant 1 : i32
        %dma_start3A_646 = arith.constant 0 : i32
        %dma_start3A_647 = arith.constant 0 : i32
        %dma_start3A_648 = tpu.memref_slice %arg9[%dma_start3A_645, %dma_start3A_646, %dma_start3A_647] : memref<2x64x128xf32, #tpu.memory_space<vmem>> -> memref<1x64x128xf32, #tpu.memory_space<vmem>>
        %dma_start3A_649 = tpu.memref_squeeze %dma_start3A_648 : memref<1x64x128xf32, #tpu.memory_space<vmem>> -> memref<64x128xf32, #tpu.memory_space<vmem>>
        %dma_start3A_650 = arith.constant 0 : i32
        %dma_start3A_651 = tpu.memref_slice %arg8[%select_n3A_627, %dma_start3A_644, %select_n3A_643, %dma_start3A_650] : memref<2x2x2x64xi32, #tpu.memory_space<vmem>> -> memref<1x1x1x64xi32, #tpu.memory_space<vmem>>
        %dma_start3A_652 = tpu.memref_squeeze %dma_start3A_651 : memref<1x1x1x64xi32, #tpu.memory_space<vmem>> -> memref<64xi32, #tpu.memory_space<vmem>>
        %dma_start3A_653 = arith.constant 0 : i32
        %dma_start3A_654 = arith.constant 0 : i32
        %dma_start3A_655 = tpu.memref_slice %arg2[%dma_start3A_653, %dma_start3A_654] : memref<10000x128xf32, #tpu.memory_space<hbm>> -> memref<10000x128xf32, #tpu.memory_space<hbm>>
        tpu.enqueue_indirect_dma source(%dma_start3A_655 : memref<10000x128xf32, #tpu.memory_space<hbm>>) target(%dma_start3A_649 : memref<64x128xf32, #tpu.memory_space<vmem>>) offsets(%dma_start3A_652 : memref<64xi32, #tpu.memory_space<vmem>>) semaphore(%arg14 : memref<!tpu.dma_semaphore, #tpu.memory_space<semaphore_mem>>)
      } else {
      }
    }
    %scan3A_288 = arith.constant 40 : i32
    %barrier3A_289 = arith.constant 0 : index
    tpu.barrier barrier_id(%barrier3A_289)
    "tpu.region"() ({
      %run_scoped3A_290 = tpu.sem_alloc : memref<!tpu.dma_semaphore, #tpu.memory_space<semaphore_mem>>
      %dma_start3A_291 = arith.constant 0 : i32
      %dma_start3A_292 = tpu.memref_slice %arg7[%arg0, %mul3A_2, %dma_start3A_291] : memref<2x10240x128xf32, #tpu.memory_space<hbm>> -> memref<1x640x128xf32, #tpu.memory_space<hbm>>
      %dma_start3A_293 = tpu.memref_squeeze %dma_start3A_292 : memref<1x640x128xf32, #tpu.memory_space<hbm>> -> memref<640x128xf32, #tpu.memory_space<hbm>>
      %dma_start3A_294 = arith.constant 0 : i32
      %dma_start3A_295 = tpu.memref_slice %arg11[%mul3A_2, %dma_start3A_294] : memref<10240x128xf32, #tpu.memory_space<vmem_shared>> -> memref<640x128xf32, #tpu.memory_space<vmem_shared>>
      tpu.enqueue_dma source(%dma_start3A_295 : memref<640x128xf32, #tpu.memory_space<vmem_shared>>) target(%dma_start3A_293 : memref<640x128xf32, #tpu.memory_space<hbm>>) target_semaphore(%run_scoped3A_290 : memref<!tpu.dma_semaphore, #tpu.memory_space<semaphore_mem>>)
      %dma_wait3A = arith.constant 0 : i32
      %dma_wait3A_296 = tpu.memref_slice %arg7[%arg0, %mul3A_2, %dma_wait3A] : memref<2x10240x128xf32, #tpu.memory_space<hbm>> -> memref<1x640x128xf32, #tpu.memory_space<hbm>>
      %dma_wait3A_297 = tpu.memref_squeeze %dma_wait3A_296 : memref<1x640x128xf32, #tpu.memory_space<hbm>> -> memref<640x128xf32, #tpu.memory_space<hbm>>
      %dma_wait3A_298 = arith.constant 0 : i32
      %dma_wait3A_299 = tpu.memref_slice %arg11[%mul3A_2, %dma_wait3A_298] : memref<10240x128xf32, #tpu.memory_space<vmem_shared>> -> memref<640x128xf32, #tpu.memory_space<vmem_shared>>
      tpu.wait_dma2 semaphore(%run_scoped3A_290 : memref<!tpu.dma_semaphore, #tpu.memory_space<semaphore_mem>>) src(%dma_wait3A_299 : memref<640x128xf32, #tpu.memory_space<vmem_shared>>) dst(%dma_wait3A_297 : memref<640x128xf32, #tpu.memory_space<hbm>>)
      tpu.yield
    }) : () -> ()
    return
  }
}

module attributes {stable_mosaic.version = 14 : i64} {
  func.func @_matmul_body(%arg0: memref<10000x128xf32, #tpu.memory_space<vmem>>, %arg1: memref<128x128xf32, #tpu.memory_space<vmem>>, %arg2: memref<10000x128xf32, #tpu.memory_space<vmem>>) attributes {dimension_semantics = [], scalar_prefetch = 0 : i64, scratch_operands = 0 : i64, tpu.core_type = #tpu.core_type<tc>} {
    %get3A = arith.constant 0 : index
    %get3A_0 = arith.constant 0 : index
    %get3A_1 = vector.load %arg0[%get3A, %get3A_0] : memref<10000x128xf32, #tpu.memory_space<vmem>>, vector<10000x128xf32>
    %get3A_2 = arith.constant 0 : index
    %get3A_3 = arith.constant 0 : index
    %get3A_4 = vector.load %arg1[%get3A_2, %get3A_3] : memref<128x128xf32, #tpu.memory_space<vmem>>, vector<128x128xf32>
    %dot_general3A = arith.constant dense<0.000000e+00> : vector<10000x128xf32>
    %dot_general3A_5 = tpu.matmul %get3A_1, %get3A_4, %dot_general3A {dimension_numbers = #tpu.dot_dimension_numbers<[1], [0], [0], [1], [0, 0, 1, 1], [], []>, transpose_lhs_hint = false} : vector<10000x128xf32>, vector<128x128xf32>, vector<10000x128xf32> -> vector<10000x128xf32>
    %swap3A = arith.constant 0 : index
    %swap3A_6 = arith.constant 0 : index
    %swap3A_7 = vector.load %arg2[%swap3A, %swap3A_6] : memref<10000x128xf32, #tpu.memory_space<vmem>>, vector<10000x128xf32>
    tpu.vector_store %arg2[%swap3A, %swap3A_6], %dot_general3A_5 {strides = array<i32>} : memref<10000x128xf32, #tpu.memory_space<vmem>>, vector<10000x128xf32>,
    return
  }
}

module attributes {stable_mosaic.version = 14 : i64} {
  func.func @_mlp_body(%arg0: i32, %arg1: memref<2560x16xf32, #tpu.memory_space<vmem>>, %arg2: memref<2560x1xf32, #tpu.memory_space<vmem>>, %arg3: memref<64x256xf32, #tpu.memory_space<vmem>>, %arg4: memref<256x256xf32, #tpu.memory_space<vmem>>, %arg5: memref<256x256xf32, #tpu.memory_space<vmem>>, %arg6: memref<256x512xf32, #tpu.memory_space<vmem>>, %arg7: memref<4x256xf32, #tpu.memory_space<vmem>>, %arg8: memref<640x512xf32, #tpu.memory_space<vmem>>) attributes {dimension_semantics = [#tpu.dimension_semantics<arbitrary>], iteration_bounds = array<i64: 64>, scalar_prefetch = 0 : i64, scratch_operands = 0 : i64, tpu.core_type = #tpu.core_type<tc>, window_params = [{transform_indices = @transform_0, window_bounds = array<i64: 2560, 16>}, {transform_indices = @transform_1, window_bounds = array<i64: 2560, 1>}, {pipeline_mode = #tpu.pipeline_mode<synchronous>, transform_indices = @transform_2, window_bounds = array<i64: 64, 256>}, {pipeline_mode = #tpu.pipeline_mode<synchronous>, transform_indices = @transform_3, window_bounds = array<i64: 256, 256>}, {pipeline_mode = #tpu.pipeline_mode<synchronous>, transform_indices = @transform_4, window_bounds = array<i64: 256, 256>}, {pipeline_mode = #tpu.pipeline_mode<synchronous>, transform_indices = @transform_5, window_bounds = array<i64: 256, 512>}, {pipeline_mode = #tpu.pipeline_mode<synchronous>, transform_indices = @transform_6, window_bounds = array<i64: 4, 256>}, {transform_indices = @transform_7, window_bounds = array<i64: 640, 512>}]} {
    %get3A = arith.constant 0 : index
    %get3A_0 = arith.constant 0 : index
    %get3A_1 = vector.load %arg1[%get3A, %get3A_0] : memref<2560x16xf32, #tpu.memory_space<vmem>>, vector<2560x16xf32>
    %slice3A = vector.extract_strided_slice %get3A_1 {offsets = [0, 0], sizes = [640, 16], strides = [1, 1]} : vector<2560x16xf32> to vector<640x16xf32>
    %slice3A_2 = vector.extract_strided_slice %get3A_1 {offsets = [640, 0], sizes = [640, 16], strides = [1, 1]} : vector<2560x16xf32> to vector<640x16xf32>
    %slice3A_3 = vector.extract_strided_slice %get3A_1 {offsets = [1280, 0], sizes = [640, 16], strides = [1, 1]} : vector<2560x16xf32> to vector<640x16xf32>
    %slice3A_4 = vector.extract_strided_slice %get3A_1 {offsets = [1920, 0], sizes = [640, 16], strides = [1, 1]} : vector<2560x16xf32> to vector<640x16xf32>
    %concatenate3A = tpu.concatenate %slice3A, %slice3A_2, %slice3A_3, %slice3A_4 in 1 : vector<640x16xf32>, vector<640x16xf32>, vector<640x16xf32>, vector<640x16xf32> -> vector<640x64xf32>
    %get3A_5 = arith.constant 0 : index
    %get3A_6 = arith.constant 0 : index
    %get3A_7 = vector.load %arg3[%get3A_5, %get3A_6] : memref<64x256xf32, #tpu.memory_space<vmem>>, vector<64x256xf32>
    %dot_general3A = arith.constant dense<0.000000e+00> : vector<640x256xf32>
    %dot_general3A_8 = tpu.matmul %concatenate3A, %get3A_7, %dot_general3A {dimension_numbers = #tpu.dot_dimension_numbers<[1], [0], [0], [1], [0, 0, 1, 1], [], []>, transpose_lhs_hint = false} : vector<640x64xf32>, vector<64x256xf32>, vector<640x256xf32> -> vector<640x256xf32>
    %logistic3A = arith.negf %dot_general3A_8 : vector<640x256xf32>
    %logistic3A_9 = math.exp %logistic3A : vector<640x256xf32>
    %logistic3A_10 = arith.constant 1.000000e+00 : f32
    %logistic3A_11 = vector.broadcast %logistic3A_10 : f32 to vector<640x256xf32>
    %logistic3A_12 = arith.addf %logistic3A_11, %logistic3A_9 : vector<640x256xf32>
    %logistic3A_13 = arith.divf %logistic3A_11, %logistic3A_12 : vector<640x256xf32>
    %mul3A = arith.mulf %dot_general3A_8, %logistic3A_13 : vector<640x256xf32>
    %get3A_14 = arith.constant 0 : index
    %get3A_15 = arith.constant 0 : index
    %get3A_16 = vector.load %arg4[%get3A_14, %get3A_15] : memref<256x256xf32, #tpu.memory_space<vmem>>, vector<256x256xf32>
    %dot_general3A_17 = arith.constant dense<0.000000e+00> : vector<640x256xf32>
    %dot_general3A_18 = tpu.matmul %mul3A, %get3A_16, %dot_general3A_17 {dimension_numbers = #tpu.dot_dimension_numbers<[1], [0], [0], [1], [0, 0, 1, 1], [], []>, transpose_lhs_hint = false} : vector<640x256xf32>, vector<256x256xf32>, vector<640x256xf32> -> vector<640x256xf32>
    %logistic3A_19 = arith.negf %dot_general3A_18 : vector<640x256xf32>
    %logistic3A_20 = math.exp %logistic3A_19 : vector<640x256xf32>
    %logistic3A_21 = arith.constant 1.000000e+00 : f32
    %logistic3A_22 = vector.broadcast %logistic3A_21 : f32 to vector<640x256xf32>
    %logistic3A_23 = arith.addf %logistic3A_22, %logistic3A_20 : vector<640x256xf32>
    %logistic3A_24 = arith.divf %logistic3A_22, %logistic3A_23 : vector<640x256xf32>
    %mul3A_25 = arith.mulf %dot_general3A_18, %logistic3A_24 : vector<640x256xf32>
    %get3A_26 = arith.constant 0 : index
    %get3A_27 = arith.constant 0 : index
    %get3A_28 = vector.load %arg5[%get3A_26, %get3A_27] : memref<256x256xf32, #tpu.memory_space<vmem>>, vector<256x256xf32>
    %dot_general3A_29 = arith.constant dense<0.000000e+00> : vector<640x256xf32>
    %dot_general3A_30 = tpu.matmul %mul3A_25, %get3A_28, %dot_general3A_29 {dimension_numbers = #tpu.dot_dimension_numbers<[1], [0], [0], [1], [0, 0, 1, 1], [], []>, transpose_lhs_hint = false} : vector<640x256xf32>, vector<256x256xf32>, vector<640x256xf32> -> vector<640x256xf32>
    %logistic3A_31 = arith.negf %dot_general3A_30 : vector<640x256xf32>
    %logistic3A_32 = math.exp %logistic3A_31 : vector<640x256xf32>
    %logistic3A_33 = arith.constant 1.000000e+00 : f32
    %logistic3A_34 = vector.broadcast %logistic3A_33 : f32 to vector<640x256xf32>
    %logistic3A_35 = arith.addf %logistic3A_34, %logistic3A_32 : vector<640x256xf32>
    %logistic3A_36 = arith.divf %logistic3A_34, %logistic3A_35 : vector<640x256xf32>
    %mul3A_37 = arith.mulf %dot_general3A_30, %logistic3A_36 : vector<640x256xf32>
    %get3A_38 = arith.constant 0 : index
    %get3A_39 = arith.constant 0 : index
    %get3A_40 = vector.load %arg2[%get3A_38, %get3A_39] : memref<2560x1xf32, #tpu.memory_space<vmem>>, vector<2560x1xf32>
    %slice3A_41 = vector.extract_strided_slice %get3A_40 {offsets = [0, 0], sizes = [640, 1], strides = [1, 1]} : vector<2560x1xf32> to vector<640x1xf32>
    %slice3A_42 = vector.extract_strided_slice %get3A_40 {offsets = [640, 0], sizes = [640, 1], strides = [1, 1]} : vector<2560x1xf32> to vector<640x1xf32>
    %slice3A_43 = vector.extract_strided_slice %get3A_40 {offsets = [1280, 0], sizes = [640, 1], strides = [1, 1]} : vector<2560x1xf32> to vector<640x1xf32>
    %slice3A_44 = vector.extract_strided_slice %get3A_40 {offsets = [1920, 0], sizes = [640, 1], strides = [1, 1]} : vector<2560x1xf32> to vector<640x1xf32>
    %concatenate3A_45 = tpu.concatenate %slice3A_41, %slice3A_42, %slice3A_43, %slice3A_44 in 1 : vector<640x1xf32>, vector<640x1xf32>, vector<640x1xf32>, vector<640x1xf32> -> vector<640x4xf32>
    %get3A_46 = arith.constant 0 : index
    %get3A_47 = arith.constant 0 : index
    %get3A_48 = vector.load %arg7[%get3A_46, %get3A_47] : memref<4x256xf32, #tpu.memory_space<vmem>>, vector<4x256xf32>
    %dot_general3A_49 = arith.constant dense<0.000000e+00> : vector<640x256xf32>
    %dot_general3A_50 = tpu.matmul %concatenate3A_45, %get3A_48, %dot_general3A_49 {dimension_numbers = #tpu.dot_dimension_numbers<[1], [0], [0], [1], [0, 0, 1, 1], [], []>, transpose_lhs_hint = false} : vector<640x4xf32>, vector<4x256xf32>, vector<640x256xf32> -> vector<640x256xf32>
    %mul3A_51 = arith.mulf %mul3A_37, %dot_general3A_50 : vector<640x256xf32>
    %get3A_52 = arith.constant 0 : index
    %get3A_53 = arith.constant 0 : index
    %get3A_54 = vector.load %arg6[%get3A_52, %get3A_53] : memref<256x512xf32, #tpu.memory_space<vmem>>, vector<256x512xf32>
    %dot_general3A_55 = arith.constant dense<0.000000e+00> : vector<640x512xf32>
    %dot_general3A_56 = tpu.matmul %mul3A_51, %get3A_54, %dot_general3A_55 {dimension_numbers = #tpu.dot_dimension_numbers<[1], [0], [0], [1], [0, 0, 1, 1], [], []>, transpose_lhs_hint = false} : vector<640x256xf32>, vector<256x512xf32>, vector<640x512xf32> -> vector<640x512xf32>
    %lt3A = arith.constant 61 : i32
    %lt3A_57 = arith.cmpi slt, %arg0, %lt3A : i32
    %jit3A = arith.constant 1.000000e+00 : f32
    %jit3A_58 = arith.constant 0.000000e+00 : f32
    %select_n3A = arith.select %lt3A_57, %jit3A, %jit3A_58 : f32
    %mul3A_59 = vector.broadcast %select_n3A : f32 to vector<640x512xf32>
    %mul3A_60 = arith.mulf %dot_general3A_56, %mul3A_59 : vector<640x512xf32>
    %swap3A = arith.constant 0 : index
    %swap3A_61 = arith.constant 0 : index
    %swap3A_62 = vector.load %arg8[%swap3A, %swap3A_61] : memref<640x512xf32, #tpu.memory_space<vmem>>, vector<640x512xf32>
    tpu.vector_store %arg8[%swap3A, %swap3A_61], %mul3A_60 {strides = array<i32>} : memref<640x512xf32, #tpu.memory_space<vmem>>, vector<640x512xf32>,
    return
  }
  func.func @transform_0(%arg0: i32) -> (i32, i32) {
    %add3A = arith.constant 64 : i32
    %add3A_0 = arith.addi %arg0, %add3A : i32
    %min3A = arith.constant 124 : i32
    %min3A_1 = arith.minsi %add3A_0, %min3A : i32
    %c0_i32 = arith.constant 0 : i32
    %c0_i32_2 = arith.constant 0 : i32
    return %min3A_1, %c0_i32 : i32, i32
  }
  func.func @transform_1(%arg0: i32) -> (i32, i32) {
    %add3A = arith.constant 64 : i32
    %add3A_0 = arith.addi %arg0, %add3A : i32
    %min3A = arith.constant 124 : i32
    %min3A_1 = arith.minsi %add3A_0, %min3A : i32
    %c0_i32 = arith.constant 0 : i32
    %c0_i32_2 = arith.constant 0 : i32
    return %min3A_1, %c0_i32 : i32, i32
  }
  func.func @transform_2(%arg0: i32) -> (i32, i32) {
    %c0_i32 = arith.constant 0 : i32
    %c0_i32_0 = arith.constant 0 : i32
    %c0_i32_1 = arith.constant 0 : i32
    return %c0_i32, %c0_i32_0 : i32, i32
  }
  func.func @transform_3(%arg0: i32) -> (i32, i32) {
    %c0_i32 = arith.constant 0 : i32
    %c0_i32_0 = arith.constant 0 : i32
    %c0_i32_1 = arith.constant 0 : i32
    return %c0_i32, %c0_i32_0 : i32, i32
  }
  func.func @transform_4(%arg0: i32) -> (i32, i32) {
    %c0_i32 = arith.constant 0 : i32
    %c0_i32_0 = arith.constant 0 : i32
    %c0_i32_1 = arith.constant 0 : i32
    return %c0_i32, %c0_i32_0 : i32, i32
  }
  func.func @transform_5(%arg0: i32) -> (i32, i32) {
    %c0_i32 = arith.constant 0 : i32
    %c0_i32_0 = arith.constant 0 : i32
    %c0_i32_1 = arith.constant 0 : i32
    return %c0_i32, %c0_i32_0 : i32, i32
  }
  func.func @transform_6(%arg0: i32) -> (i32, i32) {
    %c0_i32 = arith.constant 0 : i32
    %c0_i32_0 = arith.constant 0 : i32
    %c0_i32_1 = arith.constant 0 : i32
    return %c0_i32, %c0_i32_0 : i32, i32
  }
  func.func @transform_7(%arg0: i32) -> (i32, i32) {
    %c0_i32 = arith.constant 0 : i32
    %c0_i32_0 = arith.constant 0 : i32
    return %arg0, %c0_i32 : i32, i32
  }
}

module attributes {stable_mosaic.version = 14 : i64} {
  func.func @_mlp_body(%arg0: i32, %arg1: memref<2560x16xf32, #tpu.memory_space<vmem>>, %arg2: memref<2560x1xf32, #tpu.memory_space<vmem>>, %arg3: memref<64x256xf32, #tpu.memory_space<vmem>>, %arg4: memref<256x256xf32, #tpu.memory_space<vmem>>, %arg5: memref<256x256xf32, #tpu.memory_space<vmem>>, %arg6: memref<256x512xf32, #tpu.memory_space<vmem>>, %arg7: memref<4x256xf32, #tpu.memory_space<vmem>>, %arg8: memref<640x512xf32, #tpu.memory_space<vmem>>) attributes {dimension_semantics = [#tpu.dimension_semantics<arbitrary>], iteration_bounds = array<i64: 64>, scalar_prefetch = 0 : i64, scratch_operands = 0 : i64, tpu.core_type = #tpu.core_type<tc>, window_params = [{transform_indices = @transform_0, window_bounds = array<i64: 2560, 16>}, {transform_indices = @transform_1, window_bounds = array<i64: 2560, 1>}, {pipeline_mode = #tpu.pipeline_mode<synchronous>, transform_indices = @transform_2, window_bounds = array<i64: 64, 256>}, {pipeline_mode = #tpu.pipeline_mode<synchronous>, transform_indices = @transform_3, window_bounds = array<i64: 256, 256>}, {pipeline_mode = #tpu.pipeline_mode<synchronous>, transform_indices = @transform_4, window_bounds = array<i64: 256, 256>}, {pipeline_mode = #tpu.pipeline_mode<synchronous>, transform_indices = @transform_5, window_bounds = array<i64: 256, 512>}, {pipeline_mode = #tpu.pipeline_mode<synchronous>, transform_indices = @transform_6, window_bounds = array<i64: 4, 256>}, {transform_indices = @transform_7, window_bounds = array<i64: 640, 512>}]} {
    %get3A = arith.constant 0 : index
    %get3A_0 = arith.constant 0 : index
    %get3A_1 = vector.load %arg1[%get3A, %get3A_0] : memref<2560x16xf32, #tpu.memory_space<vmem>>, vector<2560x16xf32>
    %slice3A = vector.extract_strided_slice %get3A_1 {offsets = [0, 0], sizes = [640, 16], strides = [1, 1]} : vector<2560x16xf32> to vector<640x16xf32>
    %slice3A_2 = vector.extract_strided_slice %get3A_1 {offsets = [640, 0], sizes = [640, 16], strides = [1, 1]} : vector<2560x16xf32> to vector<640x16xf32>
    %slice3A_3 = vector.extract_strided_slice %get3A_1 {offsets = [1280, 0], sizes = [640, 16], strides = [1, 1]} : vector<2560x16xf32> to vector<640x16xf32>
    %slice3A_4 = vector.extract_strided_slice %get3A_1 {offsets = [1920, 0], sizes = [640, 16], strides = [1, 1]} : vector<2560x16xf32> to vector<640x16xf32>
    %concatenate3A = tpu.concatenate %slice3A, %slice3A_2, %slice3A_3, %slice3A_4 in 1 : vector<640x16xf32>, vector<640x16xf32>, vector<640x16xf32>, vector<640x16xf32> -> vector<640x64xf32>
    %get3A_5 = arith.constant 0 : index
    %get3A_6 = arith.constant 0 : index
    %get3A_7 = vector.load %arg3[%get3A_5, %get3A_6] : memref<64x256xf32, #tpu.memory_space<vmem>>, vector<64x256xf32>
    %dot_general3A = arith.constant dense<0.000000e+00> : vector<640x256xf32>
    %dot_general3A_8 = tpu.matmul %concatenate3A, %get3A_7, %dot_general3A {dimension_numbers = #tpu.dot_dimension_numbers<[1], [0], [0], [1], [0, 0, 1, 1], [], []>, transpose_lhs_hint = false} : vector<640x64xf32>, vector<64x256xf32>, vector<640x256xf32> -> vector<640x256xf32>
    %logistic3A = arith.negf %dot_general3A_8 : vector<640x256xf32>
    %logistic3A_9 = math.exp %logistic3A : vector<640x256xf32>
    %logistic3A_10 = arith.constant 1.000000e+00 : f32
    %logistic3A_11 = vector.broadcast %logistic3A_10 : f32 to vector<640x256xf32>
    %logistic3A_12 = arith.addf %logistic3A_11, %logistic3A_9 : vector<640x256xf32>
    %logistic3A_13 = arith.divf %logistic3A_11, %logistic3A_12 : vector<640x256xf32>
    %mul3A = arith.mulf %dot_general3A_8, %logistic3A_13 : vector<640x256xf32>
    %get3A_14 = arith.constant 0 : index
    %get3A_15 = arith.constant 0 : index
    %get3A_16 = vector.load %arg4[%get3A_14, %get3A_15] : memref<256x256xf32, #tpu.memory_space<vmem>>, vector<256x256xf32>
    %dot_general3A_17 = arith.constant dense<0.000000e+00> : vector<640x256xf32>
    %dot_general3A_18 = tpu.matmul %mul3A, %get3A_16, %dot_general3A_17 {dimension_numbers = #tpu.dot_dimension_numbers<[1], [0], [0], [1], [0, 0, 1, 1], [], []>, transpose_lhs_hint = false} : vector<640x256xf32>, vector<256x256xf32>, vector<640x256xf32> -> vector<640x256xf32>
    %logistic3A_19 = arith.negf %dot_general3A_18 : vector<640x256xf32>
    %logistic3A_20 = math.exp %logistic3A_19 : vector<640x256xf32>
    %logistic3A_21 = arith.constant 1.000000e+00 : f32
    %logistic3A_22 = vector.broadcast %logistic3A_21 : f32 to vector<640x256xf32>
    %logistic3A_23 = arith.addf %logistic3A_22, %logistic3A_20 : vector<640x256xf32>
    %logistic3A_24 = arith.divf %logistic3A_22, %logistic3A_23 : vector<640x256xf32>
    %mul3A_25 = arith.mulf %dot_general3A_18, %logistic3A_24 : vector<640x256xf32>
    %get3A_26 = arith.constant 0 : index
    %get3A_27 = arith.constant 0 : index
    %get3A_28 = vector.load %arg5[%get3A_26, %get3A_27] : memref<256x256xf32, #tpu.memory_space<vmem>>, vector<256x256xf32>
    %dot_general3A_29 = arith.constant dense<0.000000e+00> : vector<640x256xf32>
    %dot_general3A_30 = tpu.matmul %mul3A_25, %get3A_28, %dot_general3A_29 {dimension_numbers = #tpu.dot_dimension_numbers<[1], [0], [0], [1], [0, 0, 1, 1], [], []>, transpose_lhs_hint = false} : vector<640x256xf32>, vector<256x256xf32>, vector<640x256xf32> -> vector<640x256xf32>
    %logistic3A_31 = arith.negf %dot_general3A_30 : vector<640x256xf32>
    %logistic3A_32 = math.exp %logistic3A_31 : vector<640x256xf32>
    %logistic3A_33 = arith.constant 1.000000e+00 : f32
    %logistic3A_34 = vector.broadcast %logistic3A_33 : f32 to vector<640x256xf32>
    %logistic3A_35 = arith.addf %logistic3A_34, %logistic3A_32 : vector<640x256xf32>
    %logistic3A_36 = arith.divf %logistic3A_34, %logistic3A_35 : vector<640x256xf32>
    %mul3A_37 = arith.mulf %dot_general3A_30, %logistic3A_36 : vector<640x256xf32>
    %get3A_38 = arith.constant 0 : index
    %get3A_39 = arith.constant 0 : index
    %get3A_40 = vector.load %arg2[%get3A_38, %get3A_39] : memref<2560x1xf32, #tpu.memory_space<vmem>>, vector<2560x1xf32>
    %slice3A_41 = vector.extract_strided_slice %get3A_40 {offsets = [0, 0], sizes = [640, 1], strides = [1, 1]} : vector<2560x1xf32> to vector<640x1xf32>
    %slice3A_42 = vector.extract_strided_slice %get3A_40 {offsets = [640, 0], sizes = [640, 1], strides = [1, 1]} : vector<2560x1xf32> to vector<640x1xf32>
    %slice3A_43 = vector.extract_strided_slice %get3A_40 {offsets = [1280, 0], sizes = [640, 1], strides = [1, 1]} : vector<2560x1xf32> to vector<640x1xf32>
    %slice3A_44 = vector.extract_strided_slice %get3A_40 {offsets = [1920, 0], sizes = [640, 1], strides = [1, 1]} : vector<2560x1xf32> to vector<640x1xf32>
    %concatenate3A_45 = tpu.concatenate %slice3A_41, %slice3A_42, %slice3A_43, %slice3A_44 in 1 : vector<640x1xf32>, vector<640x1xf32>, vector<640x1xf32>, vector<640x1xf32> -> vector<640x4xf32>
    %get3A_46 = arith.constant 0 : index
    %get3A_47 = arith.constant 0 : index
    %get3A_48 = vector.load %arg7[%get3A_46, %get3A_47] : memref<4x256xf32, #tpu.memory_space<vmem>>, vector<4x256xf32>
    %dot_general3A_49 = arith.constant dense<0.000000e+00> : vector<640x256xf32>
    %dot_general3A_50 = tpu.matmul %concatenate3A_45, %get3A_48, %dot_general3A_49 {dimension_numbers = #tpu.dot_dimension_numbers<[1], [0], [0], [1], [0, 0, 1, 1], [], []>, transpose_lhs_hint = false} : vector<640x4xf32>, vector<4x256xf32>, vector<640x256xf32> -> vector<640x256xf32>
    %mul3A_51 = arith.mulf %mul3A_37, %dot_general3A_50 : vector<640x256xf32>
    %get3A_52 = arith.constant 0 : index
    %get3A_53 = arith.constant 0 : index
    %get3A_54 = vector.load %arg6[%get3A_52, %get3A_53] : memref<256x512xf32, #tpu.memory_space<vmem>>, vector<256x512xf32>
    %dot_general3A_55 = arith.constant dense<0.000000e+00> : vector<640x512xf32>
    %dot_general3A_56 = tpu.matmul %mul3A_51, %get3A_54, %dot_general3A_55 {dimension_numbers = #tpu.dot_dimension_numbers<[1], [0], [0], [1], [0, 0, 1, 1], [], []>, transpose_lhs_hint = false} : vector<640x256xf32>, vector<256x512xf32>, vector<640x512xf32> -> vector<640x512xf32>
    %lt3A = arith.constant 64 : i32
    %lt3A_57 = arith.cmpi slt, %arg0, %lt3A : i32
    %jit3A = arith.constant 1.000000e+00 : f32
    %jit3A_58 = arith.constant 0.000000e+00 : f32
    %select_n3A = arith.select %lt3A_57, %jit3A, %jit3A_58 : f32
    %mul3A_59 = vector.broadcast %select_n3A : f32 to vector<640x512xf32>
    %mul3A_60 = arith.mulf %dot_general3A_56, %mul3A_59 : vector<640x512xf32>
    %swap3A = arith.constant 0 : index
    %swap3A_61 = arith.constant 0 : index
    %swap3A_62 = vector.load %arg8[%swap3A, %swap3A_61] : memref<640x512xf32, #tpu.memory_space<vmem>>, vector<640x512xf32>
    tpu.vector_store %arg8[%swap3A, %swap3A_61], %mul3A_60 {strides = array<i32>} : memref<640x512xf32, #tpu.memory_space<vmem>>, vector<640x512xf32>,
    return
  }
  func.func @transform_0(%arg0: i32) -> (i32, i32) {
    %add3A = arith.constant 0 : i32
    %add3A_0 = arith.addi %arg0, %add3A : i32
    %min3A = arith.constant 124 : i32
    %min3A_1 = arith.minsi %add3A_0, %min3A : i32
    %c0_i32 = arith.constant 0 : i32
    %c0_i32_2 = arith.constant 0 : i32
    return %min3A_1, %c0_i32 : i32, i32
  }
  func.func @transform_1(%arg0: i32) -> (i32, i32) {
    %add3A = arith.constant 0 : i32
    %add3A_0 = arith.addi %arg0, %add3A : i32
    %min3A = arith.constant 124 : i32
    %min3A_1 = arith.minsi %add3A_0, %min3A : i32
    %c0_i32 = arith.constant 0 : i32
    %c0_i32_2 = arith.constant 0 : i32
    return %min3A_1, %c0_i32 : i32, i32
  }
  func.func @transform_2(%arg0: i32) -> (i32, i32) {
    %c0_i32 = arith.constant 0 : i32
    %c0_i32_0 = arith.constant 0 : i32
    %c0_i32_1 = arith.constant 0 : i32
    return %c0_i32, %c0_i32_0 : i32, i32
  }
  func.func @transform_3(%arg0: i32) -> (i32, i32) {
    %c0_i32 = arith.constant 0 : i32
    %c0_i32_0 = arith.constant 0 : i32
    %c0_i32_1 = arith.constant 0 : i32
    return %c0_i32, %c0_i32_0 : i32, i32
  }
  func.func @transform_4(%arg0: i32) -> (i32, i32) {
    %c0_i32 = arith.constant 0 : i32
    %c0_i32_0 = arith.constant 0 : i32
    %c0_i32_1 = arith.constant 0 : i32
    return %c0_i32, %c0_i32_0 : i32, i32
  }
  func.func @transform_5(%arg0: i32) -> (i32, i32) {
    %c0_i32 = arith.constant 0 : i32
    %c0_i32_0 = arith.constant 0 : i32
    %c0_i32_1 = arith.constant 0 : i32
    return %c0_i32, %c0_i32_0 : i32, i32
  }
  func.func @transform_6(%arg0: i32) -> (i32, i32) {
    %c0_i32 = arith.constant 0 : i32
    %c0_i32_0 = arith.constant 0 : i32
    %c0_i32_1 = arith.constant 0 : i32
    return %c0_i32, %c0_i32_0 : i32, i32
  }
  func.func @transform_7(%arg0: i32) -> (i32, i32) {
    %c0_i32 = arith.constant 0 : i32
    %c0_i32_0 = arith.constant 0 : i32
    return %arg0, %c0_i32 : i32, i32
  }
}

module attributes {stable_mosaic.version = 14 : i64} {
  func.func @_final_body(%arg0: memref<2x10240x128xf32, #tpu.memory_space<vmem>>, %arg1: memref<2x10240x128xf32, #tpu.memory_space<vmem>>, %arg2: memref<128x128xf32, #tpu.memory_space<vmem>>, %arg3: memref<10240x128xf32, #tpu.memory_space<vmem>>) attributes {dimension_semantics = [], scalar_prefetch = 0 : i64, scratch_operands = 0 : i64, tpu.core_type = #tpu.core_type<tc>} {
    %get3A = arith.constant 0 : index
    %get3A_0 = arith.constant 0 : index
    %get3A_1 = arith.constant 0 : index
    %get3A_2 = vector.load %arg0[%get3A, %get3A_0, %get3A_1] : memref<2x10240x128xf32, #tpu.memory_space<vmem>>, vector<1x10240x128xf32>
    %get3A_3 = vector.shape_cast %get3A_2 : vector<1x10240x128xf32> to vector<10240x128xf32>
    %get3A_4 = arith.constant 1 : index
    %get3A_5 = arith.constant 0 : index
    %get3A_6 = arith.constant 0 : index
    %get3A_7 = vector.load %arg0[%get3A_4, %get3A_5, %get3A_6] : memref<2x10240x128xf32, #tpu.memory_space<vmem>>, vector<1x10240x128xf32>
    %get3A_8 = vector.shape_cast %get3A_7 : vector<1x10240x128xf32> to vector<10240x128xf32>
    %add3A = arith.addf %get3A_3, %get3A_8 : vector<10240x128xf32>
    %get3A_9 = arith.constant 0 : index
    %get3A_10 = arith.constant 0 : index
    %get3A_11 = arith.constant 0 : index
    %get3A_12 = vector.load %arg1[%get3A_9, %get3A_10, %get3A_11] : memref<2x10240x128xf32, #tpu.memory_space<vmem>>, vector<1x10240x128xf32>
    %get3A_13 = vector.shape_cast %get3A_12 : vector<1x10240x128xf32> to vector<10240x128xf32>
    %add3A_14 = arith.addf %add3A, %get3A_13 : vector<10240x128xf32>
    %get3A_15 = arith.constant 1 : index
    %get3A_16 = arith.constant 0 : index
    %get3A_17 = arith.constant 0 : index
    %get3A_18 = vector.load %arg1[%get3A_15, %get3A_16, %get3A_17] : memref<2x10240x128xf32, #tpu.memory_space<vmem>>, vector<1x10240x128xf32>
    %get3A_19 = vector.shape_cast %get3A_18 : vector<1x10240x128xf32> to vector<10240x128xf32>
    %add3A_20 = arith.addf %add3A_14, %get3A_19 : vector<10240x128xf32>
    %get3A_21 = arith.constant 0 : index
    %get3A_22 = arith.constant 0 : index
    %get3A_23 = vector.load %arg2[%get3A_21, %get3A_22] : memref<128x128xf32, #tpu.memory_space<vmem>>, vector<128x128xf32>
    %dot_general3A = arith.constant dense<0.000000e+00> : vector<10240x128xf32>
    %dot_general3A_24 = tpu.matmul %add3A_20, %get3A_23, %dot_general3A {dimension_numbers = #tpu.dot_dimension_numbers<[1], [0], [0], [1], [0, 0, 1, 1], [], []>, transpose_lhs_hint = false} : vector<10240x128xf32>, vector<128x128xf32>, vector<10240x128xf32> -> vector<10240x128xf32>
    %swap3A = arith.constant 0 : index
    %swap3A_25 = arith.constant 0 : index
    %swap3A_26 = vector.load %arg3[%swap3A, %swap3A_25] : memref<10240x128xf32, #tpu.memory_space<vmem>>, vector<10240x128xf32>
    tpu.vector_store %arg3[%swap3A, %swap3A_25], %dot_general3A_24 {strides = array<i32>} : memref<10240x128xf32, #tpu.memory_space<vmem>>, vector<10240x128xf32>,
    return
  }
}

</mosaic_0001>

<sc_bundles>
// kernel: kernel.11.cloned.1.call-start
scs
__scs_entry_jumppad:
0x0: {  	(pc) =	sbr.rel $0x88, $3  }
0x1: {  	(tag) =	ssettag $0x0;
	lr =	simm.s32 $0x1  }
0x2: {  	[smem:$0x3F97] =	sst lr;
	_ =	strace $0xD0000000  }
0x3: {  	_ = 	snop  }
0x4: {  	_ = 	snop  }
0x5: {  	_ = 	snop  }
0x6: {  	_ = 	snop  }
0x7: {  	_ = 	snop  }
__scs_overlays_trampoline_lowered:
0x8: {  	[smem:$0x3FA6] =	sst s0  }
0x9: {  	[smem:$0x3FA7] =	sst s1  }
0xa: {  	[smem:$0x3FA8] =	sst s2  }
0xb: {  	[smem:$0x3FA9] =	sst s3  }
0xc: {  	[smem:$0x3FAA] =	sst s4  }
0xd: {  	[smem:$0x3FAB] =	sst s5  }
0xe: {  	[smem:$0x3FAC] =	sst s6  }
0xf: {  	[smem:$0x3FAD] =	sst s7  }
0x10: {  	[smem:$0x3FAE] =	sst s8  }
0x11: {  	[smem:$0x3FAF] =	sst s9;
	s0 =	simm.s32 @!p0 $0x0  }
0x12: {  	s1 =	sld [smem:$0x3F95];
	s0 =	simm.s32 @p0 $0x1  }
0x13: {  	[smem:$0x3FB0] =	sst s0;
	s0 =	simm.s32 @!p1 $0x0  }
0x14: {  	s2 =	sld [smem:$0x3F94];
	s0 =	simm.s32 @p1 $0x1  }
0x15: {  	[smem:$0x3FB1] =	sst s0;
	s0 =	simm.s32 @!p2 $0x0  }
0x16: {  	s3 =	sld [smem:$0x3FDB];
	s0 =	simm.s32 @p2 $0x1  }
0x17: {  	s4 =	simm.s32 $0x1BF5;
	[smem:$0x3FB3] =	sst s0  }
0x18: {  	s0 =	sld [smem:$0x3F96];
	_ =	swait.ge [sflag:s4], $0x0  }
0x19: {  	s7 =	sld [smem:$0x3F97]  }
0x1a: {  	s8 =	sadd.s32 $0xFFFFE003, lr  }
0x1b: {  	s9 =	sadd.s32 $0xFFFFFEF7, lr;
	s5 =	simm.s32 $0xFFFFFFFF;
	p2 =	slt.u32 s8, $0xFFFFF086  }
0x1c: {  	p1 =	slt.u32 s9, $0xF7A;
	s5 =	simm.s32 @!p2 $0x0  }
0x1d: {  	s5 =	simm.s32 @p1 $0x1;
	p0 =	seq.s32 s7, s2  }
0x1e: {  	s7 =	smul.u32 @!p0 $0xF7A, s2;
	p2 =	seq.s32 @!p0 s5, $0x0  }
0x1f: {  	s9 =	smul.u32 $0xF7A, s1;
	s8 =	simm.s32 @!p0 $0x1BF5;
	p2 =	por !p2, p0  }
0x20: {  	[sflag:s8] =	ssyncset.s32 @!p0 $0xFFFFF086;
	s6 =	sadd.s32 @!p0 s3, s7;
	s7 =	simm.s32 @!p0 $0x108  }
0x21: {  	s3 =	sadd.s32 s3, s9;
	s6 =	sadd.s32 @!p0 $0x88, s6;
	s7 =	simm.s32 @p2 $0x1082  }
0x22: {  	[simem:s7], [sflag:s8] =	dma.local @!p0 [hbm:s6], $0xF7A  }
0x23: {  	s9 =	sor.u32 $0xD0000000, s2;
	s6 =	simm.s32 $0x108;
	_ =	swait.ge @!p0 [sflag:s8], $0x0  }
0x24: {  	s3 =	sadd.s32 $0x88, s3;
	s6 =	simm.s32 @!p1 $0x1082;
	[sflag:s4] =	ssyncset.s32 $0xFFFFF086  }
0x25: {  	[simem:s6], [sflag:s4] =	dma.local [hbm:s3], $0xF7A  }
0x26: {  	[smem:$0x3F97] =	sst s1;
	(tag) =	ssettag s2;
	_ =	strace s9  }
0x27: {  	s1 =	sld [smem:$0x3FA7]  }
0x28: {  	s2 =	sld [smem:$0x3FA8]  }
0x29: {  	s4 =	sld [smem:$0x3FAA]  }
0x2a: {  	p0 =	seq.s32 s5, $0x0;
	s5 =	sld [smem:$0x3FAB]  }
0x2b: {  	s6 =	sld [smem:$0x3FAC]  }
0x2c: {  	s7 =	sld [smem:$0x3FAD]  }
0x2d: {  	s3 =	simm.s32 $0x108;
	s8 =	sld [smem:$0x3FAE]  }
0x2e: {  	s3 =	simm.s32 @!p0 $0x1082;
	s9 =	sld [smem:$0x3FAF]  }
0x2f: {  	lr =	sadd.s32 s0, s3;
	s0 =	sld [smem:$0x3FA6]  }
0x30: {  	s3 =	sld [smem:$0x3FA9]  }
0x31: {  	[smem:$0x3FB2] =	sst s10  }
0x32: {  	s10 =	sld [smem:$0x3FB0];
	_ =	sdelay $0x3  }
0x33: {  	p0 =	seq.s32 s10, $0x1;
	s10 =	sld [smem:$0x3FB2];
	_ =	sdelay $0x3  }
0x34: {  	[smem:$0x3FB2] =	sst s10  }
0x35: {  	s10 =	sld [smem:$0x3FB1];
	_ =	sdelay $0x3  }
0x36: {  	p1 =	seq.s32 s10, $0x1;
	s10 =	sld [smem:$0x3FB2];
	_ =	sdelay $0x3  }
0x37: {  	[smem:$0x3FB2] =	sst s10  }
0x38: {  	s10 =	sld [smem:$0x3FB3]  }
0x39: {  	_ = 	snop;
	(pc) =	sbr.ind lr, $3  }
0x3a: {  	_ = 	snop  }
0x3b: {  	_ = 	snop  }
0x3c: {  	p2 =	seq.s32 s10, $0x1;
	s10 =	sld [smem:$0x3FB2]  }
0x3d: {  	_ =	shalt  }
0x3e: {  	_ =	shalt  }
0x3f: {  	_ =	shalt  }
0x40: {  	_ =	shalt  }
0x41: {  	_ =	shalt  }
0x42: {  	_ =	shalt  }
0x43: {  	_ =	shalt  }
0x44: {  	_ =	shalt  }
0x45: {  	_ =	shalt  }
0x46: {  	_ =	shalt  }
0x47: {  	_ =	shalt  }
0x48: {  	_ =	shalt  }
0x49: {  	_ =	shalt  }
0x4a: {  	_ =	shalt  }
0x4b: {  	_ =	shalt  }
0x4c: {  	_ =	shalt  }
0x4d: {  	_ =	shalt  }
0x4e: {  	_ =	shalt  }
0x4f: {  	_ =	shalt  }
0x50: {  	_ =	shalt  }
0x51: {  	_ =	shalt  }
0x52: {  	_ =	shalt  }
0x53: {  	_ =	shalt  }
0x54: {  	_ =	shalt  }
0x55: {  	_ =	shalt  }
0x56: {  	_ =	shalt  }
0x57: {  	_ =	shalt  }
0x58: {  	_ =	shalt  }
0x59: {  	_ =	shalt  }
0x5a: {  	_ =	shalt  }
0x5b: {  	_ =	shalt  }
0x5c: {  	_ =	shalt  }
0x5d: {  	_ =	shalt  }
0x5e: {  	_ =	shalt  }
0x5f: {  	_ =	shalt  }
0x60: {  	_ =	shalt  }
0x61: {  	_ =	shalt  }
0x62: {  	_ =	shalt  }
0x63: {  	_ =	shalt  }
0x64: {  	_ =	shalt  }
0x65: {  	_ =	shalt  }
0x66: {  	_ =	shalt  }
0x67: {  	_ =	shalt  }
0x68: {  	_ =	shalt  }
0x69: {  	_ =	shalt  }
0x6a: {  	_ =	shalt  }
0x6b: {  	_ =	shalt  }
0x6c: {  	_ =	shalt  }
0x6d: {  	_ =	shalt  }
0x6e: {  	_ =	shalt  }
0x6f: {  	_ =	shalt  }
0x70: {  	_ =	shalt  }
0x71: {  	_ =	shalt  }
0x72: {  	_ =	shalt  }
0x73: {  	_ =	shalt  }
0x74: {  	_ =	shalt  }
0x75: {  	_ =	shalt  }
0x76: {  	_ =	shalt  }
0x77: {  	_ =	shalt  }
0x78: {  	_ =	shalt  }
0x79: {  	_ =	shalt  }
0x7a: {  	_ =	shalt  }
0x7b: {  	_ =	shalt  }
0x7c: {  	_ =	shalt  }
0x7d: {  	_ =	shalt  }
0x7e: {  	_ =	shalt  }
0x7f: {  	_ =	shalt  }
0x80: {  	_ =	shalt  }
0x81: {  	_ =	shalt  }
0x82: {  	_ =	shalt  }
0x83: {  	_ =	shalt  }
0x84: {  	_ =	shalt  }
0x85: {  	_ =	shalt  }
0x86: {  	_ =	shalt  }
0x87: {  	_ =	shalt  }
.Lfunc_end0:
.L_simem_size_0:
called_computation.1_lowered:
.L_overlay_start_0:
0x88: {  	s2 =	sld [smem:$0x3FD9]  }
0x89: {  	s3 =	sld [smem:$0x3FFE];
	_ =	sdelay $0x1  }
0x8a: {  	s1 =	srdreg.scid  }
0x8b: {  	s0 =	sand.u32 $0x1, s1  }
0x8c: {  	s17 =	sshll.u32 s0, $0xA;
	s2 =	sadd.s32 s3, s2  }
0x8d: {  	s2 =	sadd.s32 s2, s17  }
0x8e: {  	[smem:$0x3FBE] =	sst s2  }
0x8f: {  	_ = 	snop  }
0x90: {  	s2 =	sld [smem:$0x3FD0];
	(tm) =	ssettm $0x1  }
0x91: {  	s18 =	sld [smem:$0x3FFB];
	_ =	sdelay $0x3  }
0x92: {  	_ =	strace s18  }
0x93: {  	s3 =	sld [smem:$0x3FFC];
	_ =	sdelay $0x3  }
0x94: {  	_ =	strace s3  }
0x95: {  	s3 =	sld [smem:$0x3FFD];
	_ =	sdelay $0x3  }
0x96: {  	_ =	strace s3  }
0x97: {  	_ =	strace $0x8FFFFFFF  }
0x98: {  	s19 =	sld [smem:$0x3FDB];
	_ =	sdelay $0x1  }
0x99: {  	s4 =	simm.s32 $_scs_section_size  }
0x9a: {  	s5 =	simm.s32 $_size__tile_overlayer_lowered;
	s6 =	simm.s32 $_tile_overlayer_lowered  }
0x9b: {  	s22 =	simm.s32 $0x1BFF;
	s21 =	sshll.u32 s6, $0x1;
	s3 =	sadd.s32 s4, s19  }
0x9c: {  	s7 =	simm.s32 $0x0;
	s20 =	sshll.u32 s5, $0x1;
	s5 =	sadd.s32 s21, s3  }
0x9d: {  	[timem:s7], [sflag:s22] =	dma.local [hbm:s5], s20  }
0x9e: {  	_ =	swait.ge [sflag:s22], s20  }
0x9f: {  	s4 =	ssub.s32 $0x0, s20;
	[sflag:s22] =	ssyncset.done $0x0  }
0xa0: {  	[sflag:s22] =	ssyncadd.s32 s4;
	_ =	sdelay $0x1  }
0xa1: {  	s23 =	simm.s32 $0x1B8B  }
0xa2: {  	_ =	swait.ge [sflag:s23], $0x1  }
0xa3: {  	[sflag:s23] =	ssyncset.done $0x0  }
0xa4: {  	s25 =	simm.s32 $0x1B8E;
	s24 =	sld [smem:$0x3FFE];
	[sflag:s23] =	ssyncadd.s32 $0xFFFFFFFF  }
0xa5: {  	s26 =	simm.s32 $execute0_lowered;
	[smem:$0x3FD2] =	sst s25  }
0xa6: {  	s5 =	sshll.u32 s26, $0x1;
	_ =	strace $0x80000046;
	[dreg:$0x1] =	wrdreg $0xFFFFFFFF  }
0xa7: {  	s28 =	simm.s32 $_size_execute0_lowered;
	s3 =	sadd.s32 s3, s5;
	[dreg:$0x0] =	wrdreg $0x0  }
0xa8: {  	s5 =	sshll.u32 s28, $0x1;
	[dreg:$0x2] =	wrdreg s3  }
0xa9: {  	[dreg:$0x3] =	wrdreg s5  }
0xaa: {  	[dreg:$0x4] =	wrdreg $0xC0  }
0xab: {  	_ =	task [dreg:s7], $0x5FFFF  }
0xac: {  	[dreg:$0x1] =	wrdreg $0xFFFFFFFF  }
0xad: {  	[dreg:$0x0] =	wrdreg $0x60  }
0xae: {  	[dreg:$0x2] =	wrdreg s2  }
0xaf: {  	[dreg:$0x3] =	wrdreg s24  }
0xb0: {  	[dreg:$0x4] =	wrdreg $0x84000  }
0xb1: {  	[dreg:$0x5] =	wrdreg $0xA  }
0xb2: {  	_ =	task.clear_ibuf [dreg:s7], $0x6FFFF;
	_ =	strace $0x90000046  }
0xb3: {  	s29 =	simm.s32 $0xA;
	_ =	strace $0x80000048  }
0xb4: {  	_ =	swait.ge [sflag:s29], $0x1  }
0xb5: {  	[sflag:s29] =	ssyncadd.s32 $0xFFFFFFFF  }
0xb6: {  	_ =	strace $0x90000048  }
0xb7: {  	_ =	sfence  }
0xb8: {  	s30 =	sld [smem:$0x0];
	_ =	sdelay $0x2  }
0xb9: {  	s31 =	sshll.u32 s1, $0xD;
	s1 =	sshrl.u32 s1, $0x2  }
0xba: {  	s3 =	sand.u32 $0x4000, s31;
	s1 =	sadd.s32 s1, s30  }
0xbb: {  	s0 =	sor.u32 s3, s0;
	s1 =	sshll.u32 s1, $0x11  }
0xbc: {  	s0 =	sor.u32 s1, s0  }
0xbd: {  	s0 =	sadd.s32 $0x8F2B, s0  }
0xbe: {  	[sflag:s0] =	ssyncadd.remote.s32 $0x1  }
0xbf: {  	_ =	sfence.sel $0xFFFF  }
0xc0: {  	[dreg:$0x0] =	wrdreg $0xFFFFFFFF;
	(pc) =	sbr.abs _section_cstart, $3  }
0xc1: {  	[dreg:$0x1] =	wrdreg $0xFFFFFFFF  }
0xc2: {  	_ =	task.clear_ibuf [dreg:s7], $0x2FFFF;
	_ =	strace $0x9FFFFFFF  }
0xc3: {  	(tm) =	ssettm $0x7FFFFFFF  }
tec
execute0_lowered:
.L_overlay_start_1:
0x0: {  	(tag) =	ssettag $0x1  }
0x1: {  	s1 =	rddreg [dreg:$0x0]  }
0x2: {  	s0 =	srdreg.scid;
	s9 =	rddreg [dreg:$0x1]  }
0x3: {  	s17 =	stileid.u32;
	s3 =	rddreg [dreg:$0x2]  }
0x4: {  	s5 =	simm.s32 $0x0;
	s28 =	simm.s32 $0x2400;
	s29 =	simm.s32 $0x4  }
0x5: {  	s30 =	simm.s32 $0x2;
	s31 =	simm.s32 $0x5;
	s0 =	sand.u32 $0x1, s0  }
0x6: {  	[smem:$0x7FF] =	sst s5;
	s8 =	smul.u32 $0x14000, s17;
	s7 =	sadd.s32 $0x9CF200, s9  }
0x7: {  	s16 =	smul.u32 $0x50000, s17;
	s20 =	sshll.u32 s17, $0x6;
	s2 =	sshll.u32 s0, $0x4  }
0x8: {  	_ =	strace $0x80000047;
	s10 =	smul.u32 $0x140000, s0;
	s2 =	sor.u32 s17, s2  }
0x9: {  	s0 =	ssub.s32 $0x2, s0;
	s13 =	sshrl.u32 s8, $0x3;
	s4 =	smul.u32 $0x50, s2  }
0xa: {  	s25 =	sshrl.u32 s0, $0x1;
	s26 =	sshrl.u32 s16, $0x2;
	s6 =	smul.u32 $0xFFFFFFB0, s2  }
0xb: {  	s10 =	sadd.s32 s8, s10;
	s8 =	sadd.s32 $0x9C5200, s9;
	s16 =	smul.u32 $0xA0000, s2  }
0xc: {  	s13 =	sadd.s32 s13, s9;
	s0 =	ssub.s32 s0, s25;
	s19 =	smul.u32 $0x2800, s2  }
0xd: {  	s18 =	sadd.s32 s26, s3;
	s2 =	smul.u32 $0x14000, s2;
	s11 =	sadd.s32 s4, s6  }
0xe: {  	s10 =	sshrl.u32 s10, $0x3;
	s17 =	smax.u32 s0, $0x1;
	s12 =	sor.u32 $0x1, s11  }
0xf: {  	s18 =	sshrl.u32 s18, $0x3;
	s6 =	sadd.s32 $0x9D9200, s9;
	s14 =	smul.u32 $0x6667, s12  }
0x10: {  	s9 =	sadd.s32 s10, s9;
	s21 =	sshrl.u32 s19, $0x3;
	s11 =	sshra.s32 s11, $0x1F  }
0x11: {  	s22 =	sadd.s32 s7, s21;
	s15 =	sshrl.u32 s14, $0x1F;
	s14 =	sshra.s32 s14, $0x12  }
0x12: {  	s24 =	sadd.s32 s8, s21;
	[dreg:$0x5] =	wrdreg s22;
	s14 =	sadd.s32 s15, s14  }
0x13: {  	s2 =	sadd.s32 s6, s2;
	[dreg:$0x6] =	wrdreg s24;
	s11 =	sadd.s32 s14, s11  }
0x14: {  	s26 =	sadd.s32 $0xC81200, s9;
	[dreg:$0x7] =	wrdreg s2;
	s14 =	smul.u32 $0x1FFF6, s11  }
0x15: {  	s0 =	simm.s32 $0x0;
	s21 =	simm.s32 $0x400;
	[dreg:$0x9] =	wrdreg s26  }
0x16: {  	s22 =	simm.s32 $0x1000;
	s11 =	sshll.u32 s11, $0xA;
	s12 =	sadd.s32 s12, s14  }
.Ltmp0:
0x17: {  	s10 =	sadd.s32 s16, s11;
	s12 =	sshll.u32 s12, $0xF;
	(pc) =	sbr.rel .LBB2_1-.Ltmp0, $4  }
0x18: {  	s24 =	simm.s32 $0x40;
	s15 =	sadd.s32 $0xC59200, s13;
	s12 =	sadd.s32 s12, s10  }
0x19: {  	s2 =	simm.s32 $0x3;
	[dreg:$0x4] =	wrdreg s15;
	s23 =	sshrl.u32 s12, $0x3  }
0x1a: {  	s15 =	sor.u32 $0x100, s19;
	s19 =	simm.s32 $0x6;
	s25 =	sadd.s32 s6, s23  }
0x1b: {  	s10 =	sor.u32 $0x1C06, s20;
	[dreg:$0x8] =	wrdreg s25;
	s25 =	simm.s32 $0x6400  }
.LBB2_8:
0x1c: {  	s0 =	sadd.s32 $0x1, s0  }
0x1d: {  	[bflag:$0x0] =	sbarrier.arrive $0xFFFF;
	p0 =	sne.s32 s0, s17  }
.Ltmp1:
0x1e: {  	s9 =	rddreg [dreg:$0x9];
	(pc) =	sbr.rel @!p0 .LBB2_9-.Ltmp1, $4  }
0x1f: {  	[hbm:s9], [sflag:s10] =	dma.local [spmem:s18], $0x2800  }
0x20: {  	_ =	swait.ge [sflag:s19], $0x2800  }
0x21: {  	[sflag:s19] =	ssyncset.done $0x0  }
0x22: {  	[sflag:s19] =	ssyncadd.s32 $0xFFFFD800  }
.LBB2_1:
0x23: {  	s9 =	rddreg [dreg:$0x4]  }
0x24: {  	[spmem:s18], [sflag:s10] =	dma.local [hbm:s9], $0x2800  }
0x25: {  	_ =	swait.ge [sflag:s19], $0x2800  }
0x26: {  	[sflag:s19] =	ssyncset.done $0x0  }
0x27: {  	[sflag:s19] =	ssyncadd.s32 $0xFFFFD800  }
0x28: {  	[bflag:$0x0] =	sbarrier.arrive $0xFFFF  }
0x29: {  	s13 =	rddreg [dreg:$0x5]  }
0x2a: {  	[tilespmem:s5], [sflag:$0x6] =	stream.linear.gather [hbm4b:s13+s5], $0x100, $0x38;
	[tilespmem:$0x1C400] =	vst v63  }
0x2b: {  	_ =	swait.ge [sflag:s19], $0x100  }
0x2c: {  	[sflag:s19] =	ssyncset.done $0x0  }
0x2d: {  	s11 =	simm.s32 $0x100;
	s14 =	rddreg [dreg:$0x6];
	[sflag:s19] =	ssyncadd.s32 $0xFFFFFF00  }
0x2e: {  	[tilespmem:s11], [sflag:$0x6] =	stream.linear.gather [hbm4b:s14+s5], $0x100, $0x38;
	[tilespmem:$0x1C400] =	vst v63  }
0x2f: {  	_ =	swait.ge [sflag:s19], $0x100  }
0x30: {  	[sflag:s19] =	ssyncset.done $0x0  }
0x31: {  	s20 =	simm.s32 $0x4400;
	s16 =	rddreg [dreg:$0x7];
	[sflag:s19] =	ssyncadd.s32 $0xFFFFFF00  }
0x32: {  	[tilespmem:s20], [sflag:$0x4] =	stream.strided.gather [hbm4b:s16+s21], $0x2000, s22, s21, $0x38;
	[tilespmem:$0x1C400] =	vst v63  }
0x33: {  	_ = 	snop  }
0x34: {  	[tilespmem:s21], [sflag:$0x2] =	stream.indirect.gather [hbm4b:s1+s24], $0x80, s5, s24, $0xb8;
	[tilespmem:$0x1C400] =	vst v63  }
0x35: {  	s23 =	rddreg [dreg:$0x8]  }
0x36: {  	[tilespmem:s25], [sflag:$0x5] =	stream.strided.gather [hbm4b:s23+s21], $0x2000, s22, s21, $0x38;
	[tilespmem:$0x1C400] =	vst v63  }
0x37: {  	s26 =	simm.s32 $0x80;
	s20 =	simm.s32 $0x0  }
0x38: {  	[tilespmem:s28], [sflag:$0x3] =	stream.indirect.gather [hbm4b:s1+s24], $0x80, s26, s24, $0xb8;
	[tilespmem:$0x1C400] =	vst v63  }
.LBB2_2:
0x39: {  	p0 =	seq.s32 s20, $0x27  }
0x3a: {  	s9 =	sshll.u32 @!p0 s20, $0x8  }
0x3b: {  	s23 =	sshll.u32 @!p0 s20, $0x9;
	s9 =	sadd.s32 @!p0 s9, s15  }
0x3c: {  	s23 =	sand.u32 @!p0 $0x200, s23;
	s9 =	sshrl.u32 @!p0 s9, $0x3  }
0x3d: {  	s12 =	simm.s32 @!p0 $0x0;
	s26 =	sxor.u32 @!p0 $0x200, s23;
	s11 =	sadd.s32 @!p0 s7, s9  }
0x3e: {  	[tilespmem:s26], [sflag:$0x1] =	stream.linear.gather @!p0 [hbm4b:s11+s12], $0x100, $0x38;
	[tilespmem:$0x1C400] =	vst v63  }
0x3f: {  	s9 =	sadd.s32 @!p0 s8, s9;
	s11 =	sxor.u32 @!p0 $0x300, s23  }
0x40: {  	[tilespmem:s11], [sflag:$0x1] =	stream.linear.gather @!p0 [hbm4b:s9+s12], $0x100, $0x38;
	[tilespmem:$0x1C400] =	vst v63  }
0x41: {  	_ =	swait.ge [sflag:s29], $0x2000  }
0x42: {  	[sflag:s29] =	ssyncset.done $0x0  }
0x43: {  	[sflag:s29] =	ssyncadd.s32 $0xFFFFE000  }
0x44: {  	_ =	swait.ge [sflag:s30], $0x2000  }
0x45: {  	[sflag:s30] =	ssyncset.done $0x0  }
0x46: {  	s26 =	simm.s32 $0x0;
	[sflag:s30] =	ssyncadd.s32 $0xFFFFE000  }
0x47: {  	v7 =	vld [tilespmem:s26+$0x4400]  }
0x48: {  	v11 =	vld [tilespmem:s26+$0x4410]  }
0x49: {  	v5 =	vld [tilespmem:s26+$0x4420]  }
0x4a: {  	v4 =	vld [tilespmem:s26+$0x4430]  }
0x4b: {  	v3 =	vld [tilespmem:s26+$0x4440]  }
0x4c: {  	v2 =	vld [tilespmem:s26+$0x4450]  }
0x4d: {  	v1 =	vld [tilespmem:s26+$0x4460]  }
0x4e: {  	v0 =	vld [tilespmem:s26+$0x4470]  }
0x4f: {  	v12 =	vld [tilespmem:s26+$0x400]  }
0x50: {  	v13 =	vld [tilespmem:s26+$0x410]  }
0x51: {  	v10 =	vld [tilespmem:s26+$0x420]  }
0x52: {  	v9 =	vld [tilespmem:s26+$0x430]  }
0x53: {  	v8 =	vld [tilespmem:s26+$0x440]  }
0x54: {  	s23 =	sshll.u32 s20, $0x1;
	v6 =	vld [tilespmem:s26+$0x450];
	v12 =	vmul.f32 v7, v12  }
0x55: {  	s23 =	sadd.s32 s4, s23;
	s9 =	simm.s32 $0x200;
	v11 =	vmul.f32 v11, v13;
	v7 =	vld [tilespmem:s26+$0x460]  }
.LBB2_3:
0x56: {  	s11 =	sshra.s32 s9, $0x2;
	p1 =	sne.s32 s9, $0x7E00;
	[tilespmem:s26+$0x400] =	vst v12;
	v5 =	vmul.f32 v5, v10;
	v10 =	vld [tilespmem:s26+$0x470]  }
0x57: {  	v12 =	vld [tilespmem:s11+$0x4400];
	[tilespmem:s26+$0x410] =	vst v11;
	v4 =	vmul.f32 v4, v9  }
0x58: {  	v11 =	vld [tilespmem:s11+$0x4410];
	[tilespmem:s26+$0x420] =	vst v5;
	v3 =	vmul.f32 v3, v8  }
0x59: {  	v5 =	vld [tilespmem:s11+$0x4420];
	[tilespmem:s26+$0x430] =	vst v4;
	v2 =	vmul.f32 v2, v6  }
0x5a: {  	v4 =	vld [tilespmem:s11+$0x4430];
	[tilespmem:s26+$0x440] =	vst v3;
	v1 =	vmul.f32 v1, v7  }
0x5b: {  	v3 =	vld [tilespmem:s11+$0x4440];
	[tilespmem:s26+$0x450] =	vst v2;
	v0 =	vmul.f32 v0, v10  }
0x5c: {  	v2 =	vld [tilespmem:s11+$0x4450];
	[tilespmem:s26+$0x460] =	vst v1  }
0x5d: {  	v1 =	vld [tilespmem:s11+$0x4460];
	[tilespmem:s26+$0x470] =	vst v0;
	s26 =	smov.u32 s11  }
0x5e: {  	v0 =	vld [tilespmem:s26+$0x4470]  }
0x5f: {  	v6 =	vld [tilespmem:s26+$0x400]  }
0x60: {  	v7 =	vld [tilespmem:s26+$0x410]  }
.Ltmp2:
0x61: {  	v10 =	vld [tilespmem:s26+$0x420];
	(pc) =	sbr.rel @p1 .LBB2_3-.Ltmp2, $4  }
0x62: {  	v9 =	vld [tilespmem:s26+$0x430]  }
0x63: {  	v8 =	vld [tilespmem:s26+$0x440]  }
0x64: {  	v12 =	vmul.f32 v12, v6;
	v6 =	vld [tilespmem:s26+$0x450]  }
0x65: {  	s9 =	sadd.s32 $0x200, s9;
	v11 =	vmul.f32 v11, v7;
	v7 =	vld [tilespmem:s26+$0x460]  }
0x66: {  	s9 =	sadd.s32 @!p0 $0x2, s23  }
0x67: {  	[tilespmem:s26+$0x400] =	vst v12;
	v5 =	vmul.f32 v5, v10;
	v10 =	vld [tilespmem:s26+$0x470];
	s11 =	smulhi.u32 @!p0 $0x66666667, s9  }
0x68: {  	[tilespmem:s26+$0x410] =	vst v11;
	v4 =	vmul.f32 v4, v9  }
0x69: {  	[tilespmem:s26+$0x420] =	vst v5;
	v3 =	vmul.f32 v3, v8;
	s11 =	sshrl.u32 @!p0 s11, $0x4  }
0x6a: {  	[tilespmem:s26+$0x430] =	vst v4;
	v2 =	vmul.f32 v2, v6;
	s12 =	smul.u32 @!p0 $0xFFFFFFD8, s11  }
0x6b: {  	[tilespmem:s26+$0x440] =	vst v3;
	v1 =	vmul.f32 v1, v7  }
0x6c: {  	s13 =	sshll.u32 s20, $0x9;
	[tilespmem:s26+$0x450] =	vst v2;
	v0 =	vmul.f32 v0, v10;
	s12 =	sadd.s32 @!p0 s9, s12  }
0x6d: {  	s13 =	sand.u32 $0x200, s13;
	[tilespmem:s26+$0x460] =	vst v1;
	s14 =	smulhi.u32 @!p0 $0x66666667, s12;
	s16 =	sshra.s32 @!p0 s12, $0x1F  }
0x6e: {  	s13 =	sor.u32 $0x100, s13;
	[tilespmem:s26+$0x470] =	vst v0;
	s16 =	smul.u32 @!p0 $0x66666667, s16  }
0x6f: {  	[spmem:s3] =	stream.indirect.scatter.add.f32 [tilespmem:s21], [sflag:$0x6], $0x80, s13, s24, $0xb8;
	[tilespmem:$0x1C400] =	vst v63  }
0x70: {  	s13 =	sadd.s32 @!p0 s16, s14  }
0x71: {  	_ =	swait.ge [sflag:s19], $0x2000;
	s14 =	sshrl.u32 @!p0 s13, $0x1F;
	s13 =	sshra.s32 @!p0 s13, $0x2  }
0x72: {  	[sflag:s19] =	ssyncset.done $0x0;
	s13 =	sadd.s32 @!p0 s14, s13  }
0x73: {  	s16 =	simm.s32 @!p0 $0x1;
	[sflag:s19] =	ssyncadd.s32 $0xFFFFE000;
	s14 =	smul.u32 @!p0 $0xFFFFFFF6, s13  }
0x74: {  	s26 =	ssub.s32 @!p0 $0x0, s12;
	_ =	swait.ge @!p0 [sflag:s16], $0x100  }
0x75: {  	p1 =	slt.s32 @!p0 s12, $0x1;
	[sflag:s16] =	ssyncset.done @!p0 $0x0;
	p2 =	sne.s32 @!p0 s14, s26  }
0x76: {  	[sflag:s16] =	ssyncadd.s32 @!p0 $0xFFFFFF00;
	p1 =	por @!p0 !p1, !p2  }
0x77: {  	_ =	swait.ge @!p0 [sflag:s16], $0x100;
	p1 =	por @!p0 !p1, !p1  }
0x78: {  	[sflag:s16] =	ssyncset.done @!p0 $0x0;
	p1 =	por !p1, p0  }
0x79: {  	[sflag:s16] =	ssyncadd.s32 @!p0 $0xFFFFFF00;
	s16 =	simm.s32 @p1 $0x0  }
0x7a: {  	s13 =	ssub.s32 @!p0 s13, s16  }
0x7b: {  	s14 =	smul.u32 @!p0 $0x1FFF6, s13  }
0x7c: {  	s11 =	smul.u32 @!p0 $0x50000, s11  }
0x7d: {  	s13 =	sshll.u32 @!p0 s13, $0xA;
	s12 =	sadd.s32 @!p0 s12, s14  }
0x7e: {  	s11 =	sadd.s32 @!p0 s11, s13;
	s12 =	sshll.u32 @!p0 s12, $0xF  }
0x7f: {  	s11 =	sadd.s32 @!p0 s12, s11  }
0x80: {  	s9 =	sshll.u32 @!p0 s9, $0x8;
	s13 =	simm.s32 @!p0 $0x1000;
	s11 =	sshrl.u32 @!p0 s11, $0x3  }
0x81: {  	s14 =	simm.s32 @!p0 $0x4400;
	s12 =	simm.s32 @!p0 $0x400;
	s11 =	sadd.s32 @!p0 s6, s11  }
0x82: {  	[tilespmem:s14], [sflag:$0x4] =	stream.strided.gather @!p0 [hbm4b:s11+s12], $0x2000, s13, s12, $0x38;
	[tilespmem:$0x1C400] =	vst v63  }
0x83: {  	s9 =	sand.u32 @!p0 $0x200, s9;
	s11 =	simm.s32 @!p0 $0x40  }
0x84: {  	[tilespmem:s12], [sflag:$0x2] =	stream.indirect.gather @!p0 [hbm4b:s1+s11], $0x80, s9, s11, $0xb8;
	[tilespmem:$0x1C400] =	vst v63  }
0x85: {  	_ =	swait.ge [sflag:s31], $0x2000  }
0x86: {  	[sflag:s31] =	ssyncset.done $0x0  }
0x87: {  	[sflag:s31] =	ssyncadd.s32 $0xFFFFE000  }
0x88: {  	_ =	swait.ge [sflag:s2], $0x2000  }
0x89: {  	[sflag:s2] =	ssyncset.done $0x0  }
0x8a: {  	s26 =	simm.s32 $0x0;
	[sflag:s2] =	ssyncadd.s32 $0xFFFFE000  }
0x8b: {  	v7 =	vld [tilespmem:s26+$0x6400]  }
0x8c: {  	v11 =	vld [tilespmem:s26+$0x6410]  }
0x8d: {  	v5 =	vld [tilespmem:s26+$0x6420]  }
0x8e: {  	v4 =	vld [tilespmem:s26+$0x6430]  }
0x8f: {  	v3 =	vld [tilespmem:s26+$0x6440]  }
0x90: {  	v2 =	vld [tilespmem:s26+$0x6450]  }
0x91: {  	v1 =	vld [tilespmem:s26+$0x6460]  }
0x92: {  	v0 =	vld [tilespmem:s26+$0x6470]  }
0x93: {  	v12 =	vld [tilespmem:s26+$0x2400]  }
0x94: {  	v13 =	vld [tilespmem:s26+$0x2410]  }
0x95: {  	v10 =	vld [tilespmem:s26+$0x2420]  }
0x96: {  	v9 =	vld [tilespmem:s26+$0x2430]  }
0x97: {  	v8 =	vld [tilespmem:s26+$0x2440]  }
0x98: {  	v6 =	vld [tilespmem:s26+$0x2450];
	v12 =	vmul.f32 v7, v12  }
0x99: {  	s9 =	simm.s32 $0x200;
	v11 =	vmul.f32 v11, v13;
	v7 =	vld [tilespmem:s26+$0x2460]  }
.LBB2_5:
0x9a: {  	s11 =	sshra.s32 s9, $0x2;
	p1 =	sne.s32 s9, $0x7E00;
	[tilespmem:s26+$0x2400] =	vst v12;
	v5 =	vmul.f32 v5, v10;
	v10 =	vld [tilespmem:s26+$0x2470]  }
0x9b: {  	v12 =	vld [tilespmem:s11+$0x6400];
	[tilespmem:s26+$0x2410] =	vst v11;
	v4 =	vmul.f32 v4, v9  }
0x9c: {  	v11 =	vld [tilespmem:s11+$0x6410];
	[tilespmem:s26+$0x2420] =	vst v5;
	v3 =	vmul.f32 v3, v8  }
0x9d: {  	v5 =	vld [tilespmem:s11+$0x6420];
	[tilespmem:s26+$0x2430] =	vst v4;
	v2 =	vmul.f32 v2, v6  }
0x9e: {  	v4 =	vld [tilespmem:s11+$0x6430];
	[tilespmem:s26+$0x2440] =	vst v3;
	v1 =	vmul.f32 v1, v7  }
0x9f: {  	v3 =	vld [tilespmem:s11+$0x6440];
	[tilespmem:s26+$0x2450] =	vst v2;
	v0 =	vmul.f32 v0, v10  }
0xa0: {  	v2 =	vld [tilespmem:s11+$0x6450];
	[tilespmem:s26+$0x2460] =	vst v1  }
0xa1: {  	v1 =	vld [tilespmem:s11+$0x6460];
	[tilespmem:s26+$0x2470] =	vst v0;
	s26 =	smov.u32 s11  }
0xa2: {  	v0 =	vld [tilespmem:s26+$0x6470]  }
0xa3: {  	v6 =	vld [tilespmem:s26+$0x2400]  }
0xa4: {  	v7 =	vld [tilespmem:s26+$0x2410]  }
.Ltmp3:
0xa5: {  	v10 =	vld [tilespmem:s26+$0x2420];
	(pc) =	sbr.rel @p1 .LBB2_5-.Ltmp3, $4  }
0xa6: {  	v9 =	vld [tilespmem:s26+$0x2430]  }
0xa7: {  	v8 =	vld [tilespmem:s26+$0x2440]  }
0xa8: {  	v12 =	vmul.f32 v12, v6;
	v6 =	vld [tilespmem:s26+$0x2450]  }
0xa9: {  	s9 =	sadd.s32 $0x200, s9;
	v11 =	vmul.f32 v11, v7;
	v7 =	vld [tilespmem:s26+$0x2460]  }
0xaa: {  	[tilespmem:s26+$0x2400] =	vst v12;
	v5 =	vmul.f32 v5, v10;
	v63 =	vld [tilespmem:s26+$0x2470]  }
0xab: {  	[tilespmem:s26+$0x2410] =	vst v11;
	v4 =	vmul.f32 v4, v9  }
0xac: {  	[tilespmem:s26+$0x2420] =	vst v5;
	v3 =	vmul.f32 v3, v8  }
0xad: {  	[tilespmem:s26+$0x2430] =	vst v4;
	v2 =	vmul.f32 v2, v6  }
0xae: {  	[tilespmem:s26+$0x2440] =	vst v3;
	v1 =	vmul.f32 v1, v7  }
0xaf: {  	s9 =	sand.u32 $0x1, s20;
	[tilespmem:s26+$0x2450] =	vst v2;
	v0 =	vmul.f32 v0, v63  }
0xb0: {  	p1 =	seq.s32 s9, $0x1;
	s9 =	simm.s32 $0x380;
	[tilespmem:s26+$0x2460] =	vst v1  }
.Ltmp4:
0xb1: {  	s9 =	simm.s32 @!p1 $0x180;
	[tilespmem:s26+$0x2470] =	vst v0;
	(pc) =	sbr.rel @p0 .LBB2_8-.Ltmp4, $4  }
0xb2: {  	[spmem:s3] =	stream.indirect.scatter.add.f32 [tilespmem:s28], [sflag:$0x6], $0x80, s9, s24, $0xb8;
	[tilespmem:$0x1C400] =	vst v63  }
0xb3: {  	_ =	swait.ge [sflag:s19], $0x2000  }
0xb4: {  	[sflag:s19] =	ssyncset.done $0x0  }
0xb5: {  	[sflag:s19] =	ssyncadd.s32 $0xFFFFE000  }
0xb6: {  	s9 =	sadd.s32 $0x3, s23  }
0xb7: {  	s11 =	smulhi.u32 $0x66666667, s9;
	_ =	sdelay $0x1  }
0xb8: {  	s11 =	sshrl.u32 s11, $0x4  }
0xb9: {  	s12 =	smul.u32 $0xFFFFFFD8, s11;
	_ =	sdelay $0x1  }
0xba: {  	s12 =	sadd.s32 s9, s12  }
0xbb: {  	s13 =	smulhi.u32 $0x66666667, s12;
	s14 =	sshra.s32 s12, $0x1F  }
0xbc: {  	s16 =	smul.u32 $0x66666667, s14;
	_ =	sdelay $0x1  }
0xbd: {  	s13 =	sadd.s32 s16, s13  }
0xbe: {  	s16 =	sshrl.u32 s13, $0x1F;
	s13 =	sshra.s32 s13, $0x2  }
0xbf: {  	s13 =	sadd.s32 s16, s13  }
0xc0: {  	s13 =	sadd.s32 s14, s13  }
0xc1: {  	s14 =	smul.u32 $0x1FFF6, s13  }
0xc2: {  	s11 =	smul.u32 $0x50000, s11  }
0xc3: {  	s13 =	sshll.u32 s13, $0xA;
	s12 =	sadd.s32 s12, s14  }
0xc4: {  	s11 =	sadd.s32 s11, s13;
	s12 =	sshll.u32 s12, $0xF  }
0xc5: {  	s11 =	sadd.s32 s12, s11  }
.Ltmp5:
0xc6: {  	s9 =	sshll.u32 s9, $0x8;
	s11 =	sshrl.u32 s11, $0x3;
	(pc) =	sbr.rel .LBB2_2-.Ltmp5, $4  }
0xc7: {  	s9 =	sand.u32 $0x200, s9;
	s11 =	sadd.s32 s6, s11  }
0xc8: {  	[tilespmem:s25], [sflag:$0x5] =	stream.strided.gather [hbm4b:s11+s21], $0x2000, s22, s21, $0x38;
	[tilespmem:$0x1C400] =	vst v63  }
0xc9: {  	s20 =	sadd.s32 $0x1, s20;
	s9 =	sor.u32 $0x80, s9  }
0xca: {  	[tilespmem:s28], [sflag:$0x3] =	stream.indirect.gather [hbm4b:s1+s24], $0x80, s9, s24, $0xb8;
	[tilespmem:$0x1C400] =	vst v63  }
.LBB2_9:
0xcb: {  	_ =	sfence.sel $0x180000  }
0xcc: {  	[bflag:$0x0] =	sbarrier.arrive $0xFFFF  }
0xcd: {  	_ =	strace $0x90000047  }
0xce: {  	s0 =	stileid.u32;
	[bflag:$0x2] =	sbarrier.arrive $0xFFFF  }
0xcf: {  	p0 =	sne.s32 s0, $0x0;
	s0 =	rddreg [dreg:$0x3]  }
0xd0: {  	s0 =	sadd.s32 @!p0 $0x100000, s0  }
0xd1: {  	[sflag:s0] =	ssyncadd.tile.s32 @!p0 $0x1;
	_ =	shalt  }
.Lfunc_end2:
_tile_overlayer_lowered:
.L_overlay_start_2:
0xd2: {  	(tag) =	ssettag $0x2  }
0xd3: {  	s0 =	rddreg [dreg:$0x0];
	s2 =	stileid.u32  }
0xd4: {  	s1 =	rddreg [dreg:$0x1];
	p0 =	sne.s32 s2, $0x0  }
0xd5: {  	s3 =	rddreg [dreg:$0x2];
	[bflag:$0x3] =	sbarrier.arrive $0xFFFF;
	s2 =	simm.s32 @!p0 $0x1C06  }
0xd6: {  	[timem:s3], [sflag:s2] =	dma.local @!p0 [hbm:s0], s1  }
0xd7: {  	s0 =	simm.s32 @!p0 $0x6  }
0xd8: {  	_ =	swait.ge @!p0 [sflag:s0], s1  }
0xd9: {  	s1 =	ssub.s32 @!p0 $0x0, s1;
	[sflag:s0] =	ssyncset.done @!p0 $0x0  }
0xda: {  	[sflag:s0] =	ssyncadd.s32 @!p0 s1  }
0xdb: {  	[bflag:$0x3] =	sbarrier.arrive $0xFFFF  }
0xdc: {  	_ =	shalt  }

// kernel: kernel.8.cloned.1.call-start
scs
__scs_entry_jumppad:
0x0: {  	(pc) =	sbr.rel $0x88, $3  }
0x1: {  	(tag) =	ssettag $0x0;
	lr =	simm.s32 $0x1  }
0x2: {  	[smem:$0x3F97] =	sst lr;
	_ =	strace $0xD0000000  }
0x3: {  	_ = 	snop  }
0x4: {  	_ = 	snop  }
0x5: {  	_ = 	snop  }
0x6: {  	_ = 	snop  }
0x7: {  	_ = 	snop  }
__scs_overlays_trampoline_lowered:
0x8: {  	[smem:$0x3FA6] =	sst s0  }
0x9: {  	[smem:$0x3FA7] =	sst s1  }
0xa: {  	[smem:$0x3FA8] =	sst s2  }
0xb: {  	[smem:$0x3FA9] =	sst s3  }
0xc: {  	[smem:$0x3FAA] =	sst s4  }
0xd: {  	[smem:$0x3FAB] =	sst s5  }
0xe: {  	[smem:$0x3FAC] =	sst s6  }
0xf: {  	[smem:$0x3FAD] =	sst s7  }
0x10: {  	[smem:$0x3FAE] =	sst s8  }
0x11: {  	[smem:$0x3FAF] =	sst s9;
	s0 =	simm.s32 @!p0 $0x0  }
0x12: {  	s1 =	sld [smem:$0x3F95];
	s0 =	simm.s32 @p0 $0x1  }
0x13: {  	[smem:$0x3FB0] =	sst s0;
	s0 =	simm.s32 @!p1 $0x0  }
0x14: {  	s2 =	sld [smem:$0x3F94];
	s0 =	simm.s32 @p1 $0x1  }
0x15: {  	[smem:$0x3FB1] =	sst s0;
	s0 =	simm.s32 @!p2 $0x0  }
0x16: {  	s3 =	sld [smem:$0x3FDB];
	s0 =	simm.s32 @p2 $0x1  }
0x17: {  	s4 =	simm.s32 $0x1BF5;
	[smem:$0x3FB3] =	sst s0  }
0x18: {  	s0 =	sld [smem:$0x3F96];
	_ =	swait.ge [sflag:s4], $0x0  }
0x19: {  	s7 =	sld [smem:$0x3F97]  }
0x1a: {  	s8 =	sadd.s32 $0xFFFFE003, lr  }
0x1b: {  	s9 =	sadd.s32 $0xFFFFFEF7, lr;
	s5 =	simm.s32 $0xFFFFFFFF;
	p2 =	slt.u32 s8, $0xFFFFF086  }
0x1c: {  	p1 =	slt.u32 s9, $0xF7A;
	s5 =	simm.s32 @!p2 $0x0  }
0x1d: {  	s5 =	simm.s32 @p1 $0x1;
	p0 =	seq.s32 s7, s2  }
0x1e: {  	s7 =	smul.u32 @!p0 $0xF7A, s2;
	p2 =	seq.s32 @!p0 s5, $0x0  }
0x1f: {  	s9 =	smul.u32 $0xF7A, s1;
	s8 =	simm.s32 @!p0 $0x1BF5;
	p2 =	por !p2, p0  }
0x20: {  	[sflag:s8] =	ssyncset.s32 @!p0 $0xFFFFF086;
	s6 =	sadd.s32 @!p0 s3, s7;
	s7 =	simm.s32 @!p0 $0x108  }
0x21: {  	s3 =	sadd.s32 s3, s9;
	s6 =	sadd.s32 @!p0 $0x88, s6;
	s7 =	simm.s32 @p2 $0x1082  }
0x22: {  	[simem:s7], [sflag:s8] =	dma.local @!p0 [hbm:s6], $0xF7A  }
0x23: {  	s9 =	sor.u32 $0xD0000000, s2;
	s6 =	simm.s32 $0x108;
	_ =	swait.ge @!p0 [sflag:s8], $0x0  }
0x24: {  	s3 =	sadd.s32 $0x88, s3;
	s6 =	simm.s32 @!p1 $0x1082;
	[sflag:s4] =	ssyncset.s32 $0xFFFFF086  }
0x25: {  	[simem:s6], [sflag:s4] =	dma.local [hbm:s3], $0xF7A  }
0x26: {  	[smem:$0x3F97] =	sst s1;
	(tag) =	ssettag s2;
	_ =	strace s9  }
0x27: {  	s1 =	sld [smem:$0x3FA7]  }
0x28: {  	s2 =	sld [smem:$0x3FA8]  }
0x29: {  	s4 =	sld [smem:$0x3FAA]  }
0x2a: {  	p0 =	seq.s32 s5, $0x0;
	s5 =	sld [smem:$0x3FAB]  }
0x2b: {  	s6 =	sld [smem:$0x3FAC]  }
0x2c: {  	s7 =	sld [smem:$0x3FAD]  }
0x2d: {  	s3 =	simm.s32 $0x108;
	s8 =	sld [smem:$0x3FAE]  }
0x2e: {  	s3 =	simm.s32 @!p0 $0x1082;
	s9 =	sld [smem:$0x3FAF]  }
0x2f: {  	lr =	sadd.s32 s0, s3;
	s0 =	sld [smem:$0x3FA6]  }
0x30: {  	s3 =	sld [smem:$0x3FA9]  }
0x31: {  	[smem:$0x3FB2] =	sst s10  }
0x32: {  	s10 =	sld [smem:$0x3FB0];
	_ =	sdelay $0x3  }
0x33: {  	p0 =	seq.s32 s10, $0x1;
	s10 =	sld [smem:$0x3FB2];
	_ =	sdelay $0x3  }
0x34: {  	[smem:$0x3FB2] =	sst s10  }
0x35: {  	s10 =	sld [smem:$0x3FB1];
	_ =	sdelay $0x3  }
0x36: {  	p1 =	seq.s32 s10, $0x1;
	s10 =	sld [smem:$0x3FB2];
	_ =	sdelay $0x3  }
0x37: {  	[smem:$0x3FB2] =	sst s10  }
0x38: {  	s10 =	sld [smem:$0x3FB3]  }
0x39: {  	_ = 	snop;
	(pc) =	sbr.ind lr, $3  }
0x3a: {  	_ = 	snop  }
0x3b: {  	_ = 	snop  }
0x3c: {  	p2 =	seq.s32 s10, $0x1;
	s10 =	sld [smem:$0x3FB2]  }
0x3d: {  	_ =	shalt  }
0x3e: {  	_ =	shalt  }
0x3f: {  	_ =	shalt  }
0x40: {  	_ =	shalt  }
0x41: {  	_ =	shalt  }
0x42: {  	_ =	shalt  }
0x43: {  	_ =	shalt  }
0x44: {  	_ =	shalt  }
0x45: {  	_ =	shalt  }
0x46: {  	_ =	shalt  }
0x47: {  	_ =	shalt  }
0x48: {  	_ =	shalt  }
0x49: {  	_ =	shalt  }
0x4a: {  	_ =	shalt  }
0x4b: {  	_ =	shalt  }
0x4c: {  	_ =	shalt  }
0x4d: {  	_ =	shalt  }
0x4e: {  	_ =	shalt  }
0x4f: {  	_ =	shalt  }
0x50: {  	_ =	shalt  }
0x51: {  	_ =	shalt  }
0x52: {  	_ =	shalt  }
0x53: {  	_ =	shalt  }
0x54: {  	_ =	shalt  }
0x55: {  	_ =	shalt  }
0x56: {  	_ =	shalt  }
0x57: {  	_ =	shalt  }
0x58: {  	_ =	shalt  }
0x59: {  	_ =	shalt  }
0x5a: {  	_ =	shalt  }
0x5b: {  	_ =	shalt  }
0x5c: {  	_ =	shalt  }
0x5d: {  	_ =	shalt  }
0x5e: {  	_ =	shalt  }
0x5f: {  	_ =	shalt  }
0x60: {  	_ =	shalt  }
0x61: {  	_ =	shalt  }
0x62: {  	_ =	shalt  }
0x63: {  	_ =	shalt  }
0x64: {  	_ =	shalt  }
0x65: {  	_ =	shalt  }
0x66: {  	_ =	shalt  }
0x67: {  	_ =	shalt  }
0x68: {  	_ =	shalt  }
0x69: {  	_ =	shalt  }
0x6a: {  	_ =	shalt  }
0x6b: {  	_ =	shalt  }
0x6c: {  	_ =	shalt  }
0x6d: {  	_ =	shalt  }
0x6e: {  	_ =	shalt  }
0x6f: {  	_ =	shalt  }
0x70: {  	_ =	shalt  }
0x71: {  	_ =	shalt  }
0x72: {  	_ =	shalt  }
0x73: {  	_ =	shalt  }
0x74: {  	_ =	shalt  }
0x75: {  	_ =	shalt  }
0x76: {  	_ =	shalt  }
0x77: {  	_ =	shalt  }
0x78: {  	_ =	shalt  }
0x79: {  	_ =	shalt  }
0x7a: {  	_ =	shalt  }
0x7b: {  	_ =	shalt  }
0x7c: {  	_ =	shalt  }
0x7d: {  	_ =	shalt  }
0x7e: {  	_ =	shalt  }
0x7f: {  	_ =	shalt  }
0x80: {  	_ =	shalt  }
0x81: {  	_ =	shalt  }
0x82: {  	_ =	shalt  }
0x83: {  	_ =	shalt  }
0x84: {  	_ =	shalt  }
0x85: {  	_ =	shalt  }
0x86: {  	_ =	shalt  }
0x87: {  	_ =	shalt  }
.Lfunc_end0:
.L_simem_size_0:
called_computation_lowered:
.L_overlay_start_0:
0x88: {  	s2 =	sld [smem:$0x3FD9]  }
0x89: {  	s3 =	sld [smem:$0x3FFE];
	_ =	sdelay $0x1  }
0x8a: {  	s1 =	srdreg.scid  }
0x8b: {  	s0 =	sand.u32 $0x1, s1  }
0x8c: {  	s17 =	sshll.u32 s0, $0xA;
	s2 =	sadd.s32 s3, s2  }
0x8d: {  	s2 =	sadd.s32 s2, s17  }
0x8e: {  	[smem:$0x3FBE] =	sst s2  }
0x8f: {  	_ = 	snop  }
0x90: {  	s18 =	sld [smem:$0x3FD0];
	(tm) =	ssettm $0x1  }
0x91: {  	s19 =	sld [smem:$0x3FFB];
	_ =	sdelay $0x3  }
0x92: {  	_ =	strace s19  }
0x93: {  	s2 =	sld [smem:$0x3FFC];
	_ =	sdelay $0x3  }
0x94: {  	_ =	strace s2  }
0x95: {  	s2 =	sld [smem:$0x3FFD];
	_ =	sdelay $0x3  }
0x96: {  	_ =	strace s2  }
0x97: {  	_ =	strace $0x8FFFFFFF  }
0x98: {  	s20 =	sld [smem:$0x3FDB];
	_ =	sdelay $0x1  }
0x99: {  	s4 =	simm.s32 $_scs_section_size  }
0x9a: {  	s5 =	simm.s32 $_size__tile_overlayer_lowered;
	s6 =	simm.s32 $_tile_overlayer_lowered  }
0x9b: {  	s7 =	simm.s32 $0x1BFF;
	s21 =	sshll.u32 s6, $0x1;
	s4 =	sadd.s32 s4, s20  }
0x9c: {  	s22 =	simm.s32 $0x0;
	s5 =	sshll.u32 s5, $0x1;
	s6 =	sadd.s32 s21, s4  }
0x9d: {  	[timem:s22], [sflag:s7] =	dma.local [hbm:s6], s5  }
0x9e: {  	_ =	swait.ge [sflag:s7], s5  }
0x9f: {  	s5 =	ssub.s32 $0x0, s5;
	[sflag:s7] =	ssyncset.done $0x0  }
0xa0: {  	[sflag:s7] =	ssyncadd.s32 s5;
	_ =	sdelay $0x1  }
0xa1: {  	s23 =	simm.s32 $0x1B8B  }
0xa2: {  	_ =	swait.ge [sflag:s23], $0x1  }
0xa3: {  	[sflag:s23] =	ssyncset.done $0x0  }
0xa4: {  	[sflag:s23] =	ssyncadd.s32 $0xFFFFFFFF  }
0xa5: {  	s5 =	sld [smem:$0x0]  }
0xa6: {  	s6 =	sand.u32 $0xFFFFFFFE, s1  }
0xa7: {  	p0 =	sne.s32 s1, s6  }
0xa8: {  	s6 =	sshll.u32 @p0 s6, $0xE  }
0xa9: {  	s6 =	sadd.s32 @p0 $0x11B8D, s6;
	s7 =	sshll.u32 @p0 s5, $0x11  }
0xaa: {  	s6 =	sor.u32 @p0 s7, s6  }
0xab: {  	[sflag:s6] =	ssyncadd.remote.s32 @p0 $0x1;
	_ =	sdelay $0x1  }
0xac: {  	s6 =	simm.s32 @p0 $0x1B8D  }
0xad: {  	_ =	swait.eq @p0 [sflag:s6], $0x1  }
0xae: {  	[sflag:s6] =	ssyncadd.s32 @p0 $0xFFFFFFFF  }
0xaf: {  	s7 =	sshll.u32 @!p0 s1, $0xE  }
0xb0: {  	s7 =	sor.u32 @!p0 $0x4000, s7;
	s6 =	simm.s32 @!p0 $0x1B8D  }
0xb1: {  	s5 =	sshll.u32 @!p0 s5, $0x11;
	s7 =	sadd.s32 @!p0 $0x11B8D, s7;
	_ =	swait.eq @!p0 [sflag:s6], $0x1  }
0xb2: {  	s5 =	sor.u32 @!p0 s5, s7;
	[sflag:s6] =	ssyncadd.s32 @!p0 $0xFFFFFFFF  }
0xb3: {  	s25 =	simm.s32 $0x1B8E;
	s24 =	sld [smem:$0x3FFE];
	[sflag:s5] =	ssyncadd.remote.s32 @!p0 $0x1  }
0xb4: {  	s26 =	simm.s32 $execute0_lowered;
	[smem:$0x3FD2] =	sst s25  }
0xb5: {  	s6 =	sshll.u32 s26, $0x1;
	_ =	strace $0x80000049;
	[dreg:$0x1] =	wrdreg $0xFFFFFFFF  }
0xb6: {  	s28 =	simm.s32 $_size_execute0_lowered;
	s4 =	sadd.s32 s4, s6;
	[dreg:$0x0] =	wrdreg $0x0  }
0xb7: {  	s6 =	sshll.u32 s28, $0x1;
	[dreg:$0x2] =	wrdreg s4  }
0xb8: {  	[dreg:$0x3] =	wrdreg s6  }
0xb9: {  	[dreg:$0x4] =	wrdreg $0xC0  }
0xba: {  	_ =	task [dreg:s22], $0x5FFFF  }
0xbb: {  	[dreg:$0x1] =	wrdreg $0xFFFFFFFF  }
0xbc: {  	[dreg:$0x0] =	wrdreg $0x60  }
0xbd: {  	[dreg:$0x2] =	wrdreg s18  }
0xbe: {  	[dreg:$0x3] =	wrdreg s24  }
0xbf: {  	[dreg:$0x4] =	wrdreg $0x84000  }
0xc0: {  	[dreg:$0x5] =	wrdreg $0x9  }
0xc1: {  	_ =	task.clear_ibuf [dreg:s22], $0x6FFFF;
	_ =	strace $0x90000049  }
0xc2: {  	s29 =	simm.s32 $0x9;
	_ =	strace $0x8000004B  }
0xc3: {  	_ =	swait.ge [sflag:s29], $0x1  }
0xc4: {  	[sflag:s29] =	ssyncadd.s32 $0xFFFFFFFF  }
0xc5: {  	_ =	strace $0x9000004B  }
0xc6: {  	_ =	sfence  }
0xc7: {  	s30 =	sld [smem:$0x0];
	_ =	sdelay $0x2  }
0xc8: {  	s31 =	sshll.u32 s1, $0xD;
	s1 =	sshrl.u32 s1, $0x2  }
0xc9: {  	s4 =	sand.u32 $0x4000, s31;
	s1 =	sadd.s32 s1, s30  }
0xca: {  	s0 =	sor.u32 s4, s0;
	s1 =	sshll.u32 s1, $0x11  }
0xcb: {  	s0 =	sor.u32 s1, s0  }
0xcc: {  	s0 =	sadd.s32 $0x8F2B, s0  }
0xcd: {  	[sflag:s0] =	ssyncadd.remote.s32 $0x1  }
0xce: {  	_ =	sfence.sel $0xFFFF  }
0xcf: {  	[dreg:$0x0] =	wrdreg $0xFFFFFFFF;
	(pc) =	sbr.abs _section_cstart, $3  }
0xd0: {  	[dreg:$0x1] =	wrdreg $0xFFFFFFFF  }
0xd1: {  	_ =	task.clear_ibuf [dreg:s22], $0x2FFFF;
	_ =	strace $0x9FFFFFFF  }
0xd2: {  	(tm) =	ssettm $0x7FFFFFFF  }
0xd3: {  	_ =	shalt  }
tec
execute0_lowered:
.L_overlay_start_1:
0x0: {  	(tag) =	ssettag $0x1  }
0x1: {  	s1 =	rddreg [dreg:$0x0]  }
0x2: {  	s0 =	srdreg.scid;
	s9 =	rddreg [dreg:$0x1]  }
0x3: {  	s17 =	stileid.u32;
	s3 =	rddreg [dreg:$0x2]  }
0x4: {  	s5 =	simm.s32 $0x0;
	s28 =	simm.s32 $0x2400;
	s29 =	simm.s32 $0x4  }
0x5: {  	s30 =	simm.s32 $0x2;
	s31 =	simm.s32 $0x5;
	s0 =	sand.u32 $0x1, s0  }
0x6: {  	[smem:$0x7FF] =	sst s5;
	s8 =	smul.u32 $0x14000, s17;
	s7 =	sadd.s32 $0x1200, s9  }
0x7: {  	s16 =	smul.u32 $0x50000, s17;
	s20 =	sshll.u32 s17, $0x6;
	s2 =	sshll.u32 s0, $0x4  }
0x8: {  	_ =	strace $0x8000004A;
	s10 =	smul.u32 $0x140000, s0;
	s2 =	sor.u32 s17, s2  }
0x9: {  	s0 =	ssub.s32 $0x2, s0;
	s13 =	sshrl.u32 s8, $0x3;
	s4 =	smul.u32 $0x50, s2  }
0xa: {  	s25 =	sshrl.u32 s0, $0x1;
	s26 =	sshrl.u32 s16, $0x2;
	s6 =	smul.u32 $0xFFFFFFB0, s2  }
0xb: {  	s10 =	sadd.s32 s8, s10;
	s8 =	sadd.s32 $0xB200, s9;
	s16 =	smul.u32 $0xA0000, s2  }
0xc: {  	s13 =	sadd.s32 s13, s9;
	s0 =	ssub.s32 s0, s25;
	s19 =	smul.u32 $0x2800, s2  }
0xd: {  	s18 =	sadd.s32 s26, s3;
	s2 =	smul.u32 $0x14000, s2;
	s11 =	sadd.s32 s4, s6  }
0xe: {  	s10 =	sshrl.u32 s10, $0x3;
	s17 =	smax.u32 s0, $0x1;
	s12 =	sor.u32 $0x1, s11  }
0xf: {  	s18 =	sshrl.u32 s18, $0x3;
	s6 =	sadd.s32 $0xCD1200, s9;
	s14 =	smul.u32 $0x6667, s12  }
0x10: {  	s9 =	sadd.s32 s10, s9;
	s21 =	sshrl.u32 s19, $0x3;
	s11 =	sshra.s32 s11, $0x1F  }
0x11: {  	s22 =	sadd.s32 s7, s21;
	s15 =	sshrl.u32 s14, $0x1F;
	s14 =	sshra.s32 s14, $0x12  }
0x12: {  	s24 =	sadd.s32 s8, s21;
	[dreg:$0x5] =	wrdreg s22;
	s14 =	sadd.s32 s15, s14  }
0x13: {  	s2 =	sadd.s32 s6, s2;
	[dreg:$0x6] =	wrdreg s24;
	s11 =	sadd.s32 s14, s11  }
0x14: {  	s26 =	sadd.s32 $0x15200, s9;
	[dreg:$0x7] =	wrdreg s2;
	s14 =	smul.u32 $0x1FFF6, s11  }
0x15: {  	s0 =	simm.s32 $0x0;
	s21 =	simm.s32 $0x400;
	[dreg:$0x9] =	wrdreg s26  }
0x16: {  	s22 =	simm.s32 $0x1000;
	s11 =	sshll.u32 s11, $0xA;
	s12 =	sadd.s32 s12, s14  }
.Ltmp0:
0x17: {  	s10 =	sadd.s32 s16, s11;
	s12 =	sshll.u32 s12, $0xF;
	(pc) =	sbr.rel .LBB2_1-.Ltmp0, $4  }
0x18: {  	s24 =	simm.s32 $0x40;
	s15 =	sadd.s32 $0xC59200, s13;
	s12 =	sadd.s32 s12, s10  }
0x19: {  	s2 =	simm.s32 $0x3;
	[dreg:$0x4] =	wrdreg s15;
	s23 =	sshrl.u32 s12, $0x3  }
0x1a: {  	s15 =	sor.u32 $0x100, s19;
	s19 =	simm.s32 $0x6;
	s25 =	sadd.s32 s6, s23  }
0x1b: {  	s10 =	sor.u32 $0x1C06, s20;
	[dreg:$0x8] =	wrdreg s25;
	s25 =	simm.s32 $0x6400  }
.LBB2_8:
0x1c: {  	s0 =	sadd.s32 $0x1, s0  }
0x1d: {  	[bflag:$0x0] =	sbarrier.arrive $0xFFFF;
	p0 =	sne.s32 s0, s17  }
.Ltmp1:
0x1e: {  	s9 =	rddreg [dreg:$0x9];
	(pc) =	sbr.rel @!p0 .LBB2_9-.Ltmp1, $4  }
0x1f: {  	[hbm:s9], [sflag:s10] =	dma.local [spmem:s18], $0x2800  }
0x20: {  	_ =	swait.ge [sflag:s19], $0x2800  }
0x21: {  	[sflag:s19] =	ssyncset.done $0x0  }
0x22: {  	[sflag:s19] =	ssyncadd.s32 $0xFFFFD800  }
.LBB2_1:
0x23: {  	s9 =	rddreg [dreg:$0x4]  }
0x24: {  	[spmem:s18], [sflag:s10] =	dma.local [hbm:s9], $0x2800  }
0x25: {  	_ =	swait.ge [sflag:s19], $0x2800  }
0x26: {  	[sflag:s19] =	ssyncset.done $0x0  }
0x27: {  	[sflag:s19] =	ssyncadd.s32 $0xFFFFD800  }
0x28: {  	[bflag:$0x0] =	sbarrier.arrive $0xFFFF  }
0x29: {  	s13 =	rddreg [dreg:$0x5]  }
0x2a: {  	[tilespmem:s5], [sflag:$0x6] =	stream.linear.gather [hbm4b:s13+s5], $0x100, $0x38;
	[tilespmem:$0x1C400] =	vst v63  }
0x2b: {  	_ =	swait.ge [sflag:s19], $0x100  }
0x2c: {  	[sflag:s19] =	ssyncset.done $0x0  }
0x2d: {  	s11 =	simm.s32 $0x100;
	s14 =	rddreg [dreg:$0x6];
	[sflag:s19] =	ssyncadd.s32 $0xFFFFFF00  }
0x2e: {  	[tilespmem:s11], [sflag:$0x6] =	stream.linear.gather [hbm4b:s14+s5], $0x100, $0x38;
	[tilespmem:$0x1C400] =	vst v63  }
0x2f: {  	_ =	swait.ge [sflag:s19], $0x100  }
0x30: {  	[sflag:s19] =	ssyncset.done $0x0  }
0x31: {  	s20 =	simm.s32 $0x4400;
	s16 =	rddreg [dreg:$0x7];
	[sflag:s19] =	ssyncadd.s32 $0xFFFFFF00  }
0x32: {  	[tilespmem:s20], [sflag:$0x4] =	stream.strided.gather [hbm4b:s16+s21], $0x2000, s22, s21, $0x38;
	[tilespmem:$0x1C400] =	vst v63  }
0x33: {  	_ = 	snop  }
0x34: {  	[tilespmem:s21], [sflag:$0x2] =	stream.indirect.gather [hbm4b:s1+s24], $0x80, s5, s24, $0xb8;
	[tilespmem:$0x1C400] =	vst v63  }
0x35: {  	s23 =	rddreg [dreg:$0x8]  }
0x36: {  	[tilespmem:s25], [sflag:$0x5] =	stream.strided.gather [hbm4b:s23+s21], $0x2000, s22, s21, $0x38;
	[tilespmem:$0x1C400] =	vst v63  }
0x37: {  	s26 =	simm.s32 $0x80;
	s20 =	simm.s32 $0x0  }
0x38: {  	[tilespmem:s28], [sflag:$0x3] =	stream.indirect.gather [hbm4b:s1+s24], $0x80, s26, s24, $0xb8;
	[tilespmem:$0x1C400] =	vst v63  }
.LBB2_2:
0x39: {  	p0 =	seq.s32 s20, $0x27  }
0x3a: {  	s9 =	sshll.u32 @!p0 s20, $0x8  }
0x3b: {  	s23 =	sshll.u32 @!p0 s20, $0x9;
	s9 =	sadd.s32 @!p0 s9, s15  }
0x3c: {  	s23 =	sand.u32 @!p0 $0x200, s23;
	s9 =	sshrl.u32 @!p0 s9, $0x3  }
0x3d: {  	s12 =	simm.s32 @!p0 $0x0;
	s26 =	sxor.u32 @!p0 $0x200, s23;
	s11 =	sadd.s32 @!p0 s7, s9  }
0x3e: {  	[tilespmem:s26], [sflag:$0x1] =	stream.linear.gather @!p0 [hbm4b:s11+s12], $0x100, $0x38;
	[tilespmem:$0x1C400] =	vst v63  }
0x3f: {  	s9 =	sadd.s32 @!p0 s8, s9;
	s11 =	sxor.u32 @!p0 $0x300, s23  }
0x40: {  	[tilespmem:s11], [sflag:$0x1] =	stream.linear.gather @!p0 [hbm4b:s9+s12], $0x100, $0x38;
	[tilespmem:$0x1C400] =	vst v63  }
0x41: {  	_ =	swait.ge [sflag:s29], $0x2000  }
0x42: {  	[sflag:s29] =	ssyncset.done $0x0  }
0x43: {  	[sflag:s29] =	ssyncadd.s32 $0xFFFFE000  }
0x44: {  	_ =	swait.ge [sflag:s30], $0x2000  }
0x45: {  	[sflag:s30] =	ssyncset.done $0x0  }
0x46: {  	s26 =	simm.s32 $0x0;
	[sflag:s30] =	ssyncadd.s32 $0xFFFFE000  }
0x47: {  	v7 =	vld [tilespmem:s26+$0x4400]  }
0x48: {  	v11 =	vld [tilespmem:s26+$0x4410]  }
0x49: {  	v5 =	vld [tilespmem:s26+$0x4420]  }
0x4a: {  	v4 =	vld [tilespmem:s26+$0x4430]  }
0x4b: {  	v3 =	vld [tilespmem:s26+$0x4440]  }
0x4c: {  	v2 =	vld [tilespmem:s26+$0x4450]  }
0x4d: {  	v1 =	vld [tilespmem:s26+$0x4460]  }
0x4e: {  	v0 =	vld [tilespmem:s26+$0x4470]  }
0x4f: {  	v12 =	vld [tilespmem:s26+$0x400]  }
0x50: {  	v13 =	vld [tilespmem:s26+$0x410]  }
0x51: {  	v10 =	vld [tilespmem:s26+$0x420]  }
0x52: {  	v9 =	vld [tilespmem:s26+$0x430]  }
0x53: {  	v8 =	vld [tilespmem:s26+$0x440]  }
0x54: {  	s23 =	sshll.u32 s20, $0x1;
	v6 =	vld [tilespmem:s26+$0x450];
	v12 =	vmul.f32 v7, v12  }
0x55: {  	s23 =	sadd.s32 s4, s23;
	s9 =	simm.s32 $0x200;
	v11 =	vmul.f32 v11, v13;
	v7 =	vld [tilespmem:s26+$0x460]  }
.LBB2_3:
0x56: {  	s11 =	sshra.s32 s9, $0x2;
	p1 =	sne.s32 s9, $0x7E00;
	[tilespmem:s26+$0x400] =	vst v12;
	v5 =	vmul.f32 v5, v10;
	v10 =	vld [tilespmem:s26+$0x470]  }
0x57: {  	v12 =	vld [tilespmem:s11+$0x4400];
	[tilespmem:s26+$0x410] =	vst v11;
	v4 =	vmul.f32 v4, v9  }
0x58: {  	v11 =	vld [tilespmem:s11+$0x4410];
	[tilespmem:s26+$0x420] =	vst v5;
	v3 =	vmul.f32 v3, v8  }
0x59: {  	v5 =	vld [tilespmem:s11+$0x4420];
	[tilespmem:s26+$0x430] =	vst v4;
	v2 =	vmul.f32 v2, v6  }
0x5a: {  	v4 =	vld [tilespmem:s11+$0x4430];
	[tilespmem:s26+$0x440] =	vst v3;
	v1 =	vmul.f32 v1, v7  }
0x5b: {  	v3 =	vld [tilespmem:s11+$0x4440];
	[tilespmem:s26+$0x450] =	vst v2;
	v0 =	vmul.f32 v0, v10  }
0x5c: {  	v2 =	vld [tilespmem:s11+$0x4450];
	[tilespmem:s26+$0x460] =	vst v1  }
0x5d: {  	v1 =	vld [tilespmem:s11+$0x4460];
	[tilespmem:s26+$0x470] =	vst v0;
	s26 =	smov.u32 s11  }
0x5e: {  	v0 =	vld [tilespmem:s26+$0x4470]  }
0x5f: {  	v6 =	vld [tilespmem:s26+$0x400]  }
0x60: {  	v7 =	vld [tilespmem:s26+$0x410]  }
.Ltmp2:
0x61: {  	v10 =	vld [tilespmem:s26+$0x420];
	(pc) =	sbr.rel @p1 .LBB2_3-.Ltmp2, $4  }
0x62: {  	v9 =	vld [tilespmem:s26+$0x430]  }
0x63: {  	v8 =	vld [tilespmem:s26+$0x440]  }
0x64: {  	v12 =	vmul.f32 v12, v6;
	v6 =	vld [tilespmem:s26+$0x450]  }
0x65: {  	s9 =	sadd.s32 $0x200, s9;
	v11 =	vmul.f32 v11, v7;
	v7 =	vld [tilespmem:s26+$0x460]  }
0x66: {  	s9 =	sadd.s32 @!p0 $0x2, s23  }
0x67: {  	[tilespmem:s26+$0x400] =	vst v12;
	v5 =	vmul.f32 v5, v10;
	v10 =	vld [tilespmem:s26+$0x470];
	s11 =	smulhi.u32 @!p0 $0x66666667, s9  }
0x68: {  	[tilespmem:s26+$0x410] =	vst v11;
	v4 =	vmul.f32 v4, v9  }
0x69: {  	[tilespmem:s26+$0x420] =	vst v5;
	v3 =	vmul.f32 v3, v8;
	s11 =	sshrl.u32 @!p0 s11, $0x4  }
0x6a: {  	[tilespmem:s26+$0x430] =	vst v4;
	v2 =	vmul.f32 v2, v6;
	s12 =	smul.u32 @!p0 $0xFFFFFFD8, s11  }
0x6b: {  	[tilespmem:s26+$0x440] =	vst v3;
	v1 =	vmul.f32 v1, v7  }
0x6c: {  	s13 =	sshll.u32 s20, $0x9;
	[tilespmem:s26+$0x450] =	vst v2;
	v0 =	vmul.f32 v0, v10;
	s12 =	sadd.s32 @!p0 s9, s12  }
0x6d: {  	s13 =	sand.u32 $0x200, s13;
	[tilespmem:s26+$0x460] =	vst v1;
	s14 =	smulhi.u32 @!p0 $0x66666667, s12;
	s16 =	sshra.s32 @!p0 s12, $0x1F  }
0x6e: {  	s13 =	sor.u32 $0x100, s13;
	[tilespmem:s26+$0x470] =	vst v0;
	s16 =	smul.u32 @!p0 $0x66666667, s16  }
0x6f: {  	[spmem:s3] =	stream.indirect.scatter.add.f32 [tilespmem:s21], [sflag:$0x6], $0x80, s13, s24, $0xb8;
	[tilespmem:$0x1C400] =	vst v63  }
0x70: {  	s13 =	sadd.s32 @!p0 s16, s14  }
0x71: {  	_ =	swait.ge [sflag:s19], $0x2000;
	s14 =	sshrl.u32 @!p0 s13, $0x1F;
	s13 =	sshra.s32 @!p0 s13, $0x2  }
0x72: {  	[sflag:s19] =	ssyncset.done $0x0;
	s13 =	sadd.s32 @!p0 s14, s13  }
0x73: {  	s16 =	simm.s32 @!p0 $0x1;
	[sflag:s19] =	ssyncadd.s32 $0xFFFFE000;
	s14 =	smul.u32 @!p0 $0xFFFFFFF6, s13  }
0x74: {  	s26 =	ssub.s32 @!p0 $0x0, s12;
	_ =	swait.ge @!p0 [sflag:s16], $0x100  }
0x75: {  	p1 =	slt.s32 @!p0 s12, $0x1;
	[sflag:s16] =	ssyncset.done @!p0 $0x0;
	p2 =	sne.s32 @!p0 s14, s26  }
0x76: {  	[sflag:s16] =	ssyncadd.s32 @!p0 $0xFFFFFF00;
	p1 =	por @!p0 !p1, !p2  }
0x77: {  	_ =	swait.ge @!p0 [sflag:s16], $0x100;
	p1 =	por @!p0 !p1, !p1  }
0x78: {  	[sflag:s16] =	ssyncset.done @!p0 $0x0;
	p1 =	por !p1, p0  }
0x79: {  	[sflag:s16] =	ssyncadd.s32 @!p0 $0xFFFFFF00;
	s16 =	simm.s32 @p1 $0x0  }
0x7a: {  	s13 =	ssub.s32 @!p0 s13, s16  }
0x7b: {  	s14 =	smul.u32 @!p0 $0x1FFF6, s13  }
0x7c: {  	s11 =	smul.u32 @!p0 $0x50000, s11  }
0x7d: {  	s13 =	sshll.u32 @!p0 s13, $0xA;
	s12 =	sadd.s32 @!p0 s12, s14  }
0x7e: {  	s11 =	sadd.s32 @!p0 s11, s13;
	s12 =	sshll.u32 @!p0 s12, $0xF  }
0x7f: {  	s11 =	sadd.s32 @!p0 s12, s11  }
0x80: {  	s9 =	sshll.u32 @!p0 s9, $0x8;
	s13 =	simm.s32 @!p0 $0x1000;
	s11 =	sshrl.u32 @!p0 s11, $0x3  }
0x81: {  	s14 =	simm.s32 @!p0 $0x4400;
	s12 =	simm.s32 @!p0 $0x400;
	s11 =	sadd.s32 @!p0 s6, s11  }
0x82: {  	[tilespmem:s14], [sflag:$0x4] =	stream.strided.gather @!p0 [hbm4b:s11+s12], $0x2000, s13, s12, $0x38;
	[tilespmem:$0x1C400] =	vst v63  }
0x83: {  	s9 =	sand.u32 @!p0 $0x200, s9;
	s11 =	simm.s32 @!p0 $0x40  }
0x84: {  	[tilespmem:s12], [sflag:$0x2] =	stream.indirect.gather @!p0 [hbm4b:s1+s11], $0x80, s9, s11, $0xb8;
	[tilespmem:$0x1C400] =	vst v63  }
0x85: {  	_ =	swait.ge [sflag:s31], $0x2000  }
0x86: {  	[sflag:s31] =	ssyncset.done $0x0  }
0x87: {  	[sflag:s31] =	ssyncadd.s32 $0xFFFFE000  }
0x88: {  	_ =	swait.ge [sflag:s2], $0x2000  }
0x89: {  	[sflag:s2] =	ssyncset.done $0x0  }
0x8a: {  	s26 =	simm.s32 $0x0;
	[sflag:s2] =	ssyncadd.s32 $0xFFFFE000  }
0x8b: {  	v7 =	vld [tilespmem:s26+$0x6400]  }
0x8c: {  	v11 =	vld [tilespmem:s26+$0x6410]  }
0x8d: {  	v5 =	vld [tilespmem:s26+$0x6420]  }
0x8e: {  	v4 =	vld [tilespmem:s26+$0x6430]  }
0x8f: {  	v3 =	vld [tilespmem:s26+$0x6440]  }
0x90: {  	v2 =	vld [tilespmem:s26+$0x6450]  }
0x91: {  	v1 =	vld [tilespmem:s26+$0x6460]  }
0x92: {  	v0 =	vld [tilespmem:s26+$0x6470]  }
0x93: {  	v12 =	vld [tilespmem:s26+$0x2400]  }
0x94: {  	v13 =	vld [tilespmem:s26+$0x2410]  }
0x95: {  	v10 =	vld [tilespmem:s26+$0x2420]  }
0x96: {  	v9 =	vld [tilespmem:s26+$0x2430]  }
0x97: {  	v8 =	vld [tilespmem:s26+$0x2440]  }
0x98: {  	v6 =	vld [tilespmem:s26+$0x2450];
	v12 =	vmul.f32 v7, v12  }
0x99: {  	s9 =	simm.s32 $0x200;
	v11 =	vmul.f32 v11, v13;
	v7 =	vld [tilespmem:s26+$0x2460]  }
.LBB2_5:
0x9a: {  	s11 =	sshra.s32 s9, $0x2;
	p1 =	sne.s32 s9, $0x7E00;
	[tilespmem:s26+$0x2400] =	vst v12;
	v5 =	vmul.f32 v5, v10;
	v10 =	vld [tilespmem:s26+$0x2470]  }
0x9b: {  	v12 =	vld [tilespmem:s11+$0x6400];
	[tilespmem:s26+$0x2410] =	vst v11;
	v4 =	vmul.f32 v4, v9  }
0x9c: {  	v11 =	vld [tilespmem:s11+$0x6410];
	[tilespmem:s26+$0x2420] =	vst v5;
	v3 =	vmul.f32 v3, v8  }
0x9d: {  	v5 =	vld [tilespmem:s11+$0x6420];
	[tilespmem:s26+$0x2430] =	vst v4;
	v2 =	vmul.f32 v2, v6  }
0x9e: {  	v4 =	vld [tilespmem:s11+$0x6430];
	[tilespmem:s26+$0x2440] =	vst v3;
	v1 =	vmul.f32 v1, v7  }
0x9f: {  	v3 =	vld [tilespmem:s11+$0x6440];
	[tilespmem:s26+$0x2450] =	vst v2;
	v0 =	vmul.f32 v0, v10  }
0xa0: {  	v2 =	vld [tilespmem:s11+$0x6450];
	[tilespmem:s26+$0x2460] =	vst v1  }
0xa1: {  	v1 =	vld [tilespmem:s11+$0x6460];
	[tilespmem:s26+$0x2470] =	vst v0;
	s26 =	smov.u32 s11  }
0xa2: {  	v0 =	vld [tilespmem:s26+$0x6470]  }
0xa3: {  	v6 =	vld [tilespmem:s26+$0x2400]  }
0xa4: {  	v7 =	vld [tilespmem:s26+$0x2410]  }
.Ltmp3:
0xa5: {  	v10 =	vld [tilespmem:s26+$0x2420];
	(pc) =	sbr.rel @p1 .LBB2_5-.Ltmp3, $4  }
0xa6: {  	v9 =	vld [tilespmem:s26+$0x2430]  }
0xa7: {  	v8 =	vld [tilespmem:s26+$0x2440]  }
0xa8: {  	v12 =	vmul.f32 v12, v6;
	v6 =	vld [tilespmem:s26+$0x2450]  }
0xa9: {  	s9 =	sadd.s32 $0x200, s9;
	v11 =	vmul.f32 v11, v7;
	v7 =	vld [tilespmem:s26+$0x2460]  }
0xaa: {  	[tilespmem:s26+$0x2400] =	vst v12;
	v5 =	vmul.f32 v5, v10;
	v63 =	vld [tilespmem:s26+$0x2470]  }
0xab: {  	[tilespmem:s26+$0x2410] =	vst v11;
	v4 =	vmul.f32 v4, v9  }
0xac: {  	[tilespmem:s26+$0x2420] =	vst v5;
	v3 =	vmul.f32 v3, v8  }
0xad: {  	[tilespmem:s26+$0x2430] =	vst v4;
	v2 =	vmul.f32 v2, v6  }
0xae: {  	[tilespmem:s26+$0x2440] =	vst v3;
	v1 =	vmul.f32 v1, v7  }
0xaf: {  	s9 =	sand.u32 $0x1, s20;
	[tilespmem:s26+$0x2450] =	vst v2;
	v0 =	vmul.f32 v0, v63  }
0xb0: {  	p1 =	seq.s32 s9, $0x1;
	s9 =	simm.s32 $0x380;
	[tilespmem:s26+$0x2460] =	vst v1  }
.Ltmp4:
0xb1: {  	s9 =	simm.s32 @!p1 $0x180;
	[tilespmem:s26+$0x2470] =	vst v0;
	(pc) =	sbr.rel @p0 .LBB2_8-.Ltmp4, $4  }
0xb2: {  	[spmem:s3] =	stream.indirect.scatter.add.f32 [tilespmem:s28], [sflag:$0x6], $0x80, s9, s24, $0xb8;
	[tilespmem:$0x1C400] =	vst v63  }
0xb3: {  	_ =	swait.ge [sflag:s19], $0x2000  }
0xb4: {  	[sflag:s19] =	ssyncset.done $0x0  }
0xb5: {  	[sflag:s19] =	ssyncadd.s32 $0xFFFFE000  }
0xb6: {  	s9 =	sadd.s32 $0x3, s23  }
0xb7: {  	s11 =	smulhi.u32 $0x66666667, s9;
	_ =	sdelay $0x1  }
0xb8: {  	s11 =	sshrl.u32 s11, $0x4  }
0xb9: {  	s12 =	smul.u32 $0xFFFFFFD8, s11;
	_ =	sdelay $0x1  }
0xba: {  	s12 =	sadd.s32 s9, s12  }
0xbb: {  	s13 =	smulhi.u32 $0x66666667, s12;
	s14 =	sshra.s32 s12, $0x1F  }
0xbc: {  	s16 =	smul.u32 $0x66666667, s14;
	_ =	sdelay $0x1  }
0xbd: {  	s13 =	sadd.s32 s16, s13  }
0xbe: {  	s16 =	sshrl.u32 s13, $0x1F;
	s13 =	sshra.s32 s13, $0x2  }
0xbf: {  	s13 =	sadd.s32 s16, s13  }
0xc0: {  	s13 =	sadd.s32 s14, s13  }
0xc1: {  	s14 =	smul.u32 $0x1FFF6, s13  }
0xc2: {  	s11 =	smul.u32 $0x50000, s11  }
0xc3: {  	s13 =	sshll.u32 s13, $0xA;
	s12 =	sadd.s32 s12, s14  }
0xc4: {  	s11 =	sadd.s32 s11, s13;
	s12 =	sshll.u32 s12, $0xF  }
0xc5: {  	s11 =	sadd.s32 s12, s11  }
.Ltmp5:
0xc6: {  	s9 =	sshll.u32 s9, $0x8;
	s11 =	sshrl.u32 s11, $0x3;
	(pc) =	sbr.rel .LBB2_2-.Ltmp5, $4  }
0xc7: {  	s9 =	sand.u32 $0x200, s9;
	s11 =	sadd.s32 s6, s11  }
0xc8: {  	[tilespmem:s25], [sflag:$0x5] =	stream.strided.gather [hbm4b:s11+s21], $0x2000, s22, s21, $0x38;
	[tilespmem:$0x1C400] =	vst v63  }
0xc9: {  	s20 =	sadd.s32 $0x1, s20;
	s9 =	sor.u32 $0x80, s9  }
0xca: {  	[tilespmem:s28], [sflag:$0x3] =	stream.indirect.gather [hbm4b:s1+s24], $0x80, s9, s24, $0xb8;
	[tilespmem:$0x1C400] =	vst v63  }
.LBB2_9:
0xcb: {  	_ =	sfence.sel $0x180000  }
0xcc: {  	[bflag:$0x0] =	sbarrier.arrive $0xFFFF  }
0xcd: {  	_ =	strace $0x9000004A  }
0xce: {  	s0 =	stileid.u32;
	[bflag:$0x2] =	sbarrier.arrive $0xFFFF  }
0xcf: {  	p0 =	sne.s32 s0, $0x0;
	s0 =	rddreg [dreg:$0x3]  }
0xd0: {  	s0 =	sadd.s32 @!p0 $0x100000, s0  }
0xd1: {  	[sflag:s0] =	ssyncadd.tile.s32 @!p0 $0x1;
	_ =	shalt  }
.Lfunc_end2:
_tile_overlayer_lowered:
.L_overlay_start_2:
0xd2: {  	(tag) =	ssettag $0x2  }
0xd3: {  	s0 =	rddreg [dreg:$0x0];
	s2 =	stileid.u32  }
0xd4: {  	s1 =	rddreg [dreg:$0x1];
	p0 =	sne.s32 s2, $0x0  }
0xd5: {  	s3 =	rddreg [dreg:$0x2];
	[bflag:$0x3] =	sbarrier.arrive $0xFFFF;
	s2 =	simm.s32 @!p0 $0x1C06  }
0xd6: {  	[timem:s3], [sflag:s2] =	dma.local @!p0 [hbm:s0], s1  }
0xd7: {  	s0 =	simm.s32 @!p0 $0x6  }
0xd8: {  	_ =	swait.ge @!p0 [sflag:s0], s1  }
0xd9: {  	s1 =	ssub.s32 @!p0 $0x0, s1;
	[sflag:s0] =	ssyncset.done @!p0 $0x0  }
0xda: {  	[sflag:s0] =	ssyncadd.s32 @!p0 s1  }
0xdb: {  	[bflag:$0x3] =	sbarrier.arrive $0xFFFF  }
0xdc: {  	_ =	shalt  }

</sc_bundles>
